<compile_context>
chip_gen: v7x
topology: tpu7x:2x2x1
jax: 0.10.2.dev20260603
libtpu: 0.0.44.dev20260713+nightly
codegen_flags: <defaults>
</compile_context>

<pallas_src>
import functools

import jax
import jax.numpy as jnp
from jax import lax
from jax.experimental import pallas as pl
from jax.experimental.pallas import tpu as pltpu
from jax.experimental.pallas import tpu_sc as plsc

R_C = 5.0
EB = 2048
N_CHUNKS = 8
FB = 128
RSTG = 2048
CH_A = 1024


def _round_up(x, m):
    return (x + m - 1) // m * m


def _make_tgather(e_pad, n_nodes):
    epw = e_pad // 32
    nst = epw // CH_A

    @functools.partial(
        pl.kernel,
        out_type=jax.ShapeDtypeStruct((e_pad,), jnp.int32),
        mesh=plsc.VectorSubcoreMesh(core_axis_name="c", subcore_axis_name="s",
                                    num_cores=2, num_subcores=16),
        compiler_params=pltpu.CompilerParams(needs_layout_passes=False),
        scratch_types=[
            pltpu.VMEM((n_nodes,), jnp.int32),
            pltpu.VMEM((CH_A,), jnp.int32),
            pltpu.VMEM((CH_A,), jnp.int32),
            pltpu.SemaphoreType.DMA,
        ],
    )
    def tgather(col_hbm, types_hbm, t_hbm, types_v, col_v, out_v, sem):
        del sem
        wid = lax.axis_index("s") * 2 + lax.axis_index("c")
        base = wid * epw
        pltpu.sync_copy(types_hbm, types_v)

        def stage(st, _):
            pltpu.sync_copy(col_hbm.at[pl.ds(base + st * CH_A, CH_A)], col_v)

            def body(v, _):
                cv = col_v[pl.ds(v * 16, 16)]
                out_v[pl.ds(v * 16, 16)] = plsc.load_gather(types_v, [cv])
                return 0

            lax.fori_loop(0, CH_A // 16, body, 0)
            pltpu.sync_copy(out_v, t_hbm.at[pl.ds(base + st * CH_A, CH_A)])
            return 0

        lax.fori_loop(0, nst, stage, 0)

    return tgather


def _edge_body(d_ref, vx_ref, vy_ref, vz_ref, t_ref, te_ref, w1_ref, b1_ref,
               w2_ref, b2_ref, w3_ref, b3_ref, w4_ref, b4_ref, out_ref):
    dl = d_ref[0]
    d_safe = jnp.maximum(dl, 1e-8)
    scaled = dl * (1.0 / R_C)
    m = scaled < 1.0
    denom_safe = jnp.where(m, 1.0 - scaled * scaled, 1.0)
    envl = jnp.where(m, jnp.exp(1.0 - 1.0 / denom_safe), 0.0)
    s = envl / d_safe

    t = t_ref[0]
    ids = lax.broadcasted_iota(jnp.int32, (8, EB), 0)
    oh = (ids == t).astype(jnp.float32)
    xt = jnp.concatenate([s, oh], axis=0)
    x = lax.dot_general(xt, jnp.eye(9, dtype=jnp.float32),
                        (((0,), (0,)), ((), ())),
                        preferred_element_type=jnp.float32)

    t1 = jnp.dot(te_ref[...], w1_ref[1:17, :], preferred_element_type=jnp.float32)
    w19 = jnp.concatenate([w1_ref[0:1, :], t1], axis=0)
    h = jnp.tanh(jnp.dot(x, w19, preferred_element_type=jnp.float32) + b1_ref[...])
    h = jnp.tanh(jnp.dot(h, w2_ref[...], preferred_element_type=jnp.float32) + b2_ref[...])
    h = jnp.tanh(jnp.dot(h, w3_ref[...], preferred_element_type=jnp.float32) + b3_ref[...])
    g = jnp.dot(h, w4_ref[...], preferred_element_type=jnp.float32) + b4_ref[...]

    inv_d = 1.0 / d_safe
    rts = jnp.concatenate(
        [s, s * vx_ref[0] * inv_d, s * vy_ref[0] * inv_d, s * vz_ref[0] * inv_d],
        axis=0)
    rt = lax.dot_general(rts, jnp.eye(4, dtype=jnp.float32),
                         (((0,), (0,)), ((), ())),
                         preferred_element_type=jnp.float32)
    out_ref[...] = jnp.concatenate([g * rt[:, c:c + 1] for c in range(4)], axis=1)


def _make_permute(e_pad):
    ept = e_pad // 32
    nst = ept // CH_A

    @functools.partial(
        pl.kernel,
        out_type=tuple(jax.ShapeDtypeStruct((e_pad,), jnp.int32) if i == 0
                       else jax.ShapeDtypeStruct((e_pad,), jnp.float32)
                       for i in range(5)),
        mesh=plsc.VectorSubcoreMesh(core_axis_name="c", subcore_axis_name="s",
                                    num_cores=2, num_subcores=16),
        compiler_params=pltpu.CompilerParams(needs_layout_passes=False),
        scratch_types=[
            pltpu.VMEM((CH_A,), jnp.int32),
            pltpu.VMEM((CH_A,), jnp.int32),
            pltpu.VMEM((CH_A,), jnp.float32),
            pltpu.VMEM((CH_A,), jnp.float32),
            pltpu.VMEM((CH_A,), jnp.float32),
            pltpu.VMEM((CH_A,), jnp.float32),
            pltpu.SemaphoreType.DMA,
        ],
    )
    def permute(perm_hbm, t_hbm, d_hbm, vx_hbm, vy_hbm, vz_hbm,
                t_o, d_o, vx_o, vy_o, vz_o,
                idxv, tb, db, vxb, vyb, vzb, sem):
        wid = lax.axis_index("s") * 2 + lax.axis_index("c")
        base = wid * ept

        def st(i, _):
            off = base + i * CH_A
            pltpu.sync_copy(perm_hbm.at[pl.ds(off, CH_A)], idxv)
            hs = []
            for src, dst in ((t_hbm, tb), (d_hbm, db), (vx_hbm, vxb),
                             (vy_hbm, vyb), (vz_hbm, vzb)):
                for k in range(CH_A // 128):
                    hs.append(pltpu.async_copy(
                        src.at[idxv.at[pl.ds(k * 128, 128)]],
                        dst.at[pl.ds(k * 128, 128)], sem))
            for h in hs:
                h.wait()
            for buf, out in ((tb, t_o), (db, d_o), (vxb, vx_o),
                             (vyb, vy_o), (vzb, vz_o)):
                pltpu.sync_copy(buf, out.at[pl.ds(off, CH_A)])
            return 0

        lax.fori_loop(0, nst, st, 0)

    return permute


NBK = 128
CE = 1024


def _seg_body(starts_ref, feat_ref, rows_ref, o_ref, fb0, rb0, fb1, rb1,
              semf, semr):
    j = pl.program_id(0)
    s0 = starts_ref[j]
    s1 = starts_ref[j + 1]
    c0 = s0 // CE
    c1 = jnp.where(s1 > s0, (s1 + CE - 1) // CE, c0)
    n = c1 - c0
    o_ref[...] = jnp.zeros((NBK, 256), jnp.float32)

    def start(c, fb, rb):
        pltpu.make_async_copy(feat_ref.at[pl.ds(c * CE, CE), :], fb, semf).start()
        pltpu.make_async_copy(rows_ref.at[pl.ds(c * CE, CE), :], rb, semr).start()

    def finish(c, fb, rb):
        pltpu.make_async_copy(feat_ref.at[pl.ds(c * CE, CE), :], fb, semf).wait()
        pltpu.make_async_copy(rows_ref.at[pl.ds(c * CE, CE), :], rb, semr).wait()
        lr = rb[...] - j * NBK
        oh = (lr == lax.broadcasted_iota(jnp.int32, (CE, NBK), 1)
              ).astype(jnp.float32)
        o_ref[...] += lax.dot_general(oh, fb[...], (((0,), (0,)), ((), ())),
                                      preferred_element_type=jnp.float32)

    @pl.when(n > 0)
    def _():
        start(c0, fb0, rb0)

    def pair(p, _):
        i0 = c0 + 2 * p
        i1 = i0 + 1

        @pl.when(i1 < c1)
        def _():
            start(i1, fb1, rb1)

        finish(i0, fb0, rb0)

        @pl.when(i0 + 2 < c1)
        def _():
            start(i0 + 2, fb0, rb0)

        @pl.when(i1 < c1)
        def _():
            finish(i1, fb1, rb1)

        return 0

    lax.fori_loop(0, (n + 1) // 2, pair, 0)


def _inv_body(e_ref, r_ref, s_ref, o_ref):
    e = e_ref[...]
    rm = r_ref[...]
    sm = s_ref[...]
    acc = None
    for c in range(4):
        ec = e[:, c * 64:(c + 1) * 64]
        ac = e[:, c * 64:c * 64 + 16]
        term = (jnp.dot(ec, rm, preferred_element_type=jnp.float32) *
                jnp.dot(ac, sm, preferred_element_type=jnp.float32))
        acc = term if acc is None else acc + term
    o_ref[...] = acc


def kernel(edge_index, edge_length, edge_vec, num_atoms, types, type_emb,
           W1, b1, W2, b2, W3, b3, W4, b4):
    n_nodes = types.shape[0]
    n_edges = edge_length.shape[0]
    e_pad = _round_up(n_edges, 16 * EB)
    n_out = _round_up(n_nodes, 1024)
    pad = e_pad - n_edges

    row = jnp.pad(edge_index[0].astype(jnp.int32), (0, pad))
    col = jnp.pad(edge_index[1].astype(jnp.int32), (0, pad))
    d_p = jnp.pad(edge_length, (0, pad), constant_values=2.0 * R_C)
    vx = jnp.pad(edge_vec[:, 0], (0, pad))
    vy = jnp.pad(edge_vec[:, 1], (0, pad))
    vz = jnp.pad(edge_vec[:, 2], (0, pad))

    t = _make_tgather(e_pad, n_nodes)(col, types.astype(jnp.int32))

    iota_e = jnp.arange(e_pad, dtype=jnp.int32)
    row_s, perm = jax.lax.sort((row, iota_e), num_keys=1)
    t, d_p, vx, vy, vz = _make_permute(e_pad)(perm, t, d_p, vx, vy, vz)

    nb = e_pad // EB
    blk1 = lambda: pl.BlockSpec((1, 1, EB), lambda i: (i, 0, 0))
    full = lambda a, b: pl.BlockSpec((a, b), lambda i: (0, 0))
    feat = pl.pallas_call(
        _edge_body,
        grid=(nb,),
        in_specs=[blk1(), blk1(), blk1(), blk1(), blk1(),
                  full(8, 16), full(17, 64), full(1, 64), full(64, 64),
                  full(1, 64), full(64, 64), full(1, 64), full(64, 64),
                  full(1, 64)],
        out_specs=pl.BlockSpec((EB, 256), lambda i: (i, 0)),
        out_shape=jax.ShapeDtypeStruct((e_pad, 256), jnp.float32),
    )(d_p.reshape(nb, 1, EB), vx.reshape(nb, 1, EB), vy.reshape(nb, 1, EB),
      vz.reshape(nb, 1, EB), t.reshape(nb, 1, EB), type_emb, W1,
      b1.reshape(1, 64), W2, b2.reshape(1, 64), W3, b3.reshape(1, 64),
      W4, b4.reshape(1, 64))

    nblk = n_out // NBK
    bounds = jnp.arange(0, n_out + NBK, NBK, dtype=jnp.int32)
    starts = jnp.searchsorted(row_s, bounds, side="left").astype(jnp.int32)
    env2 = pl.pallas_call(
        _seg_body,
        grid=(nblk,),
        in_specs=[pl.BlockSpec(memory_space=pltpu.SMEM),
                  pl.BlockSpec(memory_space=pl.ANY),
                  pl.BlockSpec(memory_space=pl.ANY)],
        out_specs=pl.BlockSpec((NBK, 256), lambda i: (i, 0)),
        out_shape=jax.ShapeDtypeStruct((n_out, 256), jnp.float32),
        scratch_shapes=[pltpu.VMEM((CE, 256), jnp.float32),
                        pltpu.VMEM((CE, 1), jnp.int32),
                        pltpu.VMEM((CE, 256), jnp.float32),
                        pltpu.VMEM((CE, 1), jnp.int32),
                        pltpu.SemaphoreType.DMA,
                        pltpu.SemaphoreType.DMA],
    )(starts, feat, row_s.reshape(e_pad, 1))

    li = jnp.arange(1024, dtype=jnp.int32)[None, :]
    rm = (li // 16 == jnp.arange(64, dtype=jnp.int32)[:, None]).astype(jnp.float32)
    sm = (li % 16 == jnp.arange(16, dtype=jnp.int32)[:, None]).astype(jnp.float32)
    nbk = 512
    inv = pl.pallas_call(
        _inv_body,
        grid=(pl.cdiv(n_out, nbk),),
        in_specs=[pl.BlockSpec((nbk, 256), lambda i: (i, 0)),
                  pl.BlockSpec((64, 1024), lambda i: (0, 0)),
                  pl.BlockSpec((16, 1024), lambda i: (0, 0))],
        out_specs=pl.BlockSpec((nbk, 1024), lambda i: (i, 0)),
        out_shape=jax.ShapeDtypeStruct((n_out, 1024), jnp.float32),
    )(env2, rm, sm)
    return inv[:n_nodes]

# --- scband reference (transcript-rebuilt; emitter-appended) ---
"""Pipeline reference for scband-dpdescriptor-16819091931693 (READ-ONLY COPY).

The authoritative reference and input builder live on the scoring server;
editing this copy changes nothing except your own understanding.
"""

import jax, jax.numpy as jnp
import numpy as np

N_NODES = 50000
N_EDGES = 800000
NUM_TYPES = 8
TYPE_EMB_DIM = 16
EMBED_DIM = 64
AXIS_DIM = 16
R_C = 5.0
HIDDEN_DIMS = (64, 64, 64)


def _init_linear(key, fan_in, fan_out):
    kw, kb = jax.random.split(key)
    bound = 1.0 / np.sqrt(fan_in)
    W = jax.random.uniform(kw, (fan_in, fan_out), minval=-bound, maxval=bound, dtype=jnp.float32)
    b = jax.random.uniform(kb, (fan_out,), minval=-bound, maxval=bound, dtype=jnp.float32)
    return W, b


def setup_inputs(seed: int = 0) -> dict:
    key = jax.random.key(seed)
    ks = jax.random.split(key, 12)
    edge_index = jax.random.randint(ks[0], (2, N_EDGES), 0, N_NODES, dtype=jnp.int64 if jax.config.jax_enable_x64 else jnp.int32)
    edge_length = jax.random.uniform(ks[1], (N_EDGES,), dtype=jnp.float32)
    edge_vec = jax.random.normal(ks[2], (N_EDGES, 3), dtype=jnp.float32)
    types = jax.random.randint(ks[3], (N_NODES,), 0, NUM_TYPES)
    type_emb = jax.random.normal(ks[4], (NUM_TYPES, TYPE_EMB_DIM), dtype=jnp.float32)
    dims = [1 + TYPE_EMB_DIM] + list(HIDDEN_DIMS) + [EMBED_DIM]
    W1, b1 = _init_linear(ks[5], dims[0], dims[1])
    W2, b2 = _init_linear(ks[6], dims[1], dims[2])
    W3, b3 = _init_linear(ks[7], dims[2], dims[3])
    W4, b4 = _init_linear(ks[8], dims[3], dims[4])
    return {
        'edge_index': edge_index,
        'edge_length': edge_length,
        'edge_vec': edge_vec,
        'num_atoms': N_NODES,
        'types': types,
        'type_emb': type_emb,
        'W1': W1, 'b1': b1, 'W2': W2, 'b2': b2,
        'W3': W3, 'b3': b3, 'W4': W4, 'b4': b4,
    }


def _envelope(distances):
    scaled = distances / R_C
    mask = scaled < 1.0
    denom = 1.0 - jnp.square(scaled)
    denom_safe = jnp.where(mask, denom, 1.0)
    return jnp.where(mask, jnp.exp(1.0 - 1.0 / denom_safe), 0.0)


def reference(edge_index, edge_length, edge_vec, num_atoms, types, type_emb,
              W1, b1, W2, b2, W3, b3, W4, b4):
    n_atoms_static = types.shape[0]
    row = edge_index[0] + (num_atoms - num_atoms)
    col = edge_index[1]
    d_safe = jnp.clip(edge_length, 1e-08, None)
    s_rij = (1.0 / d_safe) * _envelope(edge_length)
    neighbor_type_emb = type_emb[types[col]]
    h = jnp.concatenate([s_rij[:, None], neighbor_type_emb], axis=-1)
    h = jnp.tanh(h @ W1 + b1)
    h = jnp.tanh(h @ W2 + b2)
    h = jnp.tanh(h @ W3 + b3)
    g_rij = h @ W4 + b4
    direction = edge_vec / d_safe[:, None]
    r_tilde = jnp.concatenate([s_rij[:, None], s_rij[:, None] * direction], axis=-1)
    edge_feature = g_rij[:, :, None] * r_tilde[:, None, :]
    flat = edge_feature.reshape(edge_feature.shape[0], -1)
    env_flat = jax.ops.segment_sum(flat, row, num_segments=n_atoms_static)
    env_mat = env_flat.reshape(n_atoms_static, EMBED_DIM, 4)
    axis_mat = env_mat[:, :AXIS_DIM, :]
    invariant = jnp.einsum('nmd,nad->nma', env_mat, axis_mat)
    return invariant.reshape(n_atoms_static, -1)

if __name__ == "__main__":
    import jax
    _d = setup_inputs()
    print(jax.jit(kernel)(*tuple(_d.values())))

</pallas_src>

<mosaic_0001>
#map = affine_map<(d0, d1) -> (0)>
module attributes {stable_mosaic.version = 14 : i64} {
  func.func @tgather(%arg0: i32, %arg1: i32, %arg2: memref<819200xi32, #tpu.memory_space<hbm>>, %arg3: memref<50000xi32, #tpu.memory_space<hbm>>, %arg4: memref<819200xi32, #tpu.memory_space<hbm>>, %arg5: memref<50000xi32, #tpu.memory_space<vmem>>, %arg6: memref<1024xi32, #tpu.memory_space<vmem>>, %arg7: memref<1024xi32, #tpu.memory_space<vmem>>, %arg8: memref<!tpu.dma_semaphore, #tpu.memory_space<semaphore_mem>>) attributes {dimension_semantics = [#tpu.dimension_semantics<core_parallel>, #tpu.dimension_semantics<subcore_parallel>], iteration_bounds = array<i64: 2, 16>, scalar_prefetch = 0 : i64, scratch_operands = 4 : i64, tpu.core_type = #tpu.core_type<sc_vector_subcore>, window_params = [{transform_indices = #map}, {transform_indices = #map}, {transform_indices = #map}]} {
    %mul3A = arith.constant 2 : i32
    %mul3A_0 = arith.muli %arg1, %mul3A : i32
    %add3A = arith.addi %mul3A_0, %arg0 : i32
    %mul3A_1 = arith.constant 25600 : i32
    %mul3A_2 = arith.muli %add3A, %mul3A_1 : i32
    "tpu.region"() ({
      %run_scoped3A = tpu.sem_alloc : memref<!tpu.dma_semaphore, #tpu.memory_space<semaphore_mem>>
      tpu.enqueue_dma source(%arg3 : memref<50000xi32, #tpu.memory_space<hbm>>) target(%arg5 : memref<50000xi32, #tpu.memory_space<vmem>>) target_semaphore(%run_scoped3A : memref<!tpu.dma_semaphore, #tpu.memory_space<semaphore_mem>>)
      tpu.wait_dma2 semaphore(%run_scoped3A : memref<!tpu.dma_semaphore, #tpu.memory_space<semaphore_mem>>) src(%arg3 : memref<50000xi32, #tpu.memory_space<hbm>>) dst(%arg5 : memref<50000xi32, #tpu.memory_space<vmem>>)
      tpu.yield
    }) : () -> ()
    %scan3A = arith.constant 0 : i32
    %scan3A_3 = arith.constant 0 : i32
    %scan3A_4 = arith.constant 25 : i32
    %scan3A_5 = arith.addi %scan3A_3, %scan3A_4 : i32
    %scan3A_6 = arith.constant 1 : i32
    %scan3A_7 = scf.for %scan3A_9 = %scan3A_3 to %scan3A_5 step %scan3A_6 iter_args(%scan3A_10 = %scan3A) -> (i32)  : i32 {
      %mul3A_11 = arith.constant 1024 : i32
      %mul3A_12 = arith.muli %scan3A_9, %mul3A_11 : i32
      %add3A_13 = arith.addi %mul3A_2, %mul3A_12 : i32
      "tpu.region"() ({
        %run_scoped3A = tpu.sem_alloc : memref<!tpu.dma_semaphore, #tpu.memory_space<semaphore_mem>>
        %dma_start3A = tpu.memref_slice %arg2[%add3A_13] : memref<819200xi32, #tpu.memory_space<hbm>> -> memref<1024xi32, #tpu.memory_space<hbm>>
        %dma_start3A_25 = tpu.memref_slice %arg2[%add3A_13] : memref<819200xi32, #tpu.memory_space<hbm>> -> memref<1024xi32, #tpu.memory_space<hbm>>
        tpu.enqueue_dma source(%dma_start3A_25 : memref<1024xi32, #tpu.memory_space<hbm>>) target(%arg6 : memref<1024xi32, #tpu.memory_space<vmem>>) target_semaphore(%run_scoped3A : memref<!tpu.dma_semaphore, #tpu.memory_space<semaphore_mem>>)
        %dma_wait3A = tpu.memref_slice %arg2[%add3A_13] : memref<819200xi32, #tpu.memory_space<hbm>> -> memref<1024xi32, #tpu.memory_space<hbm>>
        %dma_wait3A_26 = tpu.memref_slice %arg2[%add3A_13] : memref<819200xi32, #tpu.memory_space<hbm>> -> memref<1024xi32, #tpu.memory_space<hbm>>
        tpu.wait_dma2 semaphore(%run_scoped3A : memref<!tpu.dma_semaphore, #tpu.memory_space<semaphore_mem>>) src(%dma_wait3A_26 : memref<1024xi32, #tpu.memory_space<hbm>>) dst(%arg6 : memref<1024xi32, #tpu.memory_space<vmem>>)
        tpu.yield
      }) : () -> ()
      %scan3A_14 = arith.constant 0 : i32
      %scan3A_15 = arith.constant 0 : i32
      %scan3A_16 = arith.constant 64 : i32
      %scan3A_17 = arith.addi %scan3A_15, %scan3A_16 : i32
      %scan3A_18 = arith.constant 1 : i32
      %scan3A_19 = scf.for %scan3A_25 = %scan3A_15 to %scan3A_17 step %scan3A_18 iter_args(%scan3A_26 = %scan3A_14) -> (i32)  : i32 {
        %mul3A_27 = arith.constant 16 : i32
        %mul3A_28 = arith.muli %scan3A_25, %mul3A_27 : i32
        %get3A = arith.index_cast %mul3A_28 : i32 to index
        %get3A_29 = tpu.vector_load %arg6[%get3A] {strides = array<i32>} : memref<1024xi32, #tpu.memory_space<vmem>>, vector<16xi32>,
        %gather3A = tpu.vector_load_idx %arg5[%get3A_29] : memref<50000xi32, #tpu.memory_space<vmem>>[vector<16xi32>], vector<16xi32>,
        %mul3A_30 = arith.constant 16 : i32
        %mul3A_31 = arith.muli %scan3A_25, %mul3A_30 : i32
        %swap3A = arith.index_cast %mul3A_31 : i32 to index
        %swap3A_32 = tpu.vector_load %arg7[%swap3A] {strides = array<i32>} : memref<1024xi32, #tpu.memory_space<vmem>>, vector<16xi32>,
        tpu.vector_store %arg7[%swap3A], %gather3A {strides = array<i32>} : memref<1024xi32, #tpu.memory_space<vmem>>, vector<16xi32>,
        %scan3A_33 = arith.constant 0 : i32
        scf.yield %scan3A_33 : i32
      }
      %scan3A_20 = arith.constant 64 : i32
      %mul3A_21 = arith.constant 1024 : i32
      %mul3A_22 = arith.muli %scan3A_9, %mul3A_21 : i32
      %add3A_23 = arith.addi %mul3A_2, %mul3A_22 : i32
      "tpu.region"() ({
        %run_scoped3A = tpu.sem_alloc : memref<!tpu.dma_semaphore, #tpu.memory_space<semaphore_mem>>
        %dma_start3A = tpu.memref_slice %arg4[%add3A_23] : memref<819200xi32, #tpu.memory_space<hbm>> -> memref<1024xi32, #tpu.memory_space<hbm>>
        %dma_start3A_25 = tpu.memref_slice %arg4[%add3A_23] : memref<819200xi32, #tpu.memory_space<hbm>> -> memref<1024xi32, #tpu.memory_space<hbm>>
        tpu.enqueue_dma source(%arg7 : memref<1024xi32, #tpu.memory_space<vmem>>) target(%dma_start3A_25 : memref<1024xi32, #tpu.memory_space<hbm>>) target_semaphore(%run_scoped3A : memref<!tpu.dma_semaphore, #tpu.memory_space<semaphore_mem>>)
        %dma_wait3A = tpu.memref_slice %arg4[%add3A_23] : memref<819200xi32, #tpu.memory_space<hbm>> -> memref<1024xi32, #tpu.memory_space<hbm>>
        %dma_wait3A_26 = tpu.memref_slice %arg4[%add3A_23] : memref<819200xi32, #tpu.memory_space<hbm>> -> memref<1024xi32, #tpu.memory_space<hbm>>
        tpu.wait_dma2 semaphore(%run_scoped3A : memref<!tpu.dma_semaphore, #tpu.memory_space<semaphore_mem>>) src(%arg7 : memref<1024xi32, #tpu.memory_space<vmem>>) dst(%dma_wait3A_26 : memref<1024xi32, #tpu.memory_space<hbm>>)
        tpu.yield
      }) : () -> ()
      %scan3A_24 = arith.constant 0 : i32
      scf.yield %scan3A_24 : i32
    }
    %scan3A_8 = arith.constant 25 : i32
    return
  }
}

#map = affine_map<(d0, d1) -> (0)>
module attributes {stable_mosaic.version = 14 : i64} {
  func.func @permute(%arg0: i32, %arg1: i32, %arg2: memref<819200xi32, #tpu.memory_space<hbm>>, %arg3: memref<819200xi32, #tpu.memory_space<hbm>>, %arg4: memref<819200xf32, #tpu.memory_space<hbm>>, %arg5: memref<819200xf32, #tpu.memory_space<hbm>>, %arg6: memref<819200xf32, #tpu.memory_space<hbm>>, %arg7: memref<819200xf32, #tpu.memory_space<hbm>>, %arg8: memref<819200xi32, #tpu.memory_space<hbm>>, %arg9: memref<819200xf32, #tpu.memory_space<hbm>>, %arg10: memref<819200xf32, #tpu.memory_space<hbm>>, %arg11: memref<819200xf32, #tpu.memory_space<hbm>>, %arg12: memref<819200xf32, #tpu.memory_space<hbm>>, %arg13: memref<1024xi32, #tpu.memory_space<vmem>>, %arg14: memref<1024xi32, #tpu.memory_space<vmem>>, %arg15: memref<1024xf32, #tpu.memory_space<vmem>>, %arg16: memref<1024xf32, #tpu.memory_space<vmem>>, %arg17: memref<1024xf32, #tpu.memory_space<vmem>>, %arg18: memref<1024xf32, #tpu.memory_space<vmem>>, %arg19: memref<!tpu.dma_semaphore, #tpu.memory_space<semaphore_mem>>) attributes {dimension_semantics = [#tpu.dimension_semantics<core_parallel>, #tpu.dimension_semantics<subcore_parallel>], iteration_bounds = array<i64: 2, 16>, scalar_prefetch = 0 : i64, scratch_operands = 7 : i64, tpu.core_type = #tpu.core_type<sc_vector_subcore>, window_params = [{transform_indices = #map}, {transform_indices = #map}, {transform_indices = #map}, {transform_indices = #map}, {transform_indices = #map}, {transform_indices = #map}, {transform_indices = #map}, {transform_indices = #map}, {transform_indices = #map}, {transform_indices = #map}, {transform_indices = #map}]} {
    %mul3A = arith.constant 2 : i32
    %mul3A_0 = arith.muli %arg1, %mul3A : i32
    %add3A = arith.addi %mul3A_0, %arg0 : i32
    %mul3A_1 = arith.constant 25600 : i32
    %mul3A_2 = arith.muli %add3A, %mul3A_1 : i32
    %scan3A = arith.constant 0 : i32
    %scan3A_3 = arith.constant 0 : i32
    %scan3A_4 = arith.constant 25 : i32
    %scan3A_5 = arith.addi %scan3A_3, %scan3A_4 : i32
    %scan3A_6 = arith.constant 1 : i32
    %scan3A_7 = scf.for %scan3A_9 = %scan3A_3 to %scan3A_5 step %scan3A_6 iter_args(%scan3A_10 = %scan3A) -> (i32)  : i32 {
      %mul3A_11 = arith.constant 1024 : i32
      %mul3A_12 = arith.muli %scan3A_9, %mul3A_11 : i32
      %add3A_13 = arith.addi %mul3A_2, %mul3A_12 : i32
      "tpu.region"() ({
        %run_scoped3A = tpu.sem_alloc : memref<!tpu.dma_semaphore, #tpu.memory_space<semaphore_mem>>
        %dma_start3A_493 = tpu.memref_slice %arg2[%add3A_13] : memref<819200xi32, #tpu.memory_space<hbm>> -> memref<1024xi32, #tpu.memory_space<hbm>>
        %dma_start3A_494 = tpu.memref_slice %arg2[%add3A_13] : memref<819200xi32, #tpu.memory_space<hbm>> -> memref<1024xi32, #tpu.memory_space<hbm>>
        tpu.enqueue_dma source(%dma_start3A_494 : memref<1024xi32, #tpu.memory_space<hbm>>) target(%arg13 : memref<1024xi32, #tpu.memory_space<vmem>>) target_semaphore(%run_scoped3A : memref<!tpu.dma_semaphore, #tpu.memory_space<semaphore_mem>>)
        %dma_wait3A_495 = tpu.memref_slice %arg2[%add3A_13] : memref<819200xi32, #tpu.memory_space<hbm>> -> memref<1024xi32, #tpu.memory_space<hbm>>
        %dma_wait3A_496 = tpu.memref_slice %arg2[%add3A_13] : memref<819200xi32, #tpu.memory_space<hbm>> -> memref<1024xi32, #tpu.memory_space<hbm>>
        tpu.wait_dma2 semaphore(%run_scoped3A : memref<!tpu.dma_semaphore, #tpu.memory_space<semaphore_mem>>) src(%dma_wait3A_496 : memref<1024xi32, #tpu.memory_space<hbm>>) dst(%arg13 : memref<1024xi32, #tpu.memory_space<vmem>>)
        tpu.yield
      }) : () -> ()
      %dma_start3A = arith.constant 0 : i32
      %dma_start3A_14 = tpu.memref_slice %arg14[%dma_start3A] : memref<1024xi32, #tpu.memory_space<vmem>> -> memref<128xi32, #tpu.memory_space<vmem>>
      %dma_start3A_15 = arith.constant 0 : i32
      %dma_start3A_16 = tpu.memref_slice %arg13[%dma_start3A_15] : memref<1024xi32, #tpu.memory_space<vmem>> -> memref<128xi32, #tpu.memory_space<vmem>>
      %dma_start3A_17 = arith.constant 0 : i32
      %dma_start3A_18 = tpu.memref_slice %arg3[%dma_start3A_17] : memref<819200xi32, #tpu.memory_space<hbm>> -> memref<819200xi32, #tpu.memory_space<hbm>>
      tpu.enqueue_indirect_dma source(%dma_start3A_18 : memref<819200xi32, #tpu.memory_space<hbm>>) target(%dma_start3A_14 : memref<128xi32, #tpu.memory_space<vmem>>) offsets(%dma_start3A_16 : memref<128xi32, #tpu.memory_space<vmem>>) semaphore(%arg19 : memref<!tpu.dma_semaphore, #tpu.memory_space<semaphore_mem>>)
      %dma_start3A_19 = arith.constant 128 : i32
      %dma_start3A_20 = tpu.memref_slice %arg14[%dma_start3A_19] : memref<1024xi32, #tpu.memory_space<vmem>> -> memref<128xi32, #tpu.memory_space<vmem>>
      %dma_start3A_21 = arith.constant 128 : i32
      %dma_start3A_22 = tpu.memref_slice %arg13[%dma_start3A_21] : memref<1024xi32, #tpu.memory_space<vmem>> -> memref<128xi32, #tpu.memory_space<vmem>>
      %dma_start3A_23 = arith.constant 0 : i32
      %dma_start3A_24 = tpu.memref_slice %arg3[%dma_start3A_23] : memref<819200xi32, #tpu.memory_space<hbm>> -> memref<819200xi32, #tpu.memory_space<hbm>>
      tpu.enqueue_indirect_dma source(%dma_start3A_24 : memref<819200xi32, #tpu.memory_space<hbm>>) target(%dma_start3A_20 : memref<128xi32, #tpu.memory_space<vmem>>) offsets(%dma_start3A_22 : memref<128xi32, #tpu.memory_space<vmem>>) semaphore(%arg19 : memref<!tpu.dma_semaphore, #tpu.memory_space<semaphore_mem>>)
      %dma_start3A_25 = arith.constant 256 : i32
      %dma_start3A_26 = tpu.memref_slice %arg14[%dma_start3A_25] : memref<1024xi32, #tpu.memory_space<vmem>> -> memref<128xi32, #tpu.memory_space<vmem>>
      %dma_start3A_27 = arith.constant 256 : i32
      %dma_start3A_28 = tpu.memref_slice %arg13[%dma_start3A_27] : memref<1024xi32, #tpu.memory_space<vmem>> -> memref<128xi32, #tpu.memory_space<vmem>>
      %dma_start3A_29 = arith.constant 0 : i32
      %dma_start3A_30 = tpu.memref_slice %arg3[%dma_start3A_29] : memref<819200xi32, #tpu.memory_space<hbm>> -> memref<819200xi32, #tpu.memory_space<hbm>>
      tpu.enqueue_indirect_dma source(%dma_start3A_30 : memref<819200xi32, #tpu.memory_space<hbm>>) target(%dma_start3A_26 : memref<128xi32, #tpu.memory_space<vmem>>) offsets(%dma_start3A_28 : memref<128xi32, #tpu.memory_space<vmem>>) semaphore(%arg19 : memref<!tpu.dma_semaphore, #tpu.memory_space<semaphore_mem>>)
      %dma_start3A_31 = arith.constant 384 : i32
      %dma_start3A_32 = tpu.memref_slice %arg14[%dma_start3A_31] : memref<1024xi32, #tpu.memory_space<vmem>> -> memref<128xi32, #tpu.memory_space<vmem>>
      %dma_start3A_33 = arith.constant 384 : i32
      %dma_start3A_34 = tpu.memref_slice %arg13[%dma_start3A_33] : memref<1024xi32, #tpu.memory_space<vmem>> -> memref<128xi32, #tpu.memory_space<vmem>>
      %dma_start3A_35 = arith.constant 0 : i32
      %dma_start3A_36 = tpu.memref_slice %arg3[%dma_start3A_35] : memref<819200xi32, #tpu.memory_space<hbm>> -> memref<819200xi32, #tpu.memory_space<hbm>>
      tpu.enqueue_indirect_dma source(%dma_start3A_36 : memref<819200xi32, #tpu.memory_space<hbm>>) target(%dma_start3A_32 : memref<128xi32, #tpu.memory_space<vmem>>) offsets(%dma_start3A_34 : memref<128xi32, #tpu.memory_space<vmem>>) semaphore(%arg19 : memref<!tpu.dma_semaphore, #tpu.memory_space<semaphore_mem>>)
      %dma_start3A_37 = arith.constant 512 : i32
      %dma_start3A_38 = tpu.memref_slice %arg14[%dma_start3A_37] : memref<1024xi32, #tpu.memory_space<vmem>> -> memref<128xi32, #tpu.memory_space<vmem>>
      %dma_start3A_39 = arith.constant 512 : i32
      %dma_start3A_40 = tpu.memref_slice %arg13[%dma_start3A_39] : memref<1024xi32, #tpu.memory_space<vmem>> -> memref<128xi32, #tpu.memory_space<vmem>>
      %dma_start3A_41 = arith.constant 0 : i32
      %dma_start3A_42 = tpu.memref_slice %arg3[%dma_start3A_41] : memref<819200xi32, #tpu.memory_space<hbm>> -> memref<819200xi32, #tpu.memory_space<hbm>>
      tpu.enqueue_indirect_dma source(%dma_start3A_42 : memref<819200xi32, #tpu.memory_space<hbm>>) target(%dma_start3A_38 : memref<128xi32, #tpu.memory_space<vmem>>) offsets(%dma_start3A_40 : memref<128xi32, #tpu.memory_space<vmem>>) semaphore(%arg19 : memref<!tpu.dma_semaphore, #tpu.memory_space<semaphore_mem>>)
      %dma_start3A_43 = arith.constant 640 : i32
      %dma_start3A_44 = tpu.memref_slice %arg14[%dma_start3A_43] : memref<1024xi32, #tpu.memory_space<vmem>> -> memref<128xi32, #tpu.memory_space<vmem>>
      %dma_start3A_45 = arith.constant 640 : i32
      %dma_start3A_46 = tpu.memref_slice %arg13[%dma_start3A_45] : memref<1024xi32, #tpu.memory_space<vmem>> -> memref<128xi32, #tpu.memory_space<vmem>>
      %dma_start3A_47 = arith.constant 0 : i32
      %dma_start3A_48 = tpu.memref_slice %arg3[%dma_start3A_47] : memref<819200xi32, #tpu.memory_space<hbm>> -> memref<819200xi32, #tpu.memory_space<hbm>>
      tpu.enqueue_indirect_dma source(%dma_start3A_48 : memref<819200xi32, #tpu.memory_space<hbm>>) target(%dma_start3A_44 : memref<128xi32, #tpu.memory_space<vmem>>) offsets(%dma_start3A_46 : memref<128xi32, #tpu.memory_space<vmem>>) semaphore(%arg19 : memref<!tpu.dma_semaphore, #tpu.memory_space<semaphore_mem>>)
      %dma_start3A_49 = arith.constant 768 : i32
      %dma_start3A_50 = tpu.memref_slice %arg14[%dma_start3A_49] : memref<1024xi32, #tpu.memory_space<vmem>> -> memref<128xi32, #tpu.memory_space<vmem>>
      %dma_start3A_51 = arith.constant 768 : i32
      %dma_start3A_52 = tpu.memref_slice %arg13[%dma_start3A_51] : memref<1024xi32, #tpu.memory_space<vmem>> -> memref<128xi32, #tpu.memory_space<vmem>>
      %dma_start3A_53 = arith.constant 0 : i32
      %dma_start3A_54 = tpu.memref_slice %arg3[%dma_start3A_53] : memref<819200xi32, #tpu.memory_space<hbm>> -> memref<819200xi32, #tpu.memory_space<hbm>>
      tpu.enqueue_indirect_dma source(%dma_start3A_54 : memref<819200xi32, #tpu.memory_space<hbm>>) target(%dma_start3A_50 : memref<128xi32, #tpu.memory_space<vmem>>) offsets(%dma_start3A_52 : memref<128xi32, #tpu.memory_space<vmem>>) semaphore(%arg19 : memref<!tpu.dma_semaphore, #tpu.memory_space<semaphore_mem>>)
      %dma_start3A_55 = arith.constant 896 : i32
      %dma_start3A_56 = tpu.memref_slice %arg14[%dma_start3A_55] : memref<1024xi32, #tpu.memory_space<vmem>> -> memref<128xi32, #tpu.memory_space<vmem>>
      %dma_start3A_57 = arith.constant 896 : i32
      %dma_start3A_58 = tpu.memref_slice %arg13[%dma_start3A_57] : memref<1024xi32, #tpu.memory_space<vmem>> -> memref<128xi32, #tpu.memory_space<vmem>>
      %dma_start3A_59 = arith.constant 0 : i32
      %dma_start3A_60 = tpu.memref_slice %arg3[%dma_start3A_59] : memref<819200xi32, #tpu.memory_space<hbm>> -> memref<819200xi32, #tpu.memory_space<hbm>>
      tpu.enqueue_indirect_dma source(%dma_start3A_60 : memref<819200xi32, #tpu.memory_space<hbm>>) target(%dma_start3A_56 : memref<128xi32, #tpu.memory_space<vmem>>) offsets(%dma_start3A_58 : memref<128xi32, #tpu.memory_space<vmem>>) semaphore(%arg19 : memref<!tpu.dma_semaphore, #tpu.memory_space<semaphore_mem>>)
      %dma_start3A_61 = arith.constant 0 : i32
      %dma_start3A_62 = tpu.memref_slice %arg15[%dma_start3A_61] : memref<1024xf32, #tpu.memory_space<vmem>> -> memref<128xf32, #tpu.memory_space<vmem>>
      %dma_start3A_63 = arith.constant 0 : i32
      %dma_start3A_64 = tpu.memref_slice %arg13[%dma_start3A_63] : memref<1024xi32, #tpu.memory_space<vmem>> -> memref<128xi32, #tpu.memory_space<vmem>>
      %dma_start3A_65 = arith.constant 0 : i32
      %dma_start3A_66 = tpu.memref_slice %arg4[%dma_start3A_65] : memref<819200xf32, #tpu.memory_space<hbm>> -> memref<819200xf32, #tpu.memory_space<hbm>>
      tpu.enqueue_indirect_dma source(%dma_start3A_66 : memref<819200xf32, #tpu.memory_space<hbm>>) target(%dma_start3A_62 : memref<128xf32, #tpu.memory_space<vmem>>) offsets(%dma_start3A_64 : memref<128xi32, #tpu.memory_space<vmem>>) semaphore(%arg19 : memref<!tpu.dma_semaphore, #tpu.memory_space<semaphore_mem>>)
      %dma_start3A_67 = arith.constant 128 : i32
      %dma_start3A_68 = tpu.memref_slice %arg15[%dma_start3A_67] : memref<1024xf32, #tpu.memory_space<vmem>> -> memref<128xf32, #tpu.memory_space<vmem>>
      %dma_start3A_69 = arith.constant 128 : i32
      %dma_start3A_70 = tpu.memref_slice %arg13[%dma_start3A_69] : memref<1024xi32, #tpu.memory_space<vmem>> -> memref<128xi32, #tpu.memory_space<vmem>>
      %dma_start3A_71 = arith.constant 0 : i32
      %dma_start3A_72 = tpu.memref_slice %arg4[%dma_start3A_71] : memref<819200xf32, #tpu.memory_space<hbm>> -> memref<819200xf32, #tpu.memory_space<hbm>>
      tpu.enqueue_indirect_dma source(%dma_start3A_72 : memref<819200xf32, #tpu.memory_space<hbm>>) target(%dma_start3A_68 : memref<128xf32, #tpu.memory_space<vmem>>) offsets(%dma_start3A_70 : memref<128xi32, #tpu.memory_space<vmem>>) semaphore(%arg19 : memref<!tpu.dma_semaphore, #tpu.memory_space<semaphore_mem>>)
      %dma_start3A_73 = arith.constant 256 : i32
      %dma_start3A_74 = tpu.memref_slice %arg15[%dma_start3A_73] : memref<1024xf32, #tpu.memory_space<vmem>> -> memref<128xf32, #tpu.memory_space<vmem>>
      %dma_start3A_75 = arith.constant 256 : i32
      %dma_start3A_76 = tpu.memref_slice %arg13[%dma_start3A_75] : memref<1024xi32, #tpu.memory_space<vmem>> -> memref<128xi32, #tpu.memory_space<vmem>>
      %dma_start3A_77 = arith.constant 0 : i32
      %dma_start3A_78 = tpu.memref_slice %arg4[%dma_start3A_77] : memref<819200xf32, #tpu.memory_space<hbm>> -> memref<819200xf32, #tpu.memory_space<hbm>>
      tpu.enqueue_indirect_dma source(%dma_start3A_78 : memref<819200xf32, #tpu.memory_space<hbm>>) target(%dma_start3A_74 : memref<128xf32, #tpu.memory_space<vmem>>) offsets(%dma_start3A_76 : memref<128xi32, #tpu.memory_space<vmem>>) semaphore(%arg19 : memref<!tpu.dma_semaphore, #tpu.memory_space<semaphore_mem>>)
      %dma_start3A_79 = arith.constant 384 : i32
      %dma_start3A_80 = tpu.memref_slice %arg15[%dma_start3A_79] : memref<1024xf32, #tpu.memory_space<vmem>> -> memref<128xf32, #tpu.memory_space<vmem>>
      %dma_start3A_81 = arith.constant 384 : i32
      %dma_start3A_82 = tpu.memref_slice %arg13[%dma_start3A_81] : memref<1024xi32, #tpu.memory_space<vmem>> -> memref<128xi32, #tpu.memory_space<vmem>>
      %dma_start3A_83 = arith.constant 0 : i32
      %dma_start3A_84 = tpu.memref_slice %arg4[%dma_start3A_83] : memref<819200xf32, #tpu.memory_space<hbm>> -> memref<819200xf32, #tpu.memory_space<hbm>>
      tpu.enqueue_indirect_dma source(%dma_start3A_84 : memref<819200xf32, #tpu.memory_space<hbm>>) target(%dma_start3A_80 : memref<128xf32, #tpu.memory_space<vmem>>) offsets(%dma_start3A_82 : memref<128xi32, #tpu.memory_space<vmem>>) semaphore(%arg19 : memref<!tpu.dma_semaphore, #tpu.memory_space<semaphore_mem>>)
      %dma_start3A_85 = arith.constant 512 : i32
      %dma_start3A_86 = tpu.memref_slice %arg15[%dma_start3A_85] : memref<1024xf32, #tpu.memory_space<vmem>> -> memref<128xf32, #tpu.memory_space<vmem>>
      %dma_start3A_87 = arith.constant 512 : i32
      %dma_start3A_88 = tpu.memref_slice %arg13[%dma_start3A_87] : memref<1024xi32, #tpu.memory_space<vmem>> -> memref<128xi32, #tpu.memory_space<vmem>>
      %dma_start3A_89 = arith.constant 0 : i32
      %dma_start3A_90 = tpu.memref_slice %arg4[%dma_start3A_89] : memref<819200xf32, #tpu.memory_space<hbm>> -> memref<819200xf32, #tpu.memory_space<hbm>>
      tpu.enqueue_indirect_dma source(%dma_start3A_90 : memref<819200xf32, #tpu.memory_space<hbm>>) target(%dma_start3A_86 : memref<128xf32, #tpu.memory_space<vmem>>) offsets(%dma_start3A_88 : memref<128xi32, #tpu.memory_space<vmem>>) semaphore(%arg19 : memref<!tpu.dma_semaphore, #tpu.memory_space<semaphore_mem>>)
      %dma_start3A_91 = arith.constant 640 : i32
      %dma_start3A_92 = tpu.memref_slice %arg15[%dma_start3A_91] : memref<1024xf32, #tpu.memory_space<vmem>> -> memref<128xf32, #tpu.memory_space<vmem>>
      %dma_start3A_93 = arith.constant 640 : i32
      %dma_start3A_94 = tpu.memref_slice %arg13[%dma_start3A_93] : memref<1024xi32, #tpu.memory_space<vmem>> -> memref<128xi32, #tpu.memory_space<vmem>>
      %dma_start3A_95 = arith.constant 0 : i32
      %dma_start3A_96 = tpu.memref_slice %arg4[%dma_start3A_95] : memref<819200xf32, #tpu.memory_space<hbm>> -> memref<819200xf32, #tpu.memory_space<hbm>>
      tpu.enqueue_indirect_dma source(%dma_start3A_96 : memref<819200xf32, #tpu.memory_space<hbm>>) target(%dma_start3A_92 : memref<128xf32, #tpu.memory_space<vmem>>) offsets(%dma_start3A_94 : memref<128xi32, #tpu.memory_space<vmem>>) semaphore(%arg19 : memref<!tpu.dma_semaphore, #tpu.memory_space<semaphore_mem>>)
      %dma_start3A_97 = arith.constant 768 : i32
      %dma_start3A_98 = tpu.memref_slice %arg15[%dma_start3A_97] : memref<1024xf32, #tpu.memory_space<vmem>> -> memref<128xf32, #tpu.memory_space<vmem>>
      %dma_start3A_99 = arith.constant 768 : i32
      %dma_start3A_100 = tpu.memref_slice %arg13[%dma_start3A_99] : memref<1024xi32, #tpu.memory_space<vmem>> -> memref<128xi32, #tpu.memory_space<vmem>>
      %dma_start3A_101 = arith.constant 0 : i32
      %dma_start3A_102 = tpu.memref_slice %arg4[%dma_start3A_101] : memref<819200xf32, #tpu.memory_space<hbm>> -> memref<819200xf32, #tpu.memory_space<hbm>>
      tpu.enqueue_indirect_dma source(%dma_start3A_102 : memref<819200xf32, #tpu.memory_space<hbm>>) target(%dma_start3A_98 : memref<128xf32, #tpu.memory_space<vmem>>) offsets(%dma_start3A_100 : memref<128xi32, #tpu.memory_space<vmem>>) semaphore(%arg19 : memref<!tpu.dma_semaphore, #tpu.memory_space<semaphore_mem>>)
      %dma_start3A_103 = arith.constant 896 : i32
      %dma_start3A_104 = tpu.memref_slice %arg15[%dma_start3A_103] : memref<1024xf32, #tpu.memory_space<vmem>> -> memref<128xf32, #tpu.memory_space<vmem>>
      %dma_start3A_105 = arith.constant 896 : i32
      %dma_start3A_106 = tpu.memref_slice %arg13[%dma_start3A_105] : memref<1024xi32, #tpu.memory_space<vmem>> -> memref<128xi32, #tpu.memory_space<vmem>>
      %dma_start3A_107 = arith.constant 0 : i32
      %dma_start3A_108 = tpu.memref_slice %arg4[%dma_start3A_107] : memref<819200xf32, #tpu.memory_space<hbm>> -> memref<819200xf32, #tpu.memory_space<hbm>>
      tpu.enqueue_indirect_dma source(%dma_start3A_108 : memref<819200xf32, #tpu.memory_space<hbm>>) target(%dma_start3A_104 : memref<128xf32, #tpu.memory_space<vmem>>) offsets(%dma_start3A_106 : memref<128xi32, #tpu.memory_space<vmem>>) semaphore(%arg19 : memref<!tpu.dma_semaphore, #tpu.memory_space<semaphore_mem>>)
      %dma_start3A_109 = arith.constant 0 : i32
      %dma_start3A_110 = tpu.memref_slice %arg16[%dma_start3A_109] : memref<1024xf32, #tpu.memory_space<vmem>> -> memref<128xf32, #tpu.memory_space<vmem>>
      %dma_start3A_111 = arith.constant 0 : i32
      %dma_start3A_112 = tpu.memref_slice %arg13[%dma_start3A_111] : memref<1024xi32, #tpu.memory_space<vmem>> -> memref<128xi32, #tpu.memory_space<vmem>>
      %dma_start3A_113 = arith.constant 0 : i32
      %dma_start3A_114 = tpu.memref_slice %arg5[%dma_start3A_113] : memref<819200xf32, #tpu.memory_space<hbm>> -> memref<819200xf32, #tpu.memory_space<hbm>>
      tpu.enqueue_indirect_dma source(%dma_start3A_114 : memref<819200xf32, #tpu.memory_space<hbm>>) target(%dma_start3A_110 : memref<128xf32, #tpu.memory_space<vmem>>) offsets(%dma_start3A_112 : memref<128xi32, #tpu.memory_space<vmem>>) semaphore(%arg19 : memref<!tpu.dma_semaphore, #tpu.memory_space<semaphore_mem>>)
      %dma_start3A_115 = arith.constant 128 : i32
      %dma_start3A_116 = tpu.memref_slice %arg16[%dma_start3A_115] : memref<1024xf32, #tpu.memory_space<vmem>> -> memref<128xf32, #tpu.memory_space<vmem>>
      %dma_start3A_117 = arith.constant 128 : i32
      %dma_start3A_118 = tpu.memref_slice %arg13[%dma_start3A_117] : memref<1024xi32, #tpu.memory_space<vmem>> -> memref<128xi32, #tpu.memory_space<vmem>>
      %dma_start3A_119 = arith.constant 0 : i32
      %dma_start3A_120 = tpu.memref_slice %arg5[%dma_start3A_119] : memref<819200xf32, #tpu.memory_space<hbm>> -> memref<819200xf32, #tpu.memory_space<hbm>>
      tpu.enqueue_indirect_dma source(%dma_start3A_120 : memref<819200xf32, #tpu.memory_space<hbm>>) target(%dma_start3A_116 : memref<128xf32, #tpu.memory_space<vmem>>) offsets(%dma_start3A_118 : memref<128xi32, #tpu.memory_space<vmem>>) semaphore(%arg19 : memref<!tpu.dma_semaphore, #tpu.memory_space<semaphore_mem>>)
      %dma_start3A_121 = arith.constant 256 : i32
      %dma_start3A_122 = tpu.memref_slice %arg16[%dma_start3A_121] : memref<1024xf32, #tpu.memory_space<vmem>> -> memref<128xf32, #tpu.memory_space<vmem>>
      %dma_start3A_123 = arith.constant 256 : i32
      %dma_start3A_124 = tpu.memref_slice %arg13[%dma_start3A_123] : memref<1024xi32, #tpu.memory_space<vmem>> -> memref<128xi32, #tpu.memory_space<vmem>>
      %dma_start3A_125 = arith.constant 0 : i32
      %dma_start3A_126 = tpu.memref_slice %arg5[%dma_start3A_125] : memref<819200xf32, #tpu.memory_space<hbm>> -> memref<819200xf32, #tpu.memory_space<hbm>>
      tpu.enqueue_indirect_dma source(%dma_start3A_126 : memref<819200xf32, #tpu.memory_space<hbm>>) target(%dma_start3A_122 : memref<128xf32, #tpu.memory_space<vmem>>) offsets(%dma_start3A_124 : memref<128xi32, #tpu.memory_space<vmem>>) semaphore(%arg19 : memref<!tpu.dma_semaphore, #tpu.memory_space<semaphore_mem>>)
      %dma_start3A_127 = arith.constant 384 : i32
      %dma_start3A_128 = tpu.memref_slice %arg16[%dma_start3A_127] : memref<1024xf32, #tpu.memory_space<vmem>> -> memref<128xf32, #tpu.memory_space<vmem>>
      %dma_start3A_129 = arith.constant 384 : i32
      %dma_start3A_130 = tpu.memref_slice %arg13[%dma_start3A_129] : memref<1024xi32, #tpu.memory_space<vmem>> -> memref<128xi32, #tpu.memory_space<vmem>>
      %dma_start3A_131 = arith.constant 0 : i32
      %dma_start3A_132 = tpu.memref_slice %arg5[%dma_start3A_131] : memref<819200xf32, #tpu.memory_space<hbm>> -> memref<819200xf32, #tpu.memory_space<hbm>>
      tpu.enqueue_indirect_dma source(%dma_start3A_132 : memref<819200xf32, #tpu.memory_space<hbm>>) target(%dma_start3A_128 : memref<128xf32, #tpu.memory_space<vmem>>) offsets(%dma_start3A_130 : memref<128xi32, #tpu.memory_space<vmem>>) semaphore(%arg19 : memref<!tpu.dma_semaphore, #tpu.memory_space<semaphore_mem>>)
      %dma_start3A_133 = arith.constant 512 : i32
      %dma_start3A_134 = tpu.memref_slice %arg16[%dma_start3A_133] : memref<1024xf32, #tpu.memory_space<vmem>> -> memref<128xf32, #tpu.memory_space<vmem>>
      %dma_start3A_135 = arith.constant 512 : i32
      %dma_start3A_136 = tpu.memref_slice %arg13[%dma_start3A_135] : memref<1024xi32, #tpu.memory_space<vmem>> -> memref<128xi32, #tpu.memory_space<vmem>>
      %dma_start3A_137 = arith.constant 0 : i32
      %dma_start3A_138 = tpu.memref_slice %arg5[%dma_start3A_137] : memref<819200xf32, #tpu.memory_space<hbm>> -> memref<819200xf32, #tpu.memory_space<hbm>>
      tpu.enqueue_indirect_dma source(%dma_start3A_138 : memref<819200xf32, #tpu.memory_space<hbm>>) target(%dma_start3A_134 : memref<128xf32, #tpu.memory_space<vmem>>) offsets(%dma_start3A_136 : memref<128xi32, #tpu.memory_space<vmem>>) semaphore(%arg19 : memref<!tpu.dma_semaphore, #tpu.memory_space<semaphore_mem>>)
      %dma_start3A_139 = arith.constant 640 : i32
      %dma_start3A_140 = tpu.memref_slice %arg16[%dma_start3A_139] : memref<1024xf32, #tpu.memory_space<vmem>> -> memref<128xf32, #tpu.memory_space<vmem>>
      %dma_start3A_141 = arith.constant 640 : i32
      %dma_start3A_142 = tpu.memref_slice %arg13[%dma_start3A_141] : memref<1024xi32, #tpu.memory_space<vmem>> -> memref<128xi32, #tpu.memory_space<vmem>>
      %dma_start3A_143 = arith.constant 0 : i32
      %dma_start3A_144 = tpu.memref_slice %arg5[%dma_start3A_143] : memref<819200xf32, #tpu.memory_space<hbm>> -> memref<819200xf32, #tpu.memory_space<hbm>>
      tpu.enqueue_indirect_dma source(%dma_start3A_144 : memref<819200xf32, #tpu.memory_space<hbm>>) target(%dma_start3A_140 : memref<128xf32, #tpu.memory_space<vmem>>) offsets(%dma_start3A_142 : memref<128xi32, #tpu.memory_space<vmem>>) semaphore(%arg19 : memref<!tpu.dma_semaphore, #tpu.memory_space<semaphore_mem>>)
      %dma_start3A_145 = arith.constant 768 : i32
      %dma_start3A_146 = tpu.memref_slice %arg16[%dma_start3A_145] : memref<1024xf32, #tpu.memory_space<vmem>> -> memref<128xf32, #tpu.memory_space<vmem>>
      %dma_start3A_147 = arith.constant 768 : i32
      %dma_start3A_148 = tpu.memref_slice %arg13[%dma_start3A_147] : memref<1024xi32, #tpu.memory_space<vmem>> -> memref<128xi32, #tpu.memory_space<vmem>>
      %dma_start3A_149 = arith.constant 0 : i32
      %dma_start3A_150 = tpu.memref_slice %arg5[%dma_start3A_149] : memref<819200xf32, #tpu.memory_space<hbm>> -> memref<819200xf32, #tpu.memory_space<hbm>>
      tpu.enqueue_indirect_dma source(%dma_start3A_150 : memref<819200xf32, #tpu.memory_space<hbm>>) target(%dma_start3A_146 : memref<128xf32, #tpu.memory_space<vmem>>) offsets(%dma_start3A_148 : memref<128xi32, #tpu.memory_space<vmem>>) semaphore(%arg19 : memref<!tpu.dma_semaphore, #tpu.memory_space<semaphore_mem>>)
      %dma_start3A_151 = arith.constant 896 : i32
      %dma_start3A_152 = tpu.memref_slice %arg16[%dma_start3A_151] : memref<1024xf32, #tpu.memory_space<vmem>> -> memref<128xf32, #tpu.memory_space<vmem>>
      %dma_start3A_153 = arith.constant 896 : i32
      %dma_start3A_154 = tpu.memref_slice %arg13[%dma_start3A_153] : memref<1024xi32, #tpu.memory_space<vmem>> -> memref<128xi32, #tpu.memory_space<vmem>>
      %dma_start3A_155 = arith.constant 0 : i32
      %dma_start3A_156 = tpu.memref_slice %arg5[%dma_start3A_155] : memref<819200xf32, #tpu.memory_space<hbm>> -> memref<819200xf32, #tpu.memory_space<hbm>>
      tpu.enqueue_indirect_dma source(%dma_start3A_156 : memref<819200xf32, #tpu.memory_space<hbm>>) target(%dma_start3A_152 : memref<128xf32, #tpu.memory_space<vmem>>) offsets(%dma_start3A_154 : memref<128xi32, #tpu.memory_space<vmem>>) semaphore(%arg19 : memref<!tpu.dma_semaphore, #tpu.memory_space<semaphore_mem>>)
      %dma_start3A_157 = arith.constant 0 : i32
      %dma_start3A_158 = tpu.memref_slice %arg17[%dma_start3A_157] : memref<1024xf32, #tpu.memory_space<vmem>> -> memref<128xf32, #tpu.memory_space<vmem>>
      %dma_start3A_159 = arith.constant 0 : i32
      %dma_start3A_160 = tpu.memref_slice %arg13[%dma_start3A_159] : memref<1024xi32, #tpu.memory_space<vmem>> -> memref<128xi32, #tpu.memory_space<vmem>>
      %dma_start3A_161 = arith.constant 0 : i32
      %dma_start3A_162 = tpu.memref_slice %arg6[%dma_start3A_161] : memref<819200xf32, #tpu.memory_space<hbm>> -> memref<819200xf32, #tpu.memory_space<hbm>>
      tpu.enqueue_indirect_dma source(%dma_start3A_162 : memref<819200xf32, #tpu.memory_space<hbm>>) target(%dma_start3A_158 : memref<128xf32, #tpu.memory_space<vmem>>) offsets(%dma_start3A_160 : memref<128xi32, #tpu.memory_space<vmem>>) semaphore(%arg19 : memref<!tpu.dma_semaphore, #tpu.memory_space<semaphore_mem>>)
      %dma_start3A_163 = arith.constant 128 : i32
      %dma_start3A_164 = tpu.memref_slice %arg17[%dma_start3A_163] : memref<1024xf32, #tpu.memory_space<vmem>> -> memref<128xf32, #tpu.memory_space<vmem>>
      %dma_start3A_165 = arith.constant 128 : i32
      %dma_start3A_166 = tpu.memref_slice %arg13[%dma_start3A_165] : memref<1024xi32, #tpu.memory_space<vmem>> -> memref<128xi32, #tpu.memory_space<vmem>>
      %dma_start3A_167 = arith.constant 0 : i32
      %dma_start3A_168 = tpu.memref_slice %arg6[%dma_start3A_167] : memref<819200xf32, #tpu.memory_space<hbm>> -> memref<819200xf32, #tpu.memory_space<hbm>>
      tpu.enqueue_indirect_dma source(%dma_start3A_168 : memref<819200xf32, #tpu.memory_space<hbm>>) target(%dma_start3A_164 : memref<128xf32, #tpu.memory_space<vmem>>) offsets(%dma_start3A_166 : memref<128xi32, #tpu.memory_space<vmem>>) semaphore(%arg19 : memref<!tpu.dma_semaphore, #tpu.memory_space<semaphore_mem>>)
      %dma_start3A_169 = arith.constant 256 : i32
      %dma_start3A_170 = tpu.memref_slice %arg17[%dma_start3A_169] : memref<1024xf32, #tpu.memory_space<vmem>> -> memref<128xf32, #tpu.memory_space<vmem>>
      %dma_start3A_171 = arith.constant 256 : i32
      %dma_start3A_172 = tpu.memref_slice %arg13[%dma_start3A_171] : memref<1024xi32, #tpu.memory_space<vmem>> -> memref<128xi32, #tpu.memory_space<vmem>>
      %dma_start3A_173 = arith.constant 0 : i32
      %dma_start3A_174 = tpu.memref_slice %arg6[%dma_start3A_173] : memref<819200xf32, #tpu.memory_space<hbm>> -> memref<819200xf32, #tpu.memory_space<hbm>>
      tpu.enqueue_indirect_dma source(%dma_start3A_174 : memref<819200xf32, #tpu.memory_space<hbm>>) target(%dma_start3A_170 : memref<128xf32, #tpu.memory_space<vmem>>) offsets(%dma_start3A_172 : memref<128xi32, #tpu.memory_space<vmem>>) semaphore(%arg19 : memref<!tpu.dma_semaphore, #tpu.memory_space<semaphore_mem>>)
      %dma_start3A_175 = arith.constant 384 : i32
      %dma_start3A_176 = tpu.memref_slice %arg17[%dma_start3A_175] : memref<1024xf32, #tpu.memory_space<vmem>> -> memref<128xf32, #tpu.memory_space<vmem>>
      %dma_start3A_177 = arith.constant 384 : i32
      %dma_start3A_178 = tpu.memref_slice %arg13[%dma_start3A_177] : memref<1024xi32, #tpu.memory_space<vmem>> -> memref<128xi32, #tpu.memory_space<vmem>>
      %dma_start3A_179 = arith.constant 0 : i32
      %dma_start3A_180 = tpu.memref_slice %arg6[%dma_start3A_179] : memref<819200xf32, #tpu.memory_space<hbm>> -> memref<819200xf32, #tpu.memory_space<hbm>>
      tpu.enqueue_indirect_dma source(%dma_start3A_180 : memref<819200xf32, #tpu.memory_space<hbm>>) target(%dma_start3A_176 : memref<128xf32, #tpu.memory_space<vmem>>) offsets(%dma_start3A_178 : memref<128xi32, #tpu.memory_space<vmem>>) semaphore(%arg19 : memref<!tpu.dma_semaphore, #tpu.memory_space<semaphore_mem>>)
      %dma_start3A_181 = arith.constant 512 : i32
      %dma_start3A_182 = tpu.memref_slice %arg17[%dma_start3A_181] : memref<1024xf32, #tpu.memory_space<vmem>> -> memref<128xf32, #tpu.memory_space<vmem>>
      %dma_start3A_183 = arith.constant 512 : i32
      %dma_start3A_184 = tpu.memref_slice %arg13[%dma_start3A_183] : memref<1024xi32, #tpu.memory_space<vmem>> -> memref<128xi32, #tpu.memory_space<vmem>>
      %dma_start3A_185 = arith.constant 0 : i32
      %dma_start3A_186 = tpu.memref_slice %arg6[%dma_start3A_185] : memref<819200xf32, #tpu.memory_space<hbm>> -> memref<819200xf32, #tpu.memory_space<hbm>>
      tpu.enqueue_indirect_dma source(%dma_start3A_186 : memref<819200xf32, #tpu.memory_space<hbm>>) target(%dma_start3A_182 : memref<128xf32, #tpu.memory_space<vmem>>) offsets(%dma_start3A_184 : memref<128xi32, #tpu.memory_space<vmem>>) semaphore(%arg19 : memref<!tpu.dma_semaphore, #tpu.memory_space<semaphore_mem>>)
      %dma_start3A_187 = arith.constant 640 : i32
      %dma_start3A_188 = tpu.memref_slice %arg17[%dma_start3A_187] : memref<1024xf32, #tpu.memory_space<vmem>> -> memref<128xf32, #tpu.memory_space<vmem>>
      %dma_start3A_189 = arith.constant 640 : i32
      %dma_start3A_190 = tpu.memref_slice %arg13[%dma_start3A_189] : memref<1024xi32, #tpu.memory_space<vmem>> -> memref<128xi32, #tpu.memory_space<vmem>>
      %dma_start3A_191 = arith.constant 0 : i32
      %dma_start3A_192 = tpu.memref_slice %arg6[%dma_start3A_191] : memref<819200xf32, #tpu.memory_space<hbm>> -> memref<819200xf32, #tpu.memory_space<hbm>>
      tpu.enqueue_indirect_dma source(%dma_start3A_192 : memref<819200xf32, #tpu.memory_space<hbm>>) target(%dma_start3A_188 : memref<128xf32, #tpu.memory_space<vmem>>) offsets(%dma_start3A_190 : memref<128xi32, #tpu.memory_space<vmem>>) semaphore(%arg19 : memref<!tpu.dma_semaphore, #tpu.memory_space<semaphore_mem>>)
      %dma_start3A_193 = arith.constant 768 : i32
      %dma_start3A_194 = tpu.memref_slice %arg17[%dma_start3A_193] : memref<1024xf32, #tpu.memory_space<vmem>> -> memref<128xf32, #tpu.memory_space<vmem>>
      %dma_start3A_195 = arith.constant 768 : i32
      %dma_start3A_196 = tpu.memref_slice %arg13[%dma_start3A_195] : memref<1024xi32, #tpu.memory_space<vmem>> -> memref<128xi32, #tpu.memory_space<vmem>>
      %dma_start3A_197 = arith.constant 0 : i32
      %dma_start3A_198 = tpu.memref_slice %arg6[%dma_start3A_197] : memref<819200xf32, #tpu.memory_space<hbm>> -> memref<819200xf32, #tpu.memory_space<hbm>>
      tpu.enqueue_indirect_dma source(%dma_start3A_198 : memref<819200xf32, #tpu.memory_space<hbm>>) target(%dma_start3A_194 : memref<128xf32, #tpu.memory_space<vmem>>) offsets(%dma_start3A_196 : memref<128xi32, #tpu.memory_space<vmem>>) semaphore(%arg19 : memref<!tpu.dma_semaphore, #tpu.memory_space<semaphore_mem>>)
      %dma_start3A_199 = arith.constant 896 : i32
      %dma_start3A_200 = tpu.memref_slice %arg17[%dma_start3A_199] : memref<1024xf32, #tpu.memory_space<vmem>> -> memref<128xf32, #tpu.memory_space<vmem>>
      %dma_start3A_201 = arith.constant 896 : i32
      %dma_start3A_202 = tpu.memref_slice %arg13[%dma_start3A_201] : memref<1024xi32, #tpu.memory_space<vmem>> -> memref<128xi32, #tpu.memory_space<vmem>>
      %dma_start3A_203 = arith.constant 0 : i32
      %dma_start3A_204 = tpu.memref_slice %arg6[%dma_start3A_203] : memref<819200xf32, #tpu.memory_space<hbm>> -> memref<819200xf32, #tpu.memory_space<hbm>>
      tpu.enqueue_indirect_dma source(%dma_start3A_204 : memref<819200xf32, #tpu.memory_space<hbm>>) target(%dma_start3A_200 : memref<128xf32, #tpu.memory_space<vmem>>) offsets(%dma_start3A_202 : memref<128xi32, #tpu.memory_space<vmem>>) semaphore(%arg19 : memref<!tpu.dma_semaphore, #tpu.memory_space<semaphore_mem>>)
      %dma_start3A_205 = arith.constant 0 : i32
      %dma_start3A_206 = tpu.memref_slice %arg18[%dma_start3A_205] : memref<1024xf32, #tpu.memory_space<vmem>> -> memref<128xf32, #tpu.memory_space<vmem>>
      %dma_start3A_207 = arith.constant 0 : i32
      %dma_start3A_208 = tpu.memref_slice %arg13[%dma_start3A_207] : memref<1024xi32, #tpu.memory_space<vmem>> -> memref<128xi32, #tpu.memory_space<vmem>>
      %dma_start3A_209 = arith.constant 0 : i32
      %dma_start3A_210 = tpu.memref_slice %arg7[%dma_start3A_209] : memref<819200xf32, #tpu.memory_space<hbm>> -> memref<819200xf32, #tpu.memory_space<hbm>>
      tpu.enqueue_indirect_dma source(%dma_start3A_210 : memref<819200xf32, #tpu.memory_space<hbm>>) target(%dma_start3A_206 : memref<128xf32, #tpu.memory_space<vmem>>) offsets(%dma_start3A_208 : memref<128xi32, #tpu.memory_space<vmem>>) semaphore(%arg19 : memref<!tpu.dma_semaphore, #tpu.memory_space<semaphore_mem>>)
      %dma_start3A_211 = arith.constant 128 : i32
      %dma_start3A_212 = tpu.memref_slice %arg18[%dma_start3A_211] : memref<1024xf32, #tpu.memory_space<vmem>> -> memref<128xf32, #tpu.memory_space<vmem>>
      %dma_start3A_213 = arith.constant 128 : i32
      %dma_start3A_214 = tpu.memref_slice %arg13[%dma_start3A_213] : memref<1024xi32, #tpu.memory_space<vmem>> -> memref<128xi32, #tpu.memory_space<vmem>>
      %dma_start3A_215 = arith.constant 0 : i32
      %dma_start3A_216 = tpu.memref_slice %arg7[%dma_start3A_215] : memref<819200xf32, #tpu.memory_space<hbm>> -> memref<819200xf32, #tpu.memory_space<hbm>>
      tpu.enqueue_indirect_dma source(%dma_start3A_216 : memref<819200xf32, #tpu.memory_space<hbm>>) target(%dma_start3A_212 : memref<128xf32, #tpu.memory_space<vmem>>) offsets(%dma_start3A_214 : memref<128xi32, #tpu.memory_space<vmem>>) semaphore(%arg19 : memref<!tpu.dma_semaphore, #tpu.memory_space<semaphore_mem>>)
      %dma_start3A_217 = arith.constant 256 : i32
      %dma_start3A_218 = tpu.memref_slice %arg18[%dma_start3A_217] : memref<1024xf32, #tpu.memory_space<vmem>> -> memref<128xf32, #tpu.memory_space<vmem>>
      %dma_start3A_219 = arith.constant 256 : i32
      %dma_start3A_220 = tpu.memref_slice %arg13[%dma_start3A_219] : memref<1024xi32, #tpu.memory_space<vmem>> -> memref<128xi32, #tpu.memory_space<vmem>>
      %dma_start3A_221 = arith.constant 0 : i32
      %dma_start3A_222 = tpu.memref_slice %arg7[%dma_start3A_221] : memref<819200xf32, #tpu.memory_space<hbm>> -> memref<819200xf32, #tpu.memory_space<hbm>>
      tpu.enqueue_indirect_dma source(%dma_start3A_222 : memref<819200xf32, #tpu.memory_space<hbm>>) target(%dma_start3A_218 : memref<128xf32, #tpu.memory_space<vmem>>) offsets(%dma_start3A_220 : memref<128xi32, #tpu.memory_space<vmem>>) semaphore(%arg19 : memref<!tpu.dma_semaphore, #tpu.memory_space<semaphore_mem>>)
      %dma_start3A_223 = arith.constant 384 : i32
      %dma_start3A_224 = tpu.memref_slice %arg18[%dma_start3A_223] : memref<1024xf32, #tpu.memory_space<vmem>> -> memref<128xf32, #tpu.memory_space<vmem>>
      %dma_start3A_225 = arith.constant 384 : i32
      %dma_start3A_226 = tpu.memref_slice %arg13[%dma_start3A_225] : memref<1024xi32, #tpu.memory_space<vmem>> -> memref<128xi32, #tpu.memory_space<vmem>>
      %dma_start3A_227 = arith.constant 0 : i32
      %dma_start3A_228 = tpu.memref_slice %arg7[%dma_start3A_227] : memref<819200xf32, #tpu.memory_space<hbm>> -> memref<819200xf32, #tpu.memory_space<hbm>>
      tpu.enqueue_indirect_dma source(%dma_start3A_228 : memref<819200xf32, #tpu.memory_space<hbm>>) target(%dma_start3A_224 : memref<128xf32, #tpu.memory_space<vmem>>) offsets(%dma_start3A_226 : memref<128xi32, #tpu.memory_space<vmem>>) semaphore(%arg19 : memref<!tpu.dma_semaphore, #tpu.memory_space<semaphore_mem>>)
      %dma_start3A_229 = arith.constant 512 : i32
      %dma_start3A_230 = tpu.memref_slice %arg18[%dma_start3A_229] : memref<1024xf32, #tpu.memory_space<vmem>> -> memref<128xf32, #tpu.memory_space<vmem>>
      %dma_start3A_231 = arith.constant 512 : i32
      %dma_start3A_232 = tpu.memref_slice %arg13[%dma_start3A_231] : memref<1024xi32, #tpu.memory_space<vmem>> -> memref<128xi32, #tpu.memory_space<vmem>>
      %dma_start3A_233 = arith.constant 0 : i32
      %dma_start3A_234 = tpu.memref_slice %arg7[%dma_start3A_233] : memref<819200xf32, #tpu.memory_space<hbm>> -> memref<819200xf32, #tpu.memory_space<hbm>>
      tpu.enqueue_indirect_dma source(%dma_start3A_234 : memref<819200xf32, #tpu.memory_space<hbm>>) target(%dma_start3A_230 : memref<128xf32, #tpu.memory_space<vmem>>) offsets(%dma_start3A_232 : memref<128xi32, #tpu.memory_space<vmem>>) semaphore(%arg19 : memref<!tpu.dma_semaphore, #tpu.memory_space<semaphore_mem>>)
      %dma_start3A_235 = arith.constant 640 : i32
      %dma_start3A_236 = tpu.memref_slice %arg18[%dma_start3A_235] : memref<1024xf32, #tpu.memory_space<vmem>> -> memref<128xf32, #tpu.memory_space<vmem>>
      %dma_start3A_237 = arith.constant 640 : i32
      %dma_start3A_238 = tpu.memref_slice %arg13[%dma_start3A_237] : memref<1024xi32, #tpu.memory_space<vmem>> -> memref<128xi32, #tpu.memory_space<vmem>>
      %dma_start3A_239 = arith.constant 0 : i32
      %dma_start3A_240 = tpu.memref_slice %arg7[%dma_start3A_239] : memref<819200xf32, #tpu.memory_space<hbm>> -> memref<819200xf32, #tpu.memory_space<hbm>>
      tpu.enqueue_indirect_dma source(%dma_start3A_240 : memref<819200xf32, #tpu.memory_space<hbm>>) target(%dma_start3A_236 : memref<128xf32, #tpu.memory_space<vmem>>) offsets(%dma_start3A_238 : memref<128xi32, #tpu.memory_space<vmem>>) semaphore(%arg19 : memref<!tpu.dma_semaphore, #tpu.memory_space<semaphore_mem>>)
      %dma_start3A_241 = arith.constant 768 : i32
      %dma_start3A_242 = tpu.memref_slice %arg18[%dma_start3A_241] : memref<1024xf32, #tpu.memory_space<vmem>> -> memref<128xf32, #tpu.memory_space<vmem>>
      %dma_start3A_243 = arith.constant 768 : i32
      %dma_start3A_244 = tpu.memref_slice %arg13[%dma_start3A_243] : memref<1024xi32, #tpu.memory_space<vmem>> -> memref<128xi32, #tpu.memory_space<vmem>>
      %dma_start3A_245 = arith.constant 0 : i32
      %dma_start3A_246 = tpu.memref_slice %arg7[%dma_start3A_245] : memref<819200xf32, #tpu.memory_space<hbm>> -> memref<819200xf32, #tpu.memory_space<hbm>>
      tpu.enqueue_indirect_dma source(%dma_start3A_246 : memref<819200xf32, #tpu.memory_space<hbm>>) target(%dma_start3A_242 : memref<128xf32, #tpu.memory_space<vmem>>) offsets(%dma_start3A_244 : memref<128xi32, #tpu.memory_space<vmem>>) semaphore(%arg19 : memref<!tpu.dma_semaphore, #tpu.memory_space<semaphore_mem>>)
      %dma_start3A_247 = arith.constant 896 : i32
      %dma_start3A_248 = tpu.memref_slice %arg18[%dma_start3A_247] : memref<1024xf32, #tpu.memory_space<vmem>> -> memref<128xf32, #tpu.memory_space<vmem>>
      %dma_start3A_249 = arith.constant 896 : i32
      %dma_start3A_250 = tpu.memref_slice %arg13[%dma_start3A_249] : memref<1024xi32, #tpu.memory_space<vmem>> -> memref<128xi32, #tpu.memory_space<vmem>>
      %dma_start3A_251 = arith.constant 0 : i32
      %dma_start3A_252 = tpu.memref_slice %arg7[%dma_start3A_251] : memref<819200xf32, #tpu.memory_space<hbm>> -> memref<819200xf32, #tpu.memory_space<hbm>>
      tpu.enqueue_indirect_dma source(%dma_start3A_252 : memref<819200xf32, #tpu.memory_space<hbm>>) target(%dma_start3A_248 : memref<128xf32, #tpu.memory_space<vmem>>) offsets(%dma_start3A_250 : memref<128xi32, #tpu.memory_space<vmem>>) semaphore(%arg19 : memref<!tpu.dma_semaphore, #tpu.memory_space<semaphore_mem>>)
      %dma_wait3A = arith.constant 0 : i32
      %dma_wait3A_253 = tpu.memref_slice %arg14[%dma_wait3A] : memref<1024xi32, #tpu.memory_space<vmem>> -> memref<128xi32, #tpu.memory_space<vmem>>
      %dma_wait3A_254 = arith.constant 0 : i32
      %dma_wait3A_255 = tpu.memref_slice %arg13[%dma_wait3A_254] : memref<1024xi32, #tpu.memory_space<vmem>> -> memref<128xi32, #tpu.memory_space<vmem>>
      %dma_wait3A_256 = arith.constant 0 : i32
      %dma_wait3A_257 = tpu.memref_slice %arg3[%dma_wait3A_256] : memref<819200xi32, #tpu.memory_space<hbm>> -> memref<819200xi32, #tpu.memory_space<hbm>>
      tpu.wait_indirect_dma semaphore(%arg19 : memref<!tpu.dma_semaphore, #tpu.memory_space<semaphore_mem>>) src(%dma_wait3A_257 : memref<819200xi32, #tpu.memory_space<hbm>>) dst(%dma_wait3A_253 : memref<128xi32, #tpu.memory_space<vmem>>)
      %dma_wait3A_258 = arith.constant 128 : i32
      %dma_wait3A_259 = tpu.memref_slice %arg14[%dma_wait3A_258] : memref<1024xi32, #tpu.memory_space<vmem>> -> memref<128xi32, #tpu.memory_space<vmem>>
      %dma_wait3A_260 = arith.constant 128 : i32
      %dma_wait3A_261 = tpu.memref_slice %arg13[%dma_wait3A_260] : memref<1024xi32, #tpu.memory_space<vmem>> -> memref<128xi32, #tpu.memory_space<vmem>>
      %dma_wait3A_262 = arith.constant 0 : i32
      %dma_wait3A_263 = tpu.memref_slice %arg3[%dma_wait3A_262] : memref<819200xi32, #tpu.memory_space<hbm>> -> memref<819200xi32, #tpu.memory_space<hbm>>
      tpu.wait_indirect_dma semaphore(%arg19 : memref<!tpu.dma_semaphore, #tpu.memory_space<semaphore_mem>>) src(%dma_wait3A_263 : memref<819200xi32, #tpu.memory_space<hbm>>) dst(%dma_wait3A_259 : memref<128xi32, #tpu.memory_space<vmem>>)
      %dma_wait3A_264 = arith.constant 256 : i32
      %dma_wait3A_265 = tpu.memref_slice %arg14[%dma_wait3A_264] : memref<1024xi32, #tpu.memory_space<vmem>> -> memref<128xi32, #tpu.memory_space<vmem>>
      %dma_wait3A_266 = arith.constant 256 : i32
      %dma_wait3A_267 = tpu.memref_slice %arg13[%dma_wait3A_266] : memref<1024xi32, #tpu.memory_space<vmem>> -> memref<128xi32, #tpu.memory_space<vmem>>
      %dma_wait3A_268 = arith.constant 0 : i32
      %dma_wait3A_269 = tpu.memref_slice %arg3[%dma_wait3A_268] : memref<819200xi32, #tpu.memory_space<hbm>> -> memref<819200xi32, #tpu.memory_space<hbm>>
      tpu.wait_indirect_dma semaphore(%arg19 : memref<!tpu.dma_semaphore, #tpu.memory_space<semaphore_mem>>) src(%dma_wait3A_269 : memref<819200xi32, #tpu.memory_space<hbm>>) dst(%dma_wait3A_265 : memref<128xi32, #tpu.memory_space<vmem>>)
      %dma_wait3A_270 = arith.constant 384 : i32
      %dma_wait3A_271 = tpu.memref_slice %arg14[%dma_wait3A_270] : memref<1024xi32, #tpu.memory_space<vmem>> -> memref<128xi32, #tpu.memory_space<vmem>>
      %dma_wait3A_272 = arith.constant 384 : i32
      %dma_wait3A_273 = tpu.memref_slice %arg13[%dma_wait3A_272] : memref<1024xi32, #tpu.memory_space<vmem>> -> memref<128xi32, #tpu.memory_space<vmem>>
      %dma_wait3A_274 = arith.constant 0 : i32
      %dma_wait3A_275 = tpu.memref_slice %arg3[%dma_wait3A_274] : memref<819200xi32, #tpu.memory_space<hbm>> -> memref<819200xi32, #tpu.memory_space<hbm>>
      tpu.wait_indirect_dma semaphore(%arg19 : memref<!tpu.dma_semaphore, #tpu.memory_space<semaphore_mem>>) src(%dma_wait3A_275 : memref<819200xi32, #tpu.memory_space<hbm>>) dst(%dma_wait3A_271 : memref<128xi32, #tpu.memory_space<vmem>>)
      %dma_wait3A_276 = arith.constant 512 : i32
      %dma_wait3A_277 = tpu.memref_slice %arg14[%dma_wait3A_276] : memref<1024xi32, #tpu.memory_space<vmem>> -> memref<128xi32, #tpu.memory_space<vmem>>
      %dma_wait3A_278 = arith.constant 512 : i32
      %dma_wait3A_279 = tpu.memref_slice %arg13[%dma_wait3A_278] : memref<1024xi32, #tpu.memory_space<vmem>> -> memref<128xi32, #tpu.memory_space<vmem>>
      %dma_wait3A_280 = arith.constant 0 : i32
      %dma_wait3A_281 = tpu.memref_slice %arg3[%dma_wait3A_280] : memref<819200xi32, #tpu.memory_space<hbm>> -> memref<819200xi32, #tpu.memory_space<hbm>>
      tpu.wait_indirect_dma semaphore(%arg19 : memref<!tpu.dma_semaphore, #tpu.memory_space<semaphore_mem>>) src(%dma_wait3A_281 : memref<819200xi32, #tpu.memory_space<hbm>>) dst(%dma_wait3A_277 : memref<128xi32, #tpu.memory_space<vmem>>)
      %dma_wait3A_282 = arith.constant 640 : i32
      %dma_wait3A_283 = tpu.memref_slice %arg14[%dma_wait3A_282] : memref<1024xi32, #tpu.memory_space<vmem>> -> memref<128xi32, #tpu.memory_space<vmem>>
      %dma_wait3A_284 = arith.constant 640 : i32
      %dma_wait3A_285 = tpu.memref_slice %arg13[%dma_wait3A_284] : memref<1024xi32, #tpu.memory_space<vmem>> -> memref<128xi32, #tpu.memory_space<vmem>>
      %dma_wait3A_286 = arith.constant 0 : i32
      %dma_wait3A_287 = tpu.memref_slice %arg3[%dma_wait3A_286] : memref<819200xi32, #tpu.memory_space<hbm>> -> memref<819200xi32, #tpu.memory_space<hbm>>
      tpu.wait_indirect_dma semaphore(%arg19 : memref<!tpu.dma_semaphore, #tpu.memory_space<semaphore_mem>>) src(%dma_wait3A_287 : memref<819200xi32, #tpu.memory_space<hbm>>) dst(%dma_wait3A_283 : memref<128xi32, #tpu.memory_space<vmem>>)
      %dma_wait3A_288 = arith.constant 768 : i32
      %dma_wait3A_289 = tpu.memref_slice %arg14[%dma_wait3A_288] : memref<1024xi32, #tpu.memory_space<vmem>> -> memref<128xi32, #tpu.memory_space<vmem>>
      %dma_wait3A_290 = arith.constant 768 : i32
      %dma_wait3A_291 = tpu.memref_slice %arg13[%dma_wait3A_290] : memref<1024xi32, #tpu.memory_space<vmem>> -> memref<128xi32, #tpu.memory_space<vmem>>
      %dma_wait3A_292 = arith.constant 0 : i32
      %dma_wait3A_293 = tpu.memref_slice %arg3[%dma_wait3A_292] : memref<819200xi32, #tpu.memory_space<hbm>> -> memref<819200xi32, #tpu.memory_space<hbm>>
      tpu.wait_indirect_dma semaphore(%arg19 : memref<!tpu.dma_semaphore, #tpu.memory_space<semaphore_mem>>) src(%dma_wait3A_293 : memref<819200xi32, #tpu.memory_space<hbm>>) dst(%dma_wait3A_289 : memref<128xi32, #tpu.memory_space<vmem>>)
      %dma_wait3A_294 = arith.constant 896 : i32
      %dma_wait3A_295 = tpu.memref_slice %arg14[%dma_wait3A_294] : memref<1024xi32, #tpu.memory_space<vmem>> -> memref<128xi32, #tpu.memory_space<vmem>>
      %dma_wait3A_296 = arith.constant 896 : i32
      %dma_wait3A_297 = tpu.memref_slice %arg13[%dma_wait3A_296] : memref<1024xi32, #tpu.memory_space<vmem>> -> memref<128xi32, #tpu.memory_space<vmem>>
      %dma_wait3A_298 = arith.constant 0 : i32
      %dma_wait3A_299 = tpu.memref_slice %arg3[%dma_wait3A_298] : memref<819200xi32, #tpu.memory_space<hbm>> -> memref<819200xi32, #tpu.memory_space<hbm>>
      tpu.wait_indirect_dma semaphore(%arg19 : memref<!tpu.dma_semaphore, #tpu.memory_space<semaphore_mem>>) src(%dma_wait3A_299 : memref<819200xi32, #tpu.memory_space<hbm>>) dst(%dma_wait3A_295 : memref<128xi32, #tpu.memory_space<vmem>>)
      %dma_wait3A_300 = arith.constant 0 : i32
      %dma_wait3A_301 = tpu.memref_slice %arg15[%dma_wait3A_300] : memref<1024xf32, #tpu.memory_space<vmem>> -> memref<128xf32, #tpu.memory_space<vmem>>
      %dma_wait3A_302 = arith.constant 0 : i32
      %dma_wait3A_303 = tpu.memref_slice %arg13[%dma_wait3A_302] : memref<1024xi32, #tpu.memory_space<vmem>> -> memref<128xi32, #tpu.memory_space<vmem>>
      %dma_wait3A_304 = arith.constant 0 : i32
      %dma_wait3A_305 = tpu.memref_slice %arg4[%dma_wait3A_304] : memref<819200xf32, #tpu.memory_space<hbm>> -> memref<819200xf32, #tpu.memory_space<hbm>>
      tpu.wait_indirect_dma semaphore(%arg19 : memref<!tpu.dma_semaphore, #tpu.memory_space<semaphore_mem>>) src(%dma_wait3A_305 : memref<819200xf32, #tpu.memory_space<hbm>>) dst(%dma_wait3A_301 : memref<128xf32, #tpu.memory_space<vmem>>)
      %dma_wait3A_306 = arith.constant 128 : i32
      %dma_wait3A_307 = tpu.memref_slice %arg15[%dma_wait3A_306] : memref<1024xf32, #tpu.memory_space<vmem>> -> memref<128xf32, #tpu.memory_space<vmem>>
      %dma_wait3A_308 = arith.constant 128 : i32
      %dma_wait3A_309 = tpu.memref_slice %arg13[%dma_wait3A_308] : memref<1024xi32, #tpu.memory_space<vmem>> -> memref<128xi32, #tpu.memory_space<vmem>>
      %dma_wait3A_310 = arith.constant 0 : i32
      %dma_wait3A_311 = tpu.memref_slice %arg4[%dma_wait3A_310] : memref<819200xf32, #tpu.memory_space<hbm>> -> memref<819200xf32, #tpu.memory_space<hbm>>
      tpu.wait_indirect_dma semaphore(%arg19 : memref<!tpu.dma_semaphore, #tpu.memory_space<semaphore_mem>>) src(%dma_wait3A_311 : memref<819200xf32, #tpu.memory_space<hbm>>) dst(%dma_wait3A_307 : memref<128xf32, #tpu.memory_space<vmem>>)
      %dma_wait3A_312 = arith.constant 256 : i32
      %dma_wait3A_313 = tpu.memref_slice %arg15[%dma_wait3A_312] : memref<1024xf32, #tpu.memory_space<vmem>> -> memref<128xf32, #tpu.memory_space<vmem>>
      %dma_wait3A_314 = arith.constant 256 : i32
      %dma_wait3A_315 = tpu.memref_slice %arg13[%dma_wait3A_314] : memref<1024xi32, #tpu.memory_space<vmem>> -> memref<128xi32, #tpu.memory_space<vmem>>
      %dma_wait3A_316 = arith.constant 0 : i32
      %dma_wait3A_317 = tpu.memref_slice %arg4[%dma_wait3A_316] : memref<819200xf32, #tpu.memory_space<hbm>> -> memref<819200xf32, #tpu.memory_space<hbm>>
      tpu.wait_indirect_dma semaphore(%arg19 : memref<!tpu.dma_semaphore, #tpu.memory_space<semaphore_mem>>) src(%dma_wait3A_317 : memref<819200xf32, #tpu.memory_space<hbm>>) dst(%dma_wait3A_313 : memref<128xf32, #tpu.memory_space<vmem>>)
      %dma_wait3A_318 = arith.constant 384 : i32
      %dma_wait3A_319 = tpu.memref_slice %arg15[%dma_wait3A_318] : memref<1024xf32, #tpu.memory_space<vmem>> -> memref<128xf32, #tpu.memory_space<vmem>>
      %dma_wait3A_320 = arith.constant 384 : i32
      %dma_wait3A_321 = tpu.memref_slice %arg13[%dma_wait3A_320] : memref<1024xi32, #tpu.memory_space<vmem>> -> memref<128xi32, #tpu.memory_space<vmem>>
      %dma_wait3A_322 = arith.constant 0 : i32
      %dma_wait3A_323 = tpu.memref_slice %arg4[%dma_wait3A_322] : memref<819200xf32, #tpu.memory_space<hbm>> -> memref<819200xf32, #tpu.memory_space<hbm>>
      tpu.wait_indirect_dma semaphore(%arg19 : memref<!tpu.dma_semaphore, #tpu.memory_space<semaphore_mem>>) src(%dma_wait3A_323 : memref<819200xf32, #tpu.memory_space<hbm>>) dst(%dma_wait3A_319 : memref<128xf32, #tpu.memory_space<vmem>>)
      %dma_wait3A_324 = arith.constant 512 : i32
      %dma_wait3A_325 = tpu.memref_slice %arg15[%dma_wait3A_324] : memref<1024xf32, #tpu.memory_space<vmem>> -> memref<128xf32, #tpu.memory_space<vmem>>
      %dma_wait3A_326 = arith.constant 512 : i32
      %dma_wait3A_327 = tpu.memref_slice %arg13[%dma_wait3A_326] : memref<1024xi32, #tpu.memory_space<vmem>> -> memref<128xi32, #tpu.memory_space<vmem>>
      %dma_wait3A_328 = arith.constant 0 : i32
      %dma_wait3A_329 = tpu.memref_slice %arg4[%dma_wait3A_328] : memref<819200xf32, #tpu.memory_space<hbm>> -> memref<819200xf32, #tpu.memory_space<hbm>>
      tpu.wait_indirect_dma semaphore(%arg19 : memref<!tpu.dma_semaphore, #tpu.memory_space<semaphore_mem>>) src(%dma_wait3A_329 : memref<819200xf32, #tpu.memory_space<hbm>>) dst(%dma_wait3A_325 : memref<128xf32, #tpu.memory_space<vmem>>)
      %dma_wait3A_330 = arith.constant 640 : i32
      %dma_wait3A_331 = tpu.memref_slice %arg15[%dma_wait3A_330] : memref<1024xf32, #tpu.memory_space<vmem>> -> memref<128xf32, #tpu.memory_space<vmem>>
      %dma_wait3A_332 = arith.constant 640 : i32
      %dma_wait3A_333 = tpu.memref_slice %arg13[%dma_wait3A_332] : memref<1024xi32, #tpu.memory_space<vmem>> -> memref<128xi32, #tpu.memory_space<vmem>>
      %dma_wait3A_334 = arith.constant 0 : i32
      %dma_wait3A_335 = tpu.memref_slice %arg4[%dma_wait3A_334] : memref<819200xf32, #tpu.memory_space<hbm>> -> memref<819200xf32, #tpu.memory_space<hbm>>
      tpu.wait_indirect_dma semaphore(%arg19 : memref<!tpu.dma_semaphore, #tpu.memory_space<semaphore_mem>>) src(%dma_wait3A_335 : memref<819200xf32, #tpu.memory_space<hbm>>) dst(%dma_wait3A_331 : memref<128xf32, #tpu.memory_space<vmem>>)
      %dma_wait3A_336 = arith.constant 768 : i32
      %dma_wait3A_337 = tpu.memref_slice %arg15[%dma_wait3A_336] : memref<1024xf32, #tpu.memory_space<vmem>> -> memref<128xf32, #tpu.memory_space<vmem>>
      %dma_wait3A_338 = arith.constant 768 : i32
      %dma_wait3A_339 = tpu.memref_slice %arg13[%dma_wait3A_338] : memref<1024xi32, #tpu.memory_space<vmem>> -> memref<128xi32, #tpu.memory_space<vmem>>
      %dma_wait3A_340 = arith.constant 0 : i32
      %dma_wait3A_341 = tpu.memref_slice %arg4[%dma_wait3A_340] : memref<819200xf32, #tpu.memory_space<hbm>> -> memref<819200xf32, #tpu.memory_space<hbm>>
      tpu.wait_indirect_dma semaphore(%arg19 : memref<!tpu.dma_semaphore, #tpu.memory_space<semaphore_mem>>) src(%dma_wait3A_341 : memref<819200xf32, #tpu.memory_space<hbm>>) dst(%dma_wait3A_337 : memref<128xf32, #tpu.memory_space<vmem>>)
      %dma_wait3A_342 = arith.constant 896 : i32
      %dma_wait3A_343 = tpu.memref_slice %arg15[%dma_wait3A_342] : memref<1024xf32, #tpu.memory_space<vmem>> -> memref<128xf32, #tpu.memory_space<vmem>>
      %dma_wait3A_344 = arith.constant 896 : i32
      %dma_wait3A_345 = tpu.memref_slice %arg13[%dma_wait3A_344] : memref<1024xi32, #tpu.memory_space<vmem>> -> memref<128xi32, #tpu.memory_space<vmem>>
      %dma_wait3A_346 = arith.constant 0 : i32
      %dma_wait3A_347 = tpu.memref_slice %arg4[%dma_wait3A_346] : memref<819200xf32, #tpu.memory_space<hbm>> -> memref<819200xf32, #tpu.memory_space<hbm>>
      tpu.wait_indirect_dma semaphore(%arg19 : memref<!tpu.dma_semaphore, #tpu.memory_space<semaphore_mem>>) src(%dma_wait3A_347 : memref<819200xf32, #tpu.memory_space<hbm>>) dst(%dma_wait3A_343 : memref<128xf32, #tpu.memory_space<vmem>>)
      %dma_wait3A_348 = arith.constant 0 : i32
      %dma_wait3A_349 = tpu.memref_slice %arg16[%dma_wait3A_348] : memref<1024xf32, #tpu.memory_space<vmem>> -> memref<128xf32, #tpu.memory_space<vmem>>
      %dma_wait3A_350 = arith.constant 0 : i32
      %dma_wait3A_351 = tpu.memref_slice %arg13[%dma_wait3A_350] : memref<1024xi32, #tpu.memory_space<vmem>> -> memref<128xi32, #tpu.memory_space<vmem>>
      %dma_wait3A_352 = arith.constant 0 : i32
      %dma_wait3A_353 = tpu.memref_slice %arg5[%dma_wait3A_352] : memref<819200xf32, #tpu.memory_space<hbm>> -> memref<819200xf32, #tpu.memory_space<hbm>>
      tpu.wait_indirect_dma semaphore(%arg19 : memref<!tpu.dma_semaphore, #tpu.memory_space<semaphore_mem>>) src(%dma_wait3A_353 : memref<819200xf32, #tpu.memory_space<hbm>>) dst(%dma_wait3A_349 : memref<128xf32, #tpu.memory_space<vmem>>)
      %dma_wait3A_354 = arith.constant 128 : i32
      %dma_wait3A_355 = tpu.memref_slice %arg16[%dma_wait3A_354] : memref<1024xf32, #tpu.memory_space<vmem>> -> memref<128xf32, #tpu.memory_space<vmem>>
      %dma_wait3A_356 = arith.constant 128 : i32
      %dma_wait3A_357 = tpu.memref_slice %arg13[%dma_wait3A_356] : memref<1024xi32, #tpu.memory_space<vmem>> -> memref<128xi32, #tpu.memory_space<vmem>>
      %dma_wait3A_358 = arith.constant 0 : i32
      %dma_wait3A_359 = tpu.memref_slice %arg5[%dma_wait3A_358] : memref<819200xf32, #tpu.memory_space<hbm>> -> memref<819200xf32, #tpu.memory_space<hbm>>
      tpu.wait_indirect_dma semaphore(%arg19 : memref<!tpu.dma_semaphore, #tpu.memory_space<semaphore_mem>>) src(%dma_wait3A_359 : memref<819200xf32, #tpu.memory_space<hbm>>) dst(%dma_wait3A_355 : memref<128xf32, #tpu.memory_space<vmem>>)
      %dma_wait3A_360 = arith.constant 256 : i32
      %dma_wait3A_361 = tpu.memref_slice %arg16[%dma_wait3A_360] : memref<1024xf32, #tpu.memory_space<vmem>> -> memref<128xf32, #tpu.memory_space<vmem>>
      %dma_wait3A_362 = arith.constant 256 : i32
      %dma_wait3A_363 = tpu.memref_slice %arg13[%dma_wait3A_362] : memref<1024xi32, #tpu.memory_space<vmem>> -> memref<128xi32, #tpu.memory_space<vmem>>
      %dma_wait3A_364 = arith.constant 0 : i32
      %dma_wait3A_365 = tpu.memref_slice %arg5[%dma_wait3A_364] : memref<819200xf32, #tpu.memory_space<hbm>> -> memref<819200xf32, #tpu.memory_space<hbm>>
      tpu.wait_indirect_dma semaphore(%arg19 : memref<!tpu.dma_semaphore, #tpu.memory_space<semaphore_mem>>) src(%dma_wait3A_365 : memref<819200xf32, #tpu.memory_space<hbm>>) dst(%dma_wait3A_361 : memref<128xf32, #tpu.memory_space<vmem>>)
      %dma_wait3A_366 = arith.constant 384 : i32
      %dma_wait3A_367 = tpu.memref_slice %arg16[%dma_wait3A_366] : memref<1024xf32, #tpu.memory_space<vmem>> -> memref<128xf32, #tpu.memory_space<vmem>>
      %dma_wait3A_368 = arith.constant 384 : i32
      %dma_wait3A_369 = tpu.memref_slice %arg13[%dma_wait3A_368] : memref<1024xi32, #tpu.memory_space<vmem>> -> memref<128xi32, #tpu.memory_space<vmem>>
      %dma_wait3A_370 = arith.constant 0 : i32
      %dma_wait3A_371 = tpu.memref_slice %arg5[%dma_wait3A_370] : memref<819200xf32, #tpu.memory_space<hbm>> -> memref<819200xf32, #tpu.memory_space<hbm>>
      tpu.wait_indirect_dma semaphore(%arg19 : memref<!tpu.dma_semaphore, #tpu.memory_space<semaphore_mem>>) src(%dma_wait3A_371 : memref<819200xf32, #tpu.memory_space<hbm>>) dst(%dma_wait3A_367 : memref<128xf32, #tpu.memory_space<vmem>>)
      %dma_wait3A_372 = arith.constant 512 : i32
      %dma_wait3A_373 = tpu.memref_slice %arg16[%dma_wait3A_372] : memref<1024xf32, #tpu.memory_space<vmem>> -> memref<128xf32, #tpu.memory_space<vmem>>
      %dma_wait3A_374 = arith.constant 512 : i32
      %dma_wait3A_375 = tpu.memref_slice %arg13[%dma_wait3A_374] : memref<1024xi32, #tpu.memory_space<vmem>> -> memref<128xi32, #tpu.memory_space<vmem>>
      %dma_wait3A_376 = arith.constant 0 : i32
      %dma_wait3A_377 = tpu.memref_slice %arg5[%dma_wait3A_376] : memref<819200xf32, #tpu.memory_space<hbm>> -> memref<819200xf32, #tpu.memory_space<hbm>>
      tpu.wait_indirect_dma semaphore(%arg19 : memref<!tpu.dma_semaphore, #tpu.memory_space<semaphore_mem>>) src(%dma_wait3A_377 : memref<819200xf32, #tpu.memory_space<hbm>>) dst(%dma_wait3A_373 : memref<128xf32, #tpu.memory_space<vmem>>)
      %dma_wait3A_378 = arith.constant 640 : i32
      %dma_wait3A_379 = tpu.memref_slice %arg16[%dma_wait3A_378] : memref<1024xf32, #tpu.memory_space<vmem>> -> memref<128xf32, #tpu.memory_space<vmem>>
      %dma_wait3A_380 = arith.constant 640 : i32
      %dma_wait3A_381 = tpu.memref_slice %arg13[%dma_wait3A_380] : memref<1024xi32, #tpu.memory_space<vmem>> -> memref<128xi32, #tpu.memory_space<vmem>>
      %dma_wait3A_382 = arith.constant 0 : i32
      %dma_wait3A_383 = tpu.memref_slice %arg5[%dma_wait3A_382] : memref<819200xf32, #tpu.memory_space<hbm>> -> memref<819200xf32, #tpu.memory_space<hbm>>
      tpu.wait_indirect_dma semaphore(%arg19 : memref<!tpu.dma_semaphore, #tpu.memory_space<semaphore_mem>>) src(%dma_wait3A_383 : memref<819200xf32, #tpu.memory_space<hbm>>) dst(%dma_wait3A_379 : memref<128xf32, #tpu.memory_space<vmem>>)
      %dma_wait3A_384 = arith.constant 768 : i32
      %dma_wait3A_385 = tpu.memref_slice %arg16[%dma_wait3A_384] : memref<1024xf32, #tpu.memory_space<vmem>> -> memref<128xf32, #tpu.memory_space<vmem>>
      %dma_wait3A_386 = arith.constant 768 : i32
      %dma_wait3A_387 = tpu.memref_slice %arg13[%dma_wait3A_386] : memref<1024xi32, #tpu.memory_space<vmem>> -> memref<128xi32, #tpu.memory_space<vmem>>
      %dma_wait3A_388 = arith.constant 0 : i32
      %dma_wait3A_389 = tpu.memref_slice %arg5[%dma_wait3A_388] : memref<819200xf32, #tpu.memory_space<hbm>> -> memref<819200xf32, #tpu.memory_space<hbm>>
      tpu.wait_indirect_dma semaphore(%arg19 : memref<!tpu.dma_semaphore, #tpu.memory_space<semaphore_mem>>) src(%dma_wait3A_389 : memref<819200xf32, #tpu.memory_space<hbm>>) dst(%dma_wait3A_385 : memref<128xf32, #tpu.memory_space<vmem>>)
      %dma_wait3A_390 = arith.constant 896 : i32
      %dma_wait3A_391 = tpu.memref_slice %arg16[%dma_wait3A_390] : memref<1024xf32, #tpu.memory_space<vmem>> -> memref<128xf32, #tpu.memory_space<vmem>>
      %dma_wait3A_392 = arith.constant 896 : i32
      %dma_wait3A_393 = tpu.memref_slice %arg13[%dma_wait3A_392] : memref<1024xi32, #tpu.memory_space<vmem>> -> memref<128xi32, #tpu.memory_space<vmem>>
      %dma_wait3A_394 = arith.constant 0 : i32
      %dma_wait3A_395 = tpu.memref_slice %arg5[%dma_wait3A_394] : memref<819200xf32, #tpu.memory_space<hbm>> -> memref<819200xf32, #tpu.memory_space<hbm>>
      tpu.wait_indirect_dma semaphore(%arg19 : memref<!tpu.dma_semaphore, #tpu.memory_space<semaphore_mem>>) src(%dma_wait3A_395 : memref<819200xf32, #tpu.memory_space<hbm>>) dst(%dma_wait3A_391 : memref<128xf32, #tpu.memory_space<vmem>>)
      %dma_wait3A_396 = arith.constant 0 : i32
      %dma_wait3A_397 = tpu.memref_slice %arg17[%dma_wait3A_396] : memref<1024xf32, #tpu.memory_space<vmem>> -> memref<128xf32, #tpu.memory_space<vmem>>
      %dma_wait3A_398 = arith.constant 0 : i32
      %dma_wait3A_399 = tpu.memref_slice %arg13[%dma_wait3A_398] : memref<1024xi32, #tpu.memory_space<vmem>> -> memref<128xi32, #tpu.memory_space<vmem>>
      %dma_wait3A_400 = arith.constant 0 : i32
      %dma_wait3A_401 = tpu.memref_slice %arg6[%dma_wait3A_400] : memref<819200xf32, #tpu.memory_space<hbm>> -> memref<819200xf32, #tpu.memory_space<hbm>>
      tpu.wait_indirect_dma semaphore(%arg19 : memref<!tpu.dma_semaphore, #tpu.memory_space<semaphore_mem>>) src(%dma_wait3A_401 : memref<819200xf32, #tpu.memory_space<hbm>>) dst(%dma_wait3A_397 : memref<128xf32, #tpu.memory_space<vmem>>)
      %dma_wait3A_402 = arith.constant 128 : i32
      %dma_wait3A_403 = tpu.memref_slice %arg17[%dma_wait3A_402] : memref<1024xf32, #tpu.memory_space<vmem>> -> memref<128xf32, #tpu.memory_space<vmem>>
      %dma_wait3A_404 = arith.constant 128 : i32
      %dma_wait3A_405 = tpu.memref_slice %arg13[%dma_wait3A_404] : memref<1024xi32, #tpu.memory_space<vmem>> -> memref<128xi32, #tpu.memory_space<vmem>>
      %dma_wait3A_406 = arith.constant 0 : i32
      %dma_wait3A_407 = tpu.memref_slice %arg6[%dma_wait3A_406] : memref<819200xf32, #tpu.memory_space<hbm>> -> memref<819200xf32, #tpu.memory_space<hbm>>
      tpu.wait_indirect_dma semaphore(%arg19 : memref<!tpu.dma_semaphore, #tpu.memory_space<semaphore_mem>>) src(%dma_wait3A_407 : memref<819200xf32, #tpu.memory_space<hbm>>) dst(%dma_wait3A_403 : memref<128xf32, #tpu.memory_space<vmem>>)
      %dma_wait3A_408 = arith.constant 256 : i32
      %dma_wait3A_409 = tpu.memref_slice %arg17[%dma_wait3A_408] : memref<1024xf32, #tpu.memory_space<vmem>> -> memref<128xf32, #tpu.memory_space<vmem>>
      %dma_wait3A_410 = arith.constant 256 : i32
      %dma_wait3A_411 = tpu.memref_slice %arg13[%dma_wait3A_410] : memref<1024xi32, #tpu.memory_space<vmem>> -> memref<128xi32, #tpu.memory_space<vmem>>
      %dma_wait3A_412 = arith.constant 0 : i32
      %dma_wait3A_413 = tpu.memref_slice %arg6[%dma_wait3A_412] : memref<819200xf32, #tpu.memory_space<hbm>> -> memref<819200xf32, #tpu.memory_space<hbm>>
      tpu.wait_indirect_dma semaphore(%arg19 : memref<!tpu.dma_semaphore, #tpu.memory_space<semaphore_mem>>) src(%dma_wait3A_413 : memref<819200xf32, #tpu.memory_space<hbm>>) dst(%dma_wait3A_409 : memref<128xf32, #tpu.memory_space<vmem>>)
      %dma_wait3A_414 = arith.constant 384 : i32
      %dma_wait3A_415 = tpu.memref_slice %arg17[%dma_wait3A_414] : memref<1024xf32, #tpu.memory_space<vmem>> -> memref<128xf32, #tpu.memory_space<vmem>>
      %dma_wait3A_416 = arith.constant 384 : i32
      %dma_wait3A_417 = tpu.memref_slice %arg13[%dma_wait3A_416] : memref<1024xi32, #tpu.memory_space<vmem>> -> memref<128xi32, #tpu.memory_space<vmem>>
      %dma_wait3A_418 = arith.constant 0 : i32
      %dma_wait3A_419 = tpu.memref_slice %arg6[%dma_wait3A_418] : memref<819200xf32, #tpu.memory_space<hbm>> -> memref<819200xf32, #tpu.memory_space<hbm>>
      tpu.wait_indirect_dma semaphore(%arg19 : memref<!tpu.dma_semaphore, #tpu.memory_space<semaphore_mem>>) src(%dma_wait3A_419 : memref<819200xf32, #tpu.memory_space<hbm>>) dst(%dma_wait3A_415 : memref<128xf32, #tpu.memory_space<vmem>>)
      %dma_wait3A_420 = arith.constant 512 : i32
      %dma_wait3A_421 = tpu.memref_slice %arg17[%dma_wait3A_420] : memref<1024xf32, #tpu.memory_space<vmem>> -> memref<128xf32, #tpu.memory_space<vmem>>
      %dma_wait3A_422 = arith.constant 512 : i32
      %dma_wait3A_423 = tpu.memref_slice %arg13[%dma_wait3A_422] : memref<1024xi32, #tpu.memory_space<vmem>> -> memref<128xi32, #tpu.memory_space<vmem>>
      %dma_wait3A_424 = arith.constant 0 : i32
      %dma_wait3A_425 = tpu.memref_slice %arg6[%dma_wait3A_424] : memref<819200xf32, #tpu.memory_space<hbm>> -> memref<819200xf32, #tpu.memory_space<hbm>>
      tpu.wait_indirect_dma semaphore(%arg19 : memref<!tpu.dma_semaphore, #tpu.memory_space<semaphore_mem>>) src(%dma_wait3A_425 : memref<819200xf32, #tpu.memory_space<hbm>>) dst(%dma_wait3A_421 : memref<128xf32, #tpu.memory_space<vmem>>)
      %dma_wait3A_426 = arith.constant 640 : i32
      %dma_wait3A_427 = tpu.memref_slice %arg17[%dma_wait3A_426] : memref<1024xf32, #tpu.memory_space<vmem>> -> memref<128xf32, #tpu.memory_space<vmem>>
      %dma_wait3A_428 = arith.constant 640 : i32
      %dma_wait3A_429 = tpu.memref_slice %arg13[%dma_wait3A_428] : memref<1024xi32, #tpu.memory_space<vmem>> -> memref<128xi32, #tpu.memory_space<vmem>>
      %dma_wait3A_430 = arith.constant 0 : i32
      %dma_wait3A_431 = tpu.memref_slice %arg6[%dma_wait3A_430] : memref<819200xf32, #tpu.memory_space<hbm>> -> memref<819200xf32, #tpu.memory_space<hbm>>
      tpu.wait_indirect_dma semaphore(%arg19 : memref<!tpu.dma_semaphore, #tpu.memory_space<semaphore_mem>>) src(%dma_wait3A_431 : memref<819200xf32, #tpu.memory_space<hbm>>) dst(%dma_wait3A_427 : memref<128xf32, #tpu.memory_space<vmem>>)
      %dma_wait3A_432 = arith.constant 768 : i32
      %dma_wait3A_433 = tpu.memref_slice %arg17[%dma_wait3A_432] : memref<1024xf32, #tpu.memory_space<vmem>> -> memref<128xf32, #tpu.memory_space<vmem>>
      %dma_wait3A_434 = arith.constant 768 : i32
      %dma_wait3A_435 = tpu.memref_slice %arg13[%dma_wait3A_434] : memref<1024xi32, #tpu.memory_space<vmem>> -> memref<128xi32, #tpu.memory_space<vmem>>
      %dma_wait3A_436 = arith.constant 0 : i32
      %dma_wait3A_437 = tpu.memref_slice %arg6[%dma_wait3A_436] : memref<819200xf32, #tpu.memory_space<hbm>> -> memref<819200xf32, #tpu.memory_space<hbm>>
      tpu.wait_indirect_dma semaphore(%arg19 : memref<!tpu.dma_semaphore, #tpu.memory_space<semaphore_mem>>) src(%dma_wait3A_437 : memref<819200xf32, #tpu.memory_space<hbm>>) dst(%dma_wait3A_433 : memref<128xf32, #tpu.memory_space<vmem>>)
      %dma_wait3A_438 = arith.constant 896 : i32
      %dma_wait3A_439 = tpu.memref_slice %arg17[%dma_wait3A_438] : memref<1024xf32, #tpu.memory_space<vmem>> -> memref<128xf32, #tpu.memory_space<vmem>>
      %dma_wait3A_440 = arith.constant 896 : i32
      %dma_wait3A_441 = tpu.memref_slice %arg13[%dma_wait3A_440] : memref<1024xi32, #tpu.memory_space<vmem>> -> memref<128xi32, #tpu.memory_space<vmem>>
      %dma_wait3A_442 = arith.constant 0 : i32
      %dma_wait3A_443 = tpu.memref_slice %arg6[%dma_wait3A_442] : memref<819200xf32, #tpu.memory_space<hbm>> -> memref<819200xf32, #tpu.memory_space<hbm>>
      tpu.wait_indirect_dma semaphore(%arg19 : memref<!tpu.dma_semaphore, #tpu.memory_space<semaphore_mem>>) src(%dma_wait3A_443 : memref<819200xf32, #tpu.memory_space<hbm>>) dst(%dma_wait3A_439 : memref<128xf32, #tpu.memory_space<vmem>>)
      %dma_wait3A_444 = arith.constant 0 : i32
      %dma_wait3A_445 = tpu.memref_slice %arg18[%dma_wait3A_444] : memref<1024xf32, #tpu.memory_space<vmem>> -> memref<128xf32, #tpu.memory_space<vmem>>
      %dma_wait3A_446 = arith.constant 0 : i32
      %dma_wait3A_447 = tpu.memref_slice %arg13[%dma_wait3A_446] : memref<1024xi32, #tpu.memory_space<vmem>> -> memref<128xi32, #tpu.memory_space<vmem>>
      %dma_wait3A_448 = arith.constant 0 : i32
      %dma_wait3A_449 = tpu.memref_slice %arg7[%dma_wait3A_448] : memref<819200xf32, #tpu.memory_space<hbm>> -> memref<819200xf32, #tpu.memory_space<hbm>>
      tpu.wait_indirect_dma semaphore(%arg19 : memref<!tpu.dma_semaphore, #tpu.memory_space<semaphore_mem>>) src(%dma_wait3A_449 : memref<819200xf32, #tpu.memory_space<hbm>>) dst(%dma_wait3A_445 : memref<128xf32, #tpu.memory_space<vmem>>)
      %dma_wait3A_450 = arith.constant 128 : i32
      %dma_wait3A_451 = tpu.memref_slice %arg18[%dma_wait3A_450] : memref<1024xf32, #tpu.memory_space<vmem>> -> memref<128xf32, #tpu.memory_space<vmem>>
      %dma_wait3A_452 = arith.constant 128 : i32
      %dma_wait3A_453 = tpu.memref_slice %arg13[%dma_wait3A_452] : memref<1024xi32, #tpu.memory_space<vmem>> -> memref<128xi32, #tpu.memory_space<vmem>>
      %dma_wait3A_454 = arith.constant 0 : i32
      %dma_wait3A_455 = tpu.memref_slice %arg7[%dma_wait3A_454] : memref<819200xf32, #tpu.memory_space<hbm>> -> memref<819200xf32, #tpu.memory_space<hbm>>
      tpu.wait_indirect_dma semaphore(%arg19 : memref<!tpu.dma_semaphore, #tpu.memory_space<semaphore_mem>>) src(%dma_wait3A_455 : memref<819200xf32, #tpu.memory_space<hbm>>) dst(%dma_wait3A_451 : memref<128xf32, #tpu.memory_space<vmem>>)
      %dma_wait3A_456 = arith.constant 256 : i32
      %dma_wait3A_457 = tpu.memref_slice %arg18[%dma_wait3A_456] : memref<1024xf32, #tpu.memory_space<vmem>> -> memref<128xf32, #tpu.memory_space<vmem>>
      %dma_wait3A_458 = arith.constant 256 : i32
      %dma_wait3A_459 = tpu.memref_slice %arg13[%dma_wait3A_458] : memref<1024xi32, #tpu.memory_space<vmem>> -> memref<128xi32, #tpu.memory_space<vmem>>
      %dma_wait3A_460 = arith.constant 0 : i32
      %dma_wait3A_461 = tpu.memref_slice %arg7[%dma_wait3A_460] : memref<819200xf32, #tpu.memory_space<hbm>> -> memref<819200xf32, #tpu.memory_space<hbm>>
      tpu.wait_indirect_dma semaphore(%arg19 : memref<!tpu.dma_semaphore, #tpu.memory_space<semaphore_mem>>) src(%dma_wait3A_461 : memref<819200xf32, #tpu.memory_space<hbm>>) dst(%dma_wait3A_457 : memref<128xf32, #tpu.memory_space<vmem>>)
      %dma_wait3A_462 = arith.constant 384 : i32
      %dma_wait3A_463 = tpu.memref_slice %arg18[%dma_wait3A_462] : memref<1024xf32, #tpu.memory_space<vmem>> -> memref<128xf32, #tpu.memory_space<vmem>>
      %dma_wait3A_464 = arith.constant 384 : i32
      %dma_wait3A_465 = tpu.memref_slice %arg13[%dma_wait3A_464] : memref<1024xi32, #tpu.memory_space<vmem>> -> memref<128xi32, #tpu.memory_space<vmem>>
      %dma_wait3A_466 = arith.constant 0 : i32
      %dma_wait3A_467 = tpu.memref_slice %arg7[%dma_wait3A_466] : memref<819200xf32, #tpu.memory_space<hbm>> -> memref<819200xf32, #tpu.memory_space<hbm>>
      tpu.wait_indirect_dma semaphore(%arg19 : memref<!tpu.dma_semaphore, #tpu.memory_space<semaphore_mem>>) src(%dma_wait3A_467 : memref<819200xf32, #tpu.memory_space<hbm>>) dst(%dma_wait3A_463 : memref<128xf32, #tpu.memory_space<vmem>>)
      %dma_wait3A_468 = arith.constant 512 : i32
      %dma_wait3A_469 = tpu.memref_slice %arg18[%dma_wait3A_468] : memref<1024xf32, #tpu.memory_space<vmem>> -> memref<128xf32, #tpu.memory_space<vmem>>
      %dma_wait3A_470 = arith.constant 512 : i32
      %dma_wait3A_471 = tpu.memref_slice %arg13[%dma_wait3A_470] : memref<1024xi32, #tpu.memory_space<vmem>> -> memref<128xi32, #tpu.memory_space<vmem>>
      %dma_wait3A_472 = arith.constant 0 : i32
      %dma_wait3A_473 = tpu.memref_slice %arg7[%dma_wait3A_472] : memref<819200xf32, #tpu.memory_space<hbm>> -> memref<819200xf32, #tpu.memory_space<hbm>>
      tpu.wait_indirect_dma semaphore(%arg19 : memref<!tpu.dma_semaphore, #tpu.memory_space<semaphore_mem>>) src(%dma_wait3A_473 : memref<819200xf32, #tpu.memory_space<hbm>>) dst(%dma_wait3A_469 : memref<128xf32, #tpu.memory_space<vmem>>)
      %dma_wait3A_474 = arith.constant 640 : i32
      %dma_wait3A_475 = tpu.memref_slice %arg18[%dma_wait3A_474] : memref<1024xf32, #tpu.memory_space<vmem>> -> memref<128xf32, #tpu.memory_space<vmem>>
      %dma_wait3A_476 = arith.constant 640 : i32
      %dma_wait3A_477 = tpu.memref_slice %arg13[%dma_wait3A_476] : memref<1024xi32, #tpu.memory_space<vmem>> -> memref<128xi32, #tpu.memory_space<vmem>>
      %dma_wait3A_478 = arith.constant 0 : i32
      %dma_wait3A_479 = tpu.memref_slice %arg7[%dma_wait3A_478] : memref<819200xf32, #tpu.memory_space<hbm>> -> memref<819200xf32, #tpu.memory_space<hbm>>
      tpu.wait_indirect_dma semaphore(%arg19 : memref<!tpu.dma_semaphore, #tpu.memory_space<semaphore_mem>>) src(%dma_wait3A_479 : memref<819200xf32, #tpu.memory_space<hbm>>) dst(%dma_wait3A_475 : memref<128xf32, #tpu.memory_space<vmem>>)
      %dma_wait3A_480 = arith.constant 768 : i32
      %dma_wait3A_481 = tpu.memref_slice %arg18[%dma_wait3A_480] : memref<1024xf32, #tpu.memory_space<vmem>> -> memref<128xf32, #tpu.memory_space<vmem>>
      %dma_wait3A_482 = arith.constant 768 : i32
      %dma_wait3A_483 = tpu.memref_slice %arg13[%dma_wait3A_482] : memref<1024xi32, #tpu.memory_space<vmem>> -> memref<128xi32, #tpu.memory_space<vmem>>
      %dma_wait3A_484 = arith.constant 0 : i32
      %dma_wait3A_485 = tpu.memref_slice %arg7[%dma_wait3A_484] : memref<819200xf32, #tpu.memory_space<hbm>> -> memref<819200xf32, #tpu.memory_space<hbm>>
      tpu.wait_indirect_dma semaphore(%arg19 : memref<!tpu.dma_semaphore, #tpu.memory_space<semaphore_mem>>) src(%dma_wait3A_485 : memref<819200xf32, #tpu.memory_space<hbm>>) dst(%dma_wait3A_481 : memref<128xf32, #tpu.memory_space<vmem>>)
      %dma_wait3A_486 = arith.constant 896 : i32
      %dma_wait3A_487 = tpu.memref_slice %arg18[%dma_wait3A_486] : memref<1024xf32, #tpu.memory_space<vmem>> -> memref<128xf32, #tpu.memory_space<vmem>>
      %dma_wait3A_488 = arith.constant 896 : i32
      %dma_wait3A_489 = tpu.memref_slice %arg13[%dma_wait3A_488] : memref<1024xi32, #tpu.memory_space<vmem>> -> memref<128xi32, #tpu.memory_space<vmem>>
      %dma_wait3A_490 = arith.constant 0 : i32
      %dma_wait3A_491 = tpu.memref_slice %arg7[%dma_wait3A_490] : memref<819200xf32, #tpu.memory_space<hbm>> -> memref<819200xf32, #tpu.memory_space<hbm>>
      tpu.wait_indirect_dma semaphore(%arg19 : memref<!tpu.dma_semaphore, #tpu.memory_space<semaphore_mem>>) src(%dma_wait3A_491 : memref<819200xf32, #tpu.memory_space<hbm>>) dst(%dma_wait3A_487 : memref<128xf32, #tpu.memory_space<vmem>>)
      "tpu.region"() ({
        %run_scoped3A = tpu.sem_alloc : memref<!tpu.dma_semaphore, #tpu.memory_space<semaphore_mem>>
        %dma_start3A_493 = tpu.memref_slice %arg8[%add3A_13] : memref<819200xi32, #tpu.memory_space<hbm>> -> memref<1024xi32, #tpu.memory_space<hbm>>
        %dma_start3A_494 = tpu.memref_slice %arg8[%add3A_13] : memref<819200xi32, #tpu.memory_space<hbm>> -> memref<1024xi32, #tpu.memory_space<hbm>>
        tpu.enqueue_dma source(%arg14 : memref<1024xi32, #tpu.memory_space<vmem>>) target(%dma_start3A_494 : memref<1024xi32, #tpu.memory_space<hbm>>) target_semaphore(%run_scoped3A : memref<!tpu.dma_semaphore, #tpu.memory_space<semaphore_mem>>)
        %dma_wait3A_495 = tpu.memref_slice %arg8[%add3A_13] : memref<819200xi32, #tpu.memory_space<hbm>> -> memref<1024xi32, #tpu.memory_space<hbm>>
        %dma_wait3A_496 = tpu.memref_slice %arg8[%add3A_13] : memref<819200xi32, #tpu.memory_space<hbm>> -> memref<1024xi32, #tpu.memory_space<hbm>>
        tpu.wait_dma2 semaphore(%run_scoped3A : memref<!tpu.dma_semaphore, #tpu.memory_space<semaphore_mem>>) src(%arg14 : memref<1024xi32, #tpu.memory_space<vmem>>) dst(%dma_wait3A_496 : memref<1024xi32, #tpu.memory_space<hbm>>)
        tpu.yield
      }) : () -> ()
      "tpu.region"() ({
        %run_scoped3A = tpu.sem_alloc : memref<!tpu.dma_semaphore, #tpu.memory_space<semaphore_mem>>
        %dma_start3A_493 = tpu.memref_slice %arg9[%add3A_13] : memref<819200xf32, #tpu.memory_space<hbm>> -> memref<1024xf32, #tpu.memory_space<hbm>>
        %dma_start3A_494 = tpu.memref_slice %arg9[%add3A_13] : memref<819200xf32, #tpu.memory_space<hbm>> -> memref<1024xf32, #tpu.memory_space<hbm>>
        tpu.enqueue_dma source(%arg15 : memref<1024xf32, #tpu.memory_space<vmem>>) target(%dma_start3A_494 : memref<1024xf32, #tpu.memory_space<hbm>>) target_semaphore(%run_scoped3A : memref<!tpu.dma_semaphore, #tpu.memory_space<semaphore_mem>>)
        %dma_wait3A_495 = tpu.memref_slice %arg9[%add3A_13] : memref<819200xf32, #tpu.memory_space<hbm>> -> memref<1024xf32, #tpu.memory_space<hbm>>
        %dma_wait3A_496 = tpu.memref_slice %arg9[%add3A_13] : memref<819200xf32, #tpu.memory_space<hbm>> -> memref<1024xf32, #tpu.memory_space<hbm>>
        tpu.wait_dma2 semaphore(%run_scoped3A : memref<!tpu.dma_semaphore, #tpu.memory_space<semaphore_mem>>) src(%arg15 : memref<1024xf32, #tpu.memory_space<vmem>>) dst(%dma_wait3A_496 : memref<1024xf32, #tpu.memory_space<hbm>>)
        tpu.yield
      }) : () -> ()
      "tpu.region"() ({
        %run_scoped3A = tpu.sem_alloc : memref<!tpu.dma_semaphore, #tpu.memory_space<semaphore_mem>>
        %dma_start3A_493 = tpu.memref_slice %arg10[%add3A_13] : memref<819200xf32, #tpu.memory_space<hbm>> -> memref<1024xf32, #tpu.memory_space<hbm>>
        %dma_start3A_494 = tpu.memref_slice %arg10[%add3A_13] : memref<819200xf32, #tpu.memory_space<hbm>> -> memref<1024xf32, #tpu.memory_space<hbm>>
        tpu.enqueue_dma source(%arg16 : memref<1024xf32, #tpu.memory_space<vmem>>) target(%dma_start3A_494 : memref<1024xf32, #tpu.memory_space<hbm>>) target_semaphore(%run_scoped3A : memref<!tpu.dma_semaphore, #tpu.memory_space<semaphore_mem>>)
        %dma_wait3A_495 = tpu.memref_slice %arg10[%add3A_13] : memref<819200xf32, #tpu.memory_space<hbm>> -> memref<1024xf32, #tpu.memory_space<hbm>>
        %dma_wait3A_496 = tpu.memref_slice %arg10[%add3A_13] : memref<819200xf32, #tpu.memory_space<hbm>> -> memref<1024xf32, #tpu.memory_space<hbm>>
        tpu.wait_dma2 semaphore(%run_scoped3A : memref<!tpu.dma_semaphore, #tpu.memory_space<semaphore_mem>>) src(%arg16 : memref<1024xf32, #tpu.memory_space<vmem>>) dst(%dma_wait3A_496 : memref<1024xf32, #tpu.memory_space<hbm>>)
        tpu.yield
      }) : () -> ()
      "tpu.region"() ({
        %run_scoped3A = tpu.sem_alloc : memref<!tpu.dma_semaphore, #tpu.memory_space<semaphore_mem>>
        %dma_start3A_493 = tpu.memref_slice %arg11[%add3A_13] : memref<819200xf32, #tpu.memory_space<hbm>> -> memref<1024xf32, #tpu.memory_space<hbm>>
        %dma_start3A_494 = tpu.memref_slice %arg11[%add3A_13] : memref<819200xf32, #tpu.memory_space<hbm>> -> memref<1024xf32, #tpu.memory_space<hbm>>
        tpu.enqueue_dma source(%arg17 : memref<1024xf32, #tpu.memory_space<vmem>>) target(%dma_start3A_494 : memref<1024xf32, #tpu.memory_space<hbm>>) target_semaphore(%run_scoped3A : memref<!tpu.dma_semaphore, #tpu.memory_space<semaphore_mem>>)
        %dma_wait3A_495 = tpu.memref_slice %arg11[%add3A_13] : memref<819200xf32, #tpu.memory_space<hbm>> -> memref<1024xf32, #tpu.memory_space<hbm>>
        %dma_wait3A_496 = tpu.memref_slice %arg11[%add3A_13] : memref<819200xf32, #tpu.memory_space<hbm>> -> memref<1024xf32, #tpu.memory_space<hbm>>
        tpu.wait_dma2 semaphore(%run_scoped3A : memref<!tpu.dma_semaphore, #tpu.memory_space<semaphore_mem>>) src(%arg17 : memref<1024xf32, #tpu.memory_space<vmem>>) dst(%dma_wait3A_496 : memref<1024xf32, #tpu.memory_space<hbm>>)
        tpu.yield
      }) : () -> ()
      "tpu.region"() ({
        %run_scoped3A = tpu.sem_alloc : memref<!tpu.dma_semaphore, #tpu.memory_space<semaphore_mem>>
        %dma_start3A_493 = tpu.memref_slice %arg12[%add3A_13] : memref<819200xf32, #tpu.memory_space<hbm>> -> memref<1024xf32, #tpu.memory_space<hbm>>
        %dma_start3A_494 = tpu.memref_slice %arg12[%add3A_13] : memref<819200xf32, #tpu.memory_space<hbm>> -> memref<1024xf32, #tpu.memory_space<hbm>>
        tpu.enqueue_dma source(%arg18 : memref<1024xf32, #tpu.memory_space<vmem>>) target(%dma_start3A_494 : memref<1024xf32, #tpu.memory_space<hbm>>) target_semaphore(%run_scoped3A : memref<!tpu.dma_semaphore, #tpu.memory_space<semaphore_mem>>)
        %dma_wait3A_495 = tpu.memref_slice %arg12[%add3A_13] : memref<819200xf32, #tpu.memory_space<hbm>> -> memref<1024xf32, #tpu.memory_space<hbm>>
        %dma_wait3A_496 = tpu.memref_slice %arg12[%add3A_13] : memref<819200xf32, #tpu.memory_space<hbm>> -> memref<1024xf32, #tpu.memory_space<hbm>>
        tpu.wait_dma2 semaphore(%run_scoped3A : memref<!tpu.dma_semaphore, #tpu.memory_space<semaphore_mem>>) src(%arg18 : memref<1024xf32, #tpu.memory_space<vmem>>) dst(%dma_wait3A_496 : memref<1024xf32, #tpu.memory_space<hbm>>)
        tpu.yield
      }) : () -> ()
      %scan3A_492 = arith.constant 0 : i32
      scf.yield %scan3A_492 : i32
    }
    %scan3A_8 = arith.constant 25 : i32
    return
  }
}

module attributes {stable_mosaic.version = 14 : i64} {
  func.func @_edge_body(%arg0: i32, %arg1: memref<1x1x2048xf32, #tpu.memory_space<vmem>>, %arg2: memref<1x1x2048xf32, #tpu.memory_space<vmem>>, %arg3: memref<1x1x2048xf32, #tpu.memory_space<vmem>>, %arg4: memref<1x1x2048xf32, #tpu.memory_space<vmem>>, %arg5: memref<1x1x2048xi32, #tpu.memory_space<vmem>>, %arg6: memref<8x16xf32, #tpu.memory_space<vmem>>, %arg7: memref<17x64xf32, #tpu.memory_space<vmem>>, %arg8: memref<1x64xf32, #tpu.memory_space<vmem>>, %arg9: memref<64x64xf32, #tpu.memory_space<vmem>>, %arg10: memref<1x64xf32, #tpu.memory_space<vmem>>, %arg11: memref<64x64xf32, #tpu.memory_space<vmem>>, %arg12: memref<1x64xf32, #tpu.memory_space<vmem>>, %arg13: memref<64x64xf32, #tpu.memory_space<vmem>>, %arg14: memref<1x64xf32, #tpu.memory_space<vmem>>, %arg15: memref<2048x256xf32, #tpu.memory_space<vmem>>) attributes {dimension_semantics = [#tpu.dimension_semantics<arbitrary>], iteration_bounds = array<i64: 400>, scalar_prefetch = 0 : i64, scratch_operands = 0 : i64, tpu.core_type = #tpu.core_type<tc>, window_params = [{transform_indices = @transform_0, window_bounds = array<i64: 1, 1, 2048>}, {transform_indices = @transform_1, window_bounds = array<i64: 1, 1, 2048>}, {transform_indices = @transform_2, window_bounds = array<i64: 1, 1, 2048>}, {transform_indices = @transform_3, window_bounds = array<i64: 1, 1, 2048>}, {transform_indices = @transform_4, window_bounds = array<i64: 1, 1, 2048>}, {pipeline_mode = #tpu.pipeline_mode<synchronous>, transform_indices = @transform_5, window_bounds = array<i64: 8, 16>}, {pipeline_mode = #tpu.pipeline_mode<synchronous>, transform_indices = @transform_6, window_bounds = array<i64: 17, 64>}, {pipeline_mode = #tpu.pipeline_mode<synchronous>, transform_indices = @transform_7, window_bounds = array<i64: 1, 64>}, {pipeline_mode = #tpu.pipeline_mode<synchronous>, transform_indices = @transform_8, window_bounds = array<i64: 64, 64>}, {pipeline_mode = #tpu.pipeline_mode<synchronous>, transform_indices = @transform_9, window_bounds = array<i64: 1, 64>}, {pipeline_mode = #tpu.pipeline_mode<synchronous>, transform_indices = @transform_10, window_bounds = array<i64: 64, 64>}, {pipeline_mode = #tpu.pipeline_mode<synchronous>, transform_indices = @transform_11, window_bounds = array<i64: 1, 64>}, {pipeline_mode = #tpu.pipeline_mode<synchronous>, transform_indices = @transform_12, window_bounds = array<i64: 64, 64>}, {pipeline_mode = #tpu.pipeline_mode<synchronous>, transform_indices = @transform_13, window_bounds = array<i64: 1, 64>}, {transform_indices = @transform_14, window_bounds = array<i64: 2048, 256>}]} {
    %get3A = arith.constant 0 : index
    %get3A_0 = arith.constant 0 : index
    %get3A_1 = arith.constant 0 : index
    %get3A_2 = vector.load %arg1[%get3A, %get3A_0, %get3A_1] : memref<1x1x2048xf32, #tpu.memory_space<vmem>>, vector<1x1x2048xf32>
    %get3A_3 = vector.shape_cast %get3A_2 : vector<1x1x2048xf32> to vector<1x2048xf32>
    %max3A = arith.constant 9.99999993E-9 : f32
    %max3A_4 = vector.broadcast %max3A : f32 to vector<1x2048xf32>
    %max3A_5 = arith.maximumf %get3A_3, %max3A_4 : vector<1x2048xf32>
    %mul3A = arith.constant 2.000000e-01 : f32
    %mul3A_6 = vector.broadcast %mul3A : f32 to vector<1x2048xf32>
    %mul3A_7 = arith.mulf %get3A_3, %mul3A_6 : vector<1x2048xf32>
    %lt3A = arith.constant 1.000000e+00 : f32
    %lt3A_8 = vector.broadcast %lt3A : f32 to vector<1x2048xf32>
    %lt3A_9 = arith.cmpf olt, %mul3A_7, %lt3A_8 : vector<1x2048xf32>
    %mul3A_10 = arith.mulf %mul3A_7, %mul3A_7 : vector<1x2048xf32>
    %sub3A = arith.constant 1.000000e+00 : f32
    %sub3A_11 = vector.broadcast %sub3A : f32 to vector<1x2048xf32>
    %sub3A_12 = arith.subf %sub3A_11, %mul3A_10 : vector<1x2048xf32>
    %jit3A = arith.constant 1.000000e+00 : f32
    %broadcast_in_dim3A = vector.broadcast %jit3A : f32 to vector<1x2048xf32>
    %select_n3A = arith.select %lt3A_9, %sub3A_12, %broadcast_in_dim3A : vector<1x2048xi1>, vector<1x2048xf32>
    %div3A = arith.constant 1.000000e+00 : f32
    %div3A_13 = vector.broadcast %div3A : f32 to vector<1x2048xf32>
    %div3A_14 = arith.divf %div3A_13, %select_n3A : vector<1x2048xf32>
    %sub3A_15 = arith.constant 1.000000e+00 : f32
    %sub3A_16 = vector.broadcast %sub3A_15 : f32 to vector<1x2048xf32>
    %sub3A_17 = arith.subf %sub3A_16, %div3A_14 : vector<1x2048xf32>
    %exp3A = math.exp %sub3A_17 : vector<1x2048xf32>
    %jit3A_18 = arith.constant 0.000000e+00 : f32
    %broadcast_in_dim3A_19 = vector.broadcast %jit3A_18 : f32 to vector<1x2048xf32>
    %select_n3A_20 = arith.select %lt3A_9, %exp3A, %broadcast_in_dim3A_19 : vector<1x2048xi1>, vector<1x2048xf32>
    %div3A_21 = arith.divf %select_n3A_20, %max3A_5 : vector<1x2048xf32>
    %get3A_22 = arith.constant 0 : index
    %get3A_23 = arith.constant 0 : index
    %get3A_24 = arith.constant 0 : index
    %get3A_25 = vector.load %arg5[%get3A_22, %get3A_23, %get3A_24] : memref<1x1x2048xi32, #tpu.memory_space<vmem>>, vector<1x1x2048xi32>
    %get3A_26 = vector.shape_cast %get3A_25 : vector<1x1x2048xi32> to vector<1x2048xi32>
    %iota3A = tpu.iota {dimensions = array<i32: 0>} : vector<8x2048xi32>
    %eq3A = vector.broadcast %get3A_26 : vector<1x2048xi32> to vector<8x2048xi32>
    %eq3A_27 = arith.cmpi eq, %iota3A, %eq3A : vector<8x2048xi32>
    %convert_element_type3A = arith.extui %eq3A_27 : vector<8x2048xi1> to vector<8x2048xi32>
    %convert_element_type3A_28 = arith.sitofp %convert_element_type3A : vector<8x2048xi32> to vector<8x2048xf32>
    %concatenate3A = tpu.concatenate %div3A_21, %convert_element_type3A_28 in 0 : vector<1x2048xf32>, vector<8x2048xf32> -> vector<9x2048xf32>
    %iota3A_29 = tpu.iota {dimensions = array<i32: 0>} : vector<9x9xi32>
    %iota3A_30 = tpu.iota {dimensions = array<i32: 1>} : vector<9x9xi32>
    %add3A = arith.constant 0 : i32
    %add3A_31 = vector.broadcast %add3A : i32 to vector<9x9xi32>
    %add3A_32 = arith.addi %iota3A_29, %add3A_31 : vector<9x9xi32>
    %eq3A_33 = arith.cmpi eq, %add3A_32, %iota3A_30 : vector<9x9xi32>
    %convert_element_type3A_34 = arith.extui %eq3A_33 : vector<9x9xi1> to vector<9x9xi32>
    %convert_element_type3A_35 = arith.sitofp %convert_element_type3A_34 : vector<9x9xi32> to vector<9x9xf32>
    %dot_general3A = arith.constant dense<0.000000e+00> : vector<2048x9xf32>
    %dot_general3A_36 = tpu.matmul %concatenate3A, %convert_element_type3A_35, %dot_general3A {dimension_numbers = #tpu.dot_dimension_numbers<[0], [0], [1], [1], [0, 1, 1, 1], [], []>, transpose_lhs_hint = false} : vector<9x2048xf32>, vector<9x9xf32>, vector<2048x9xf32> -> vector<2048x9xf32>
    %get3A_37 = arith.constant 0 : index
    %get3A_38 = arith.constant 0 : index
    %get3A_39 = vector.load %arg6[%get3A_37, %get3A_38] : memref<8x16xf32, #tpu.memory_space<vmem>>, vector<8x16xf32>
    %get3A_40 = arith.constant 1 : index
    %get3A_41 = arith.constant 0 : index
    %get3A_42 = vector.load %arg7[%get3A_40, %get3A_41] : memref<17x64xf32, #tpu.memory_space<vmem>>, vector<16x64xf32>
    %dot_general3A_43 = arith.constant dense<0.000000e+00> : vector<8x64xf32>
    %dot_general3A_44 = tpu.matmul %get3A_39, %get3A_42, %dot_general3A_43 {dimension_numbers = #tpu.dot_dimension_numbers<[1], [0], [0], [1], [0, 0, 1, 1], [], []>, transpose_lhs_hint = false} : vector<8x16xf32>, vector<16x64xf32>, vector<8x64xf32> -> vector<8x64xf32>
    %get3A_45 = arith.constant 0 : index
    %get3A_46 = arith.constant 0 : index
    %get3A_47 = vector.load %arg7[%get3A_45, %get3A_46] : memref<17x64xf32, #tpu.memory_space<vmem>>, vector<1x64xf32>
    %concatenate3A_48 = tpu.concatenate %get3A_47, %dot_general3A_44 in 0 : vector<1x64xf32>, vector<8x64xf32> -> vector<9x64xf32>
    %dot_general3A_49 = arith.constant dense<0.000000e+00> : vector<2048x64xf32>
    %dot_general3A_50 = tpu.matmul %dot_general3A_36, %concatenate3A_48, %dot_general3A_49 {dimension_numbers = #tpu.dot_dimension_numbers<[1], [0], [0], [1], [0, 0, 1, 1], [], []>, transpose_lhs_hint = false} : vector<2048x9xf32>, vector<9x64xf32>, vector<2048x64xf32> -> vector<2048x64xf32>
    %get3A_51 = arith.constant 0 : index
    %get3A_52 = arith.constant 0 : index
    %get3A_53 = vector.load %arg8[%get3A_51, %get3A_52] : memref<1x64xf32, #tpu.memory_space<vmem>>, vector<1x64xf32>
    %add3A_54 = vector.broadcast %get3A_53 : vector<1x64xf32> to vector<2048x64xf32>
    %add3A_55 = arith.addf %dot_general3A_50, %add3A_54 : vector<2048x64xf32>
    %tanh3A = math.tanh %add3A_55 : vector<2048x64xf32>
    %get3A_56 = arith.constant 0 : index
    %get3A_57 = arith.constant 0 : index
    %get3A_58 = vector.load %arg9[%get3A_56, %get3A_57] : memref<64x64xf32, #tpu.memory_space<vmem>>, vector<64x64xf32>
    %dot_general3A_59 = arith.constant dense<0.000000e+00> : vector<2048x64xf32>
    %dot_general3A_60 = tpu.matmul %tanh3A, %get3A_58, %dot_general3A_59 {dimension_numbers = #tpu.dot_dimension_numbers<[1], [0], [0], [1], [0, 0, 1, 1], [], []>, transpose_lhs_hint = false} : vector<2048x64xf32>, vector<64x64xf32>, vector<2048x64xf32> -> vector<2048x64xf32>
    %get3A_61 = arith.constant 0 : index
    %get3A_62 = arith.constant 0 : index
    %get3A_63 = vector.load %arg10[%get3A_61, %get3A_62] : memref<1x64xf32, #tpu.memory_space<vmem>>, vector<1x64xf32>
    %add3A_64 = vector.broadcast %get3A_63 : vector<1x64xf32> to vector<2048x64xf32>
    %add3A_65 = arith.addf %dot_general3A_60, %add3A_64 : vector<2048x64xf32>
    %tanh3A_66 = math.tanh %add3A_65 : vector<2048x64xf32>
    %get3A_67 = arith.constant 0 : index
    %get3A_68 = arith.constant 0 : index
    %get3A_69 = vector.load %arg11[%get3A_67, %get3A_68] : memref<64x64xf32, #tpu.memory_space<vmem>>, vector<64x64xf32>
    %dot_general3A_70 = arith.constant dense<0.000000e+00> : vector<2048x64xf32>
    %dot_general3A_71 = tpu.matmul %tanh3A_66, %get3A_69, %dot_general3A_70 {dimension_numbers = #tpu.dot_dimension_numbers<[1], [0], [0], [1], [0, 0, 1, 1], [], []>, transpose_lhs_hint = false} : vector<2048x64xf32>, vector<64x64xf32>, vector<2048x64xf32> -> vector<2048x64xf32>
    %get3A_72 = arith.constant 0 : index
    %get3A_73 = arith.constant 0 : index
    %get3A_74 = vector.load %arg12[%get3A_72, %get3A_73] : memref<1x64xf32, #tpu.memory_space<vmem>>, vector<1x64xf32>
    %add3A_75 = vector.broadcast %get3A_74 : vector<1x64xf32> to vector<2048x64xf32>
    %add3A_76 = arith.addf %dot_general3A_71, %add3A_75 : vector<2048x64xf32>
    %tanh3A_77 = math.tanh %add3A_76 : vector<2048x64xf32>
    %get3A_78 = arith.constant 0 : index
    %get3A_79 = arith.constant 0 : index
    %get3A_80 = vector.load %arg13[%get3A_78, %get3A_79] : memref<64x64xf32, #tpu.memory_space<vmem>>, vector<64x64xf32>
    %dot_general3A_81 = arith.constant dense<0.000000e+00> : vector<2048x64xf32>
    %dot_general3A_82 = tpu.matmul %tanh3A_77, %get3A_80, %dot_general3A_81 {dimension_numbers = #tpu.dot_dimension_numbers<[1], [0], [0], [1], [0, 0, 1, 1], [], []>, transpose_lhs_hint = false} : vector<2048x64xf32>, vector<64x64xf32>, vector<2048x64xf32> -> vector<2048x64xf32>
    %get3A_83 = arith.constant 0 : index
    %get3A_84 = arith.constant 0 : index
    %get3A_85 = vector.load %arg14[%get3A_83, %get3A_84] : memref<1x64xf32, #tpu.memory_space<vmem>>, vector<1x64xf32>
    %add3A_86 = vector.broadcast %get3A_85 : vector<1x64xf32> to vector<2048x64xf32>
    %add3A_87 = arith.addf %dot_general3A_82, %add3A_86 : vector<2048x64xf32>
    %div3A_88 = arith.constant 1.000000e+00 : f32
    %div3A_89 = vector.broadcast %div3A_88 : f32 to vector<1x2048xf32>
    %div3A_90 = arith.divf %div3A_89, %max3A_5 : vector<1x2048xf32>
    %get3A_91 = arith.constant 0 : index
    %get3A_92 = arith.constant 0 : index
    %get3A_93 = arith.constant 0 : index
    %get3A_94 = vector.load %arg2[%get3A_91, %get3A_92, %get3A_93] : memref<1x1x2048xf32, #tpu.memory_space<vmem>>, vector<1x1x2048xf32>
    %get3A_95 = vector.shape_cast %get3A_94 : vector<1x1x2048xf32> to vector<1x2048xf32>
    %mul3A_96 = arith.mulf %div3A_21, %get3A_95 : vector<1x2048xf32>
    %mul3A_97 = arith.mulf %mul3A_96, %div3A_90 : vector<1x2048xf32>
    %get3A_98 = arith.constant 0 : index
    %get3A_99 = arith.constant 0 : index
    %get3A_100 = arith.constant 0 : index
    %get3A_101 = vector.load %arg3[%get3A_98, %get3A_99, %get3A_100] : memref<1x1x2048xf32, #tpu.memory_space<vmem>>, vector<1x1x2048xf32>
    %get3A_102 = vector.shape_cast %get3A_101 : vector<1x1x2048xf32> to vector<1x2048xf32>
    %mul3A_103 = arith.mulf %div3A_21, %get3A_102 : vector<1x2048xf32>
    %mul3A_104 = arith.mulf %mul3A_103, %div3A_90 : vector<1x2048xf32>
    %get3A_105 = arith.constant 0 : index
    %get3A_106 = arith.constant 0 : index
    %get3A_107 = arith.constant 0 : index
    %get3A_108 = vector.load %arg4[%get3A_105, %get3A_106, %get3A_107] : memref<1x1x2048xf32, #tpu.memory_space<vmem>>, vector<1x1x2048xf32>
    %get3A_109 = vector.shape_cast %get3A_108 : vector<1x1x2048xf32> to vector<1x2048xf32>
    %mul3A_110 = arith.mulf %div3A_21, %get3A_109 : vector<1x2048xf32>
    %mul3A_111 = arith.mulf %mul3A_110, %div3A_90 : vector<1x2048xf32>
    %concatenate3A_112 = tpu.concatenate %div3A_21, %mul3A_97, %mul3A_104, %mul3A_111 in 0 : vector<1x2048xf32>, vector<1x2048xf32>, vector<1x2048xf32>, vector<1x2048xf32> -> vector<4x2048xf32>
    %iota3A_113 = tpu.iota {dimensions = array<i32: 0>} : vector<4x4xi32>
    %iota3A_114 = tpu.iota {dimensions = array<i32: 1>} : vector<4x4xi32>
    %add3A_115 = arith.constant 0 : i32
    %add3A_116 = vector.broadcast %add3A_115 : i32 to vector<4x4xi32>
    %add3A_117 = arith.addi %iota3A_113, %add3A_116 : vector<4x4xi32>
    %eq3A_118 = arith.cmpi eq, %add3A_117, %iota3A_114 : vector<4x4xi32>
    %convert_element_type3A_119 = arith.extui %eq3A_118 : vector<4x4xi1> to vector<4x4xi32>
    %convert_element_type3A_120 = arith.sitofp %convert_element_type3A_119 : vector<4x4xi32> to vector<4x4xf32>
    %dot_general3A_121 = arith.constant dense<0.000000e+00> : vector<2048x4xf32>
    %dot_general3A_122 = tpu.matmul %concatenate3A_112, %convert_element_type3A_120, %dot_general3A_121 {dimension_numbers = #tpu.dot_dimension_numbers<[0], [0], [1], [1], [0, 1, 1, 1], [], []>, transpose_lhs_hint = false} : vector<4x2048xf32>, vector<4x4xf32>, vector<2048x4xf32> -> vector<2048x4xf32>
    %slice3A = vector.extract_strided_slice %dot_general3A_122 {offsets = [0, 0], sizes = [2048, 1], strides = [1, 1]} : vector<2048x4xf32> to vector<2048x1xf32>
    %mul3A_123 = vector.broadcast %slice3A : vector<2048x1xf32> to vector<2048x64xf32>
    %mul3A_124 = arith.mulf %add3A_87, %mul3A_123 : vector<2048x64xf32>
    %slice3A_125 = vector.extract_strided_slice %dot_general3A_122 {offsets = [0, 1], sizes = [2048, 1], strides = [1, 1]} : vector<2048x4xf32> to vector<2048x1xf32>
    %mul3A_126 = vector.broadcast %slice3A_125 : vector<2048x1xf32> to vector<2048x64xf32>
    %mul3A_127 = arith.mulf %add3A_87, %mul3A_126 : vector<2048x64xf32>
    %slice3A_128 = vector.extract_strided_slice %dot_general3A_122 {offsets = [0, 2], sizes = [2048, 1], strides = [1, 1]} : vector<2048x4xf32> to vector<2048x1xf32>
    %mul3A_129 = vector.broadcast %slice3A_128 : vector<2048x1xf32> to vector<2048x64xf32>
    %mul3A_130 = arith.mulf %add3A_87, %mul3A_129 : vector<2048x64xf32>
    %slice3A_131 = vector.extract_strided_slice %dot_general3A_122 {offsets = [0, 3], sizes = [2048, 1], strides = [1, 1]} : vector<2048x4xf32> to vector<2048x1xf32>
    %mul3A_132 = vector.broadcast %slice3A_131 : vector<2048x1xf32> to vector<2048x64xf32>
    %mul3A_133 = arith.mulf %add3A_87, %mul3A_132 : vector<2048x64xf32>
    %concatenate3A_134 = tpu.concatenate %mul3A_124, %mul3A_127, %mul3A_130, %mul3A_133 in 1 : vector<2048x64xf32>, vector<2048x64xf32>, vector<2048x64xf32>, vector<2048x64xf32> -> vector<2048x256xf32>
    %swap3A = arith.constant 0 : index
    %swap3A_135 = arith.constant 0 : index
    %swap3A_136 = vector.load %arg15[%swap3A, %swap3A_135] : memref<2048x256xf32, #tpu.memory_space<vmem>>, vector<2048x256xf32>
    tpu.vector_store %arg15[%swap3A, %swap3A_135], %concatenate3A_134 {strides = array<i32>} : memref<2048x256xf32, #tpu.memory_space<vmem>>, vector<2048x256xf32>,
    return
  }
  func.func @transform_0(%arg0: i32) -> (i32, i32, i32) {
    %c0_i32 = arith.constant 0 : i32
    %c0_i32_0 = arith.constant 0 : i32
    %c0_i32_1 = arith.constant 0 : i32
    return %arg0, %c0_i32, %c0_i32_0 : i32, i32, i32
  }
  func.func @transform_1(%arg0: i32) -> (i32, i32, i32) {
    %c0_i32 = arith.constant 0 : i32
    %c0_i32_0 = arith.constant 0 : i32
    %c0_i32_1 = arith.constant 0 : i32
    return %arg0, %c0_i32, %c0_i32_0 : i32, i32, i32
  }
  func.func @transform_2(%arg0: i32) -> (i32, i32, i32) {
    %c0_i32 = arith.constant 0 : i32
    %c0_i32_0 = arith.constant 0 : i32
    %c0_i32_1 = arith.constant 0 : i32
    return %arg0, %c0_i32, %c0_i32_0 : i32, i32, i32
  }
  func.func @transform_3(%arg0: i32) -> (i32, i32, i32) {
    %c0_i32 = arith.constant 0 : i32
    %c0_i32_0 = arith.constant 0 : i32
    %c0_i32_1 = arith.constant 0 : i32
    return %arg0, %c0_i32, %c0_i32_0 : i32, i32, i32
  }
  func.func @transform_4(%arg0: i32) -> (i32, i32, i32) {
    %c0_i32 = arith.constant 0 : i32
    %c0_i32_0 = arith.constant 0 : i32
    %c0_i32_1 = arith.constant 0 : i32
    return %arg0, %c0_i32, %c0_i32_0 : i32, i32, i32
  }
  func.func @transform_5(%arg0: i32) -> (i32, i32) {
    %c0_i32 = arith.constant 0 : i32
    %c0_i32_0 = arith.constant 0 : i32
    %c0_i32_1 = arith.constant 0 : i32
    return %c0_i32, %c0_i32_0 : i32, i32
  }
  func.func @transform_6(%arg0: i32) -> (i32, i32) {
    %c0_i32 = arith.constant 0 : i32
    %c0_i32_0 = arith.constant 0 : i32
    %c0_i32_1 = arith.constant 0 : i32
    return %c0_i32, %c0_i32_0 : i32, i32
  }
  func.func @transform_7(%arg0: i32) -> (i32, i32) {
    %c0_i32 = arith.constant 0 : i32
    %c0_i32_0 = arith.constant 0 : i32
    %c0_i32_1 = arith.constant 0 : i32
    return %c0_i32, %c0_i32_0 : i32, i32
  }
  func.func @transform_8(%arg0: i32) -> (i32, i32) {
    %c0_i32 = arith.constant 0 : i32
    %c0_i32_0 = arith.constant 0 : i32
    %c0_i32_1 = arith.constant 0 : i32
    return %c0_i32, %c0_i32_0 : i32, i32
  }
  func.func @transform_9(%arg0: i32) -> (i32, i32) {
    %c0_i32 = arith.constant 0 : i32
    %c0_i32_0 = arith.constant 0 : i32
    %c0_i32_1 = arith.constant 0 : i32
    return %c0_i32, %c0_i32_0 : i32, i32
  }
  func.func @transform_10(%arg0: i32) -> (i32, i32) {
    %c0_i32 = arith.constant 0 : i32
    %c0_i32_0 = arith.constant 0 : i32
    %c0_i32_1 = arith.constant 0 : i32
    return %c0_i32, %c0_i32_0 : i32, i32
  }
  func.func @transform_11(%arg0: i32) -> (i32, i32) {
    %c0_i32 = arith.constant 0 : i32
    %c0_i32_0 = arith.constant 0 : i32
    %c0_i32_1 = arith.constant 0 : i32
    return %c0_i32, %c0_i32_0 : i32, i32
  }
  func.func @transform_12(%arg0: i32) -> (i32, i32) {
    %c0_i32 = arith.constant 0 : i32
    %c0_i32_0 = arith.constant 0 : i32
    %c0_i32_1 = arith.constant 0 : i32
    return %c0_i32, %c0_i32_0 : i32, i32
  }
  func.func @transform_13(%arg0: i32) -> (i32, i32) {
    %c0_i32 = arith.constant 0 : i32
    %c0_i32_0 = arith.constant 0 : i32
    %c0_i32_1 = arith.constant 0 : i32
    return %c0_i32, %c0_i32_0 : i32, i32
  }
  func.func @transform_14(%arg0: i32) -> (i32, i32) {
    %c0_i32 = arith.constant 0 : i32
    %c0_i32_0 = arith.constant 0 : i32
    return %arg0, %c0_i32 : i32, i32
  }
}

module attributes {stable_mosaic.version = 14 : i64} {
  func.func @_seg_body(%arg0: i32, %arg1: memref<393xi32, #tpu.memory_space<smem>>, %arg2: memref<819200x256xf32, #tpu.memory_space<any>>, %arg3: memref<819200x1xi32, #tpu.memory_space<any>>, %arg4: memref<128x256xf32, #tpu.memory_space<vmem>>, %arg5: memref<1024x256xf32, #tpu.memory_space<vmem>>, %arg6: memref<1024x1xi32, #tpu.memory_space<vmem>>, %arg7: memref<1024x256xf32, #tpu.memory_space<vmem>>, %arg8: memref<1024x1xi32, #tpu.memory_space<vmem>>, %arg9: memref<!tpu.dma_semaphore, #tpu.memory_space<semaphore_mem>>, %arg10: memref<!tpu.dma_semaphore, #tpu.memory_space<semaphore_mem>>) attributes {dimension_semantics = [#tpu.dimension_semantics<arbitrary>], iteration_bounds = array<i64: 392>, scalar_prefetch = 0 : i64, scratch_operands = 6 : i64, tpu.core_type = #tpu.core_type<tc>, window_params = [{transform_indices = @transform_0, window_bounds = array<i64: 393>}, {}, {}, {transform_indices = @transform_3, window_bounds = array<i64: 128, 256>}]} {
    %get3A = arith.index_cast %arg0 : i32 to index
    %get3A_0 = memref.load %arg1[%get3A] : memref<393xi32, #tpu.memory_space<smem>>
    %add3A = arith.constant 1 : i32
    %add3A_1 = arith.addi %arg0, %add3A : i32
    %get3A_2 = arith.index_cast %add3A_1 : i32 to index
    %get3A_3 = memref.load %arg1[%get3A_2] : memref<393xi32, #tpu.memory_space<smem>>
    %jit3A = arith.constant 1024 : i32
    %div3A = arith.divsi %get3A_0, %jit3A : i32
    %sign3A = arith.constant 0 : i32
    %sign3A_4 = arith.cmpi sgt, %get3A_0, %sign3A : i32
    %sign3A_5 = arith.extui %sign3A_4 : i1 to i32
    %sign3A_6 = arith.constant 0 : i32
    %sign3A_7 = arith.cmpi slt, %get3A_0, %sign3A_6 : i32
    %sign3A_8 = arith.extui %sign3A_7 : i1 to i32
    %sign3A_9 = arith.subi %sign3A_5, %sign3A_8 : i32
    %sign3A_10 = arith.constant 0 : i32
    %sign3A_11 = arith.cmpi sgt, %jit3A, %sign3A_10 : i32
    %sign3A_12 = arith.extui %sign3A_11 : i1 to i32
    %sign3A_13 = arith.constant 0 : i32
    %sign3A_14 = arith.cmpi slt, %jit3A, %sign3A_13 : i32
    %sign3A_15 = arith.extui %sign3A_14 : i1 to i32
    %sign3A_16 = arith.subi %sign3A_12, %sign3A_15 : i32
    %ne3A = arith.cmpi ne, %sign3A_9, %sign3A_16 : i32
    %rem3A = arith.remsi %get3A_0, %jit3A : i32
    %ne3A_17 = arith.constant 0 : i32
    %ne3A_18 = arith.cmpi ne, %rem3A, %ne3A_17 : i32
    %and3A = arith.andi %ne3A, %ne3A_18 : i1
    %sub3A = arith.constant 1 : i32
    %sub3A_19 = arith.subi %div3A, %sub3A : i32
    %select_n3A = arith.select %and3A, %sub3A_19, %div3A : i32
    %gt3A = arith.cmpi sgt, %get3A_3, %get3A_0 : i32
    %add3A_20 = arith.constant 1024 : i32
    %add3A_21 = arith.addi %get3A_3, %add3A_20 : i32
    %sub3A_22 = arith.constant 1 : i32
    %sub3A_23 = arith.subi %add3A_21, %sub3A_22 : i32
    %jit3A_24 = arith.constant 1024 : i32
    %div3A_25 = arith.divsi %sub3A_23, %jit3A_24 : i32
    %sign3A_26 = arith.constant 0 : i32
    %sign3A_27 = arith.cmpi sgt, %sub3A_23, %sign3A_26 : i32
    %sign3A_28 = arith.extui %sign3A_27 : i1 to i32
    %sign3A_29 = arith.constant 0 : i32
    %sign3A_30 = arith.cmpi slt, %sub3A_23, %sign3A_29 : i32
    %sign3A_31 = arith.extui %sign3A_30 : i1 to i32
    %sign3A_32 = arith.subi %sign3A_28, %sign3A_31 : i32
    %sign3A_33 = arith.constant 0 : i32
    %sign3A_34 = arith.cmpi sgt, %jit3A_24, %sign3A_33 : i32
    %sign3A_35 = arith.extui %sign3A_34 : i1 to i32
    %sign3A_36 = arith.constant 0 : i32
    %sign3A_37 = arith.cmpi slt, %jit3A_24, %sign3A_36 : i32
    %sign3A_38 = arith.extui %sign3A_37 : i1 to i32
    %sign3A_39 = arith.subi %sign3A_35, %sign3A_38 : i32
    %ne3A_40 = arith.cmpi ne, %sign3A_32, %sign3A_39 : i32
    %rem3A_41 = arith.remsi %sub3A_23, %jit3A_24 : i32
    %ne3A_42 = arith.constant 0 : i32
    %ne3A_43 = arith.cmpi ne, %rem3A_41, %ne3A_42 : i32
    %and3A_44 = arith.andi %ne3A_40, %ne3A_43 : i1
    %sub3A_45 = arith.constant 1 : i32
    %sub3A_46 = arith.subi %div3A_25, %sub3A_45 : i32
    %select_n3A_47 = arith.select %and3A_44, %sub3A_46, %div3A_25 : i32
    %select_n3A_48 = arith.select %gt3A, %select_n3A_47, %select_n3A : i32
    %sub3A_49 = arith.subi %select_n3A_48, %select_n3A : i32
    %broadcast_in_dim3A = arith.constant 0.000000e+00 : f32
    %broadcast_in_dim3A_50 = vector.broadcast %broadcast_in_dim3A : f32 to vector<128x256xf32>
    %swap3A = arith.constant 0 : index
    %swap3A_51 = arith.constant 0 : index
    %swap3A_52 = vector.load %arg4[%swap3A, %swap3A_51] : memref<128x256xf32, #tpu.memory_space<vmem>>, vector<128x256xf32>
    tpu.vector_store %arg4[%swap3A, %swap3A_51], %broadcast_in_dim3A_50 {strides = array<i32>} : memref<128x256xf32, #tpu.memory_space<vmem>>, vector<128x256xf32>,
    %gt3A_53 = arith.constant 0 : i32
    %gt3A_54 = arith.cmpi sgt, %sub3A_49, %gt3A_53 : i32
    %convert_element_type3A = arith.extui %gt3A_54 : i1 to i32
    %cond3A = arith.constant 0 : i32
    %cond3A_55 = arith.cmpi ne, %convert_element_type3A, %cond3A : i32
    scf.if %cond3A_55 {
      %mul3A = arith.constant 1024 : i32
      %mul3A_93 = arith.muli %select_n3A, %mul3A : i32
      %dma_start3A = arith.constant 0 : i32
      %dma_start3A_94 = tpu.memref_slice %arg2[%mul3A_93, %dma_start3A] : memref<819200x256xf32, #tpu.memory_space<any>> -> memref<1024x256xf32, #tpu.memory_space<any>>
      tpu.enqueue_dma source(%dma_start3A_94 : memref<1024x256xf32, #tpu.memory_space<any>>) target(%arg5 : memref<1024x256xf32, #tpu.memory_space<vmem>>) target_semaphore(%arg9 : memref<!tpu.dma_semaphore, #tpu.memory_space<semaphore_mem>>)
      %mul3A_95 = arith.constant 1024 : i32
      %mul3A_96 = arith.muli %select_n3A, %mul3A_95 : i32
      %dma_start3A_97 = arith.constant 0 : i32
      %dma_start3A_98 = tpu.memref_slice %arg3[%mul3A_96, %dma_start3A_97] : memref<819200x1xi32, #tpu.memory_space<any>> -> memref<1024x1xi32, #tpu.memory_space<any>>
      tpu.enqueue_dma source(%dma_start3A_98 : memref<1024x1xi32, #tpu.memory_space<any>>) target(%arg6 : memref<1024x1xi32, #tpu.memory_space<vmem>>) target_semaphore(%arg10 : memref<!tpu.dma_semaphore, #tpu.memory_space<semaphore_mem>>)
    } else {
    }
    %add3A_56 = arith.constant 1 : i32
    %add3A_57 = arith.addi %sub3A_49, %add3A_56 : i32
    %jit3A_58 = arith.constant 2 : i32
    %div3A_59 = arith.divsi %add3A_57, %jit3A_58 : i32
    %sign3A_60 = arith.constant 0 : i32
    %sign3A_61 = arith.cmpi sgt, %add3A_57, %sign3A_60 : i32
    %sign3A_62 = arith.extui %sign3A_61 : i1 to i32
    %sign3A_63 = arith.constant 0 : i32
    %sign3A_64 = arith.cmpi slt, %add3A_57, %sign3A_63 : i32
    %sign3A_65 = arith.extui %sign3A_64 : i1 to i32
    %sign3A_66 = arith.subi %sign3A_62, %sign3A_65 : i32
    %sign3A_67 = arith.constant 0 : i32
    %sign3A_68 = arith.cmpi sgt, %jit3A_58, %sign3A_67 : i32
    %sign3A_69 = arith.extui %sign3A_68 : i1 to i32
    %sign3A_70 = arith.constant 0 : i32
    %sign3A_71 = arith.cmpi slt, %jit3A_58, %sign3A_70 : i32
    %sign3A_72 = arith.extui %sign3A_71 : i1 to i32
    %sign3A_73 = arith.subi %sign3A_69, %sign3A_72 : i32
    %ne3A_74 = arith.cmpi ne, %sign3A_66, %sign3A_73 : i32
    %rem3A_75 = arith.remsi %add3A_57, %jit3A_58 : i32
    %ne3A_76 = arith.constant 0 : i32
    %ne3A_77 = arith.cmpi ne, %rem3A_75, %ne3A_76 : i32
    %and3A_78 = arith.andi %ne3A_74, %ne3A_77 : i1
    %sub3A_79 = arith.constant 1 : i32
    %sub3A_80 = arith.subi %div3A_59, %sub3A_79 : i32
    %select_n3A_81 = arith.select %and3A_78, %sub3A_80, %div3A_59 : i32
    %while3A = arith.constant 0 : i32
    %while3A_82 = arith.constant 0 : i32
    %while3A_83 = arith.subi %select_n3A_81, %while3A : i32
    %while3A_84 = arith.addi %while3A, %while3A_83 : i32
    %while3A_85 = arith.constant 1 : i32
    %while3A_86 = arith.divsi %while3A_83, %while3A_85 : i32
    %while3A_87 = arith.muli %while3A_86, %while3A_85 : i32
    %while3A_88 = arith.addi %while3A, %while3A_87 : i32
    %while3A_89 = arith.constant 1 : i32
    %while3A_90 = scf.for %while3A_93 = %while3A to %while3A_88 step %while3A_89 iter_args(%while3A_94 = %while3A_82) -> (i32)  : i32 {
      %mul3A = arith.constant 2 : i32
      %mul3A_95 = arith.muli %mul3A, %while3A_93 : i32
      %add3A_96 = arith.addi %select_n3A, %mul3A_95 : i32
      %add3A_97 = arith.constant 1 : i32
      %add3A_98 = arith.addi %add3A_96, %add3A_97 : i32
      %lt3A = arith.cmpi slt, %add3A_98, %select_n3A_48 : i32
      %convert_element_type3A_99 = arith.extui %lt3A : i1 to i32
      %cond3A_100 = arith.constant 0 : i32
      %cond3A_101 = arith.cmpi ne, %convert_element_type3A_99, %cond3A_100 : i32
      scf.if %cond3A_101 {
        %mul3A_141 = arith.constant 1024 : i32
        %mul3A_142 = arith.muli %add3A_98, %mul3A_141 : i32
        %dma_start3A = arith.constant 0 : i32
        %dma_start3A_143 = tpu.memref_slice %arg2[%mul3A_142, %dma_start3A] : memref<819200x256xf32, #tpu.memory_space<any>> -> memref<1024x256xf32, #tpu.memory_space<any>>
        tpu.enqueue_dma source(%dma_start3A_143 : memref<1024x256xf32, #tpu.memory_space<any>>) target(%arg7 : memref<1024x256xf32, #tpu.memory_space<vmem>>) target_semaphore(%arg9 : memref<!tpu.dma_semaphore, #tpu.memory_space<semaphore_mem>>)
        %mul3A_144 = arith.constant 1024 : i32
        %mul3A_145 = arith.muli %add3A_98, %mul3A_144 : i32
        %dma_start3A_146 = arith.constant 0 : i32
        %dma_start3A_147 = tpu.memref_slice %arg3[%mul3A_145, %dma_start3A_146] : memref<819200x1xi32, #tpu.memory_space<any>> -> memref<1024x1xi32, #tpu.memory_space<any>>
        tpu.enqueue_dma source(%dma_start3A_147 : memref<1024x1xi32, #tpu.memory_space<any>>) target(%arg8 : memref<1024x1xi32, #tpu.memory_space<vmem>>) target_semaphore(%arg10 : memref<!tpu.dma_semaphore, #tpu.memory_space<semaphore_mem>>)
      } else {
      }
      %mul3A_102 = arith.constant 1024 : i32
      %mul3A_103 = arith.muli %add3A_96, %mul3A_102 : i32
      %dma_wait3A = arith.constant 0 : i32
      %dma_wait3A_104 = tpu.memref_slice %arg2[%mul3A_103, %dma_wait3A] : memref<819200x256xf32, #tpu.memory_space<any>> -> memref<1024x256xf32, #tpu.memory_space<any>>
      tpu.wait_dma2 semaphore(%arg9 : memref<!tpu.dma_semaphore, #tpu.memory_space<semaphore_mem>>) src(%dma_wait3A_104 : memref<1024x256xf32, #tpu.memory_space<any>>) dst(%arg5 : memref<1024x256xf32, #tpu.memory_space<vmem>>)
      %mul3A_105 = arith.constant 1024 : i32
      %mul3A_106 = arith.muli %add3A_96, %mul3A_105 : i32
      %dma_wait3A_107 = arith.constant 0 : i32
      %dma_wait3A_108 = tpu.memref_slice %arg3[%mul3A_106, %dma_wait3A_107] : memref<819200x1xi32, #tpu.memory_space<any>> -> memref<1024x1xi32, #tpu.memory_space<any>>
      tpu.wait_dma2 semaphore(%arg10 : memref<!tpu.dma_semaphore, #tpu.memory_space<semaphore_mem>>) src(%dma_wait3A_108 : memref<1024x1xi32, #tpu.memory_space<any>>) dst(%arg6 : memref<1024x1xi32, #tpu.memory_space<vmem>>)
      %get3A_109 = arith.constant 0 : index
      %get3A_110 = arith.constant 0 : index
      %get3A_111 = vector.load %arg6[%get3A_109, %get3A_110] : memref<1024x1xi32, #tpu.memory_space<vmem>>, vector<1024x1xi32>
      %mul3A_112 = arith.constant 128 : i32
      %mul3A_113 = arith.muli %arg0, %mul3A_112 : i32
      %sub3A_114 = vector.broadcast %mul3A_113 : i32 to vector<1024x1xi32>
      %sub3A_115 = arith.subi %get3A_111, %sub3A_114 : vector<1024x1xi32>
      %iota3A = tpu.iota {dimensions = array<i32: 1>} : vector<1024x128xi32>
      %eq3A = vector.broadcast %sub3A_115 : vector<1024x1xi32> to vector<1024x128xi32>
      %eq3A_116 = arith.cmpi eq, %eq3A, %iota3A : vector<1024x128xi32>
      %convert_element_type3A_117 = arith.extui %eq3A_116 : vector<1024x128xi1> to vector<1024x128xi32>
      %convert_element_type3A_118 = arith.sitofp %convert_element_type3A_117 : vector<1024x128xi32> to vector<1024x128xf32>
      %get3A_119 = arith.constant 0 : index
      %get3A_120 = arith.constant 0 : index
      %get3A_121 = vector.load %arg4[%get3A_119, %get3A_120] : memref<128x256xf32, #tpu.memory_space<vmem>>, vector<128x256xf32>
      %get3A_122 = arith.constant 0 : index
      %get3A_123 = arith.constant 0 : index
      %get3A_124 = vector.load %arg5[%get3A_122, %get3A_123] : memref<1024x256xf32, #tpu.memory_space<vmem>>, vector<1024x256xf32>
      %dot_general3A = arith.constant dense<0.000000e+00> : vector<128x256xf32>
      %dot_general3A_125 = tpu.matmul %convert_element_type3A_118, %get3A_124, %dot_general3A {dimension_numbers = #tpu.dot_dimension_numbers<[0], [0], [1], [1], [0, 1, 1, 1], [], []>, transpose_lhs_hint = false} : vector<1024x128xf32>, vector<1024x256xf32>, vector<128x256xf32> -> vector<128x256xf32>
      %add3A_126 = arith.addf %get3A_121, %dot_general3A_125 : vector<128x256xf32>
      %swap3A_127 = arith.constant 0 : index
      %swap3A_128 = arith.constant 0 : index
      %swap3A_129 = vector.load %arg4[%swap3A_127, %swap3A_128] : memref<128x256xf32, #tpu.memory_space<vmem>>, vector<128x256xf32>
      tpu.vector_store %arg4[%swap3A_127, %swap3A_128], %add3A_126 {strides = array<i32>} : memref<128x256xf32, #tpu.memory_space<vmem>>, vector<128x256xf32>,
      %add3A_130 = arith.constant 2 : i32
      %add3A_131 = arith.addi %add3A_96, %add3A_130 : i32
      %lt3A_132 = arith.cmpi slt, %add3A_131, %select_n3A_48 : i32
      %convert_element_type3A_133 = arith.extui %lt3A_132 : i1 to i32
      %cond3A_134 = arith.constant 0 : i32
      %cond3A_135 = arith.cmpi ne, %convert_element_type3A_133, %cond3A_134 : i32
      scf.if %cond3A_135 {
        %add3A_141 = arith.constant 2 : i32
        %add3A_142 = arith.addi %add3A_96, %add3A_141 : i32
        %mul3A_143 = arith.constant 1024 : i32
        %mul3A_144 = arith.muli %add3A_142, %mul3A_143 : i32
        %dma_start3A = arith.constant 0 : i32
        %dma_start3A_145 = tpu.memref_slice %arg2[%mul3A_144, %dma_start3A] : memref<819200x256xf32, #tpu.memory_space<any>> -> memref<1024x256xf32, #tpu.memory_space<any>>
        tpu.enqueue_dma source(%dma_start3A_145 : memref<1024x256xf32, #tpu.memory_space<any>>) target(%arg5 : memref<1024x256xf32, #tpu.memory_space<vmem>>) target_semaphore(%arg9 : memref<!tpu.dma_semaphore, #tpu.memory_space<semaphore_mem>>)
        %mul3A_146 = arith.constant 1024 : i32
        %mul3A_147 = arith.muli %add3A_142, %mul3A_146 : i32
        %dma_start3A_148 = arith.constant 0 : i32
        %dma_start3A_149 = tpu.memref_slice %arg3[%mul3A_147, %dma_start3A_148] : memref<819200x1xi32, #tpu.memory_space<any>> -> memref<1024x1xi32, #tpu.memory_space<any>>
        tpu.enqueue_dma source(%dma_start3A_149 : memref<1024x1xi32, #tpu.memory_space<any>>) target(%arg6 : memref<1024x1xi32, #tpu.memory_space<vmem>>) target_semaphore(%arg10 : memref<!tpu.dma_semaphore, #tpu.memory_space<semaphore_mem>>)
      } else {
      }
      %lt3A_136 = arith.cmpi slt, %add3A_98, %select_n3A_48 : i32
      %convert_element_type3A_137 = arith.extui %lt3A_136 : i1 to i32
      %cond3A_138 = arith.constant 0 : i32
      %cond3A_139 = arith.cmpi ne, %convert_element_type3A_137, %cond3A_138 : i32
      scf.if %cond3A_139 {
        %mul3A_141 = arith.constant 1024 : i32
        %mul3A_142 = arith.muli %add3A_98, %mul3A_141 : i32
        %dma_wait3A_143 = arith.constant 0 : i32
        %dma_wait3A_144 = tpu.memref_slice %arg2[%mul3A_142, %dma_wait3A_143] : memref<819200x256xf32, #tpu.memory_space<any>> -> memref<1024x256xf32, #tpu.memory_space<any>>
        tpu.wait_dma2 semaphore(%arg9 : memref<!tpu.dma_semaphore, #tpu.memory_space<semaphore_mem>>) src(%dma_wait3A_144 : memref<1024x256xf32, #tpu.memory_space<any>>) dst(%arg7 : memref<1024x256xf32, #tpu.memory_space<vmem>>)
        %mul3A_145 = arith.constant 1024 : i32
        %mul3A_146 = arith.muli %add3A_98, %mul3A_145 : i32
        %dma_wait3A_147 = arith.constant 0 : i32
        %dma_wait3A_148 = tpu.memref_slice %arg3[%mul3A_146, %dma_wait3A_147] : memref<819200x1xi32, #tpu.memory_space<any>> -> memref<1024x1xi32, #tpu.memory_space<any>>
        tpu.wait_dma2 semaphore(%arg10 : memref<!tpu.dma_semaphore, #tpu.memory_space<semaphore_mem>>) src(%dma_wait3A_148 : memref<1024x1xi32, #tpu.memory_space<any>>) dst(%arg8 : memref<1024x1xi32, #tpu.memory_space<vmem>>)
        %get3A_149 = arith.constant 0 : index
        %get3A_150 = arith.constant 0 : index
        %get3A_151 = vector.load %arg8[%get3A_149, %get3A_150] : memref<1024x1xi32, #tpu.memory_space<vmem>>, vector<1024x1xi32>
        %mul3A_152 = arith.constant 128 : i32
        %mul3A_153 = arith.muli %arg0, %mul3A_152 : i32
        %sub3A_154 = vector.broadcast %mul3A_153 : i32 to vector<1024x1xi32>
        %sub3A_155 = arith.subi %get3A_151, %sub3A_154 : vector<1024x1xi32>
        %iota3A_156 = tpu.iota {dimensions = array<i32: 1>} : vector<1024x128xi32>
        %eq3A_157 = vector.broadcast %sub3A_155 : vector<1024x1xi32> to vector<1024x128xi32>
        %eq3A_158 = arith.cmpi eq, %eq3A_157, %iota3A_156 : vector<1024x128xi32>
        %convert_element_type3A_159 = arith.extui %eq3A_158 : vector<1024x128xi1> to vector<1024x128xi32>
        %convert_element_type3A_160 = arith.sitofp %convert_element_type3A_159 : vector<1024x128xi32> to vector<1024x128xf32>
        %get3A_161 = arith.constant 0 : index
        %get3A_162 = arith.constant 0 : index
        %get3A_163 = vector.load %arg4[%get3A_161, %get3A_162] : memref<128x256xf32, #tpu.memory_space<vmem>>, vector<128x256xf32>
        %get3A_164 = arith.constant 0 : index
        %get3A_165 = arith.constant 0 : index
        %get3A_166 = vector.load %arg7[%get3A_164, %get3A_165] : memref<1024x256xf32, #tpu.memory_space<vmem>>, vector<1024x256xf32>
        %dot_general3A_167 = arith.constant dense<0.000000e+00> : vector<128x256xf32>
        %dot_general3A_168 = tpu.matmul %convert_element_type3A_160, %get3A_166, %dot_general3A_167 {dimension_numbers = #tpu.dot_dimension_numbers<[0], [0], [1], [1], [0, 1, 1, 1], [], []>, transpose_lhs_hint = false} : vector<1024x128xf32>, vector<1024x256xf32>, vector<128x256xf32> -> vector<128x256xf32>
        %add3A_169 = arith.addf %get3A_163, %dot_general3A_168 : vector<128x256xf32>
        %swap3A_170 = arith.constant 0 : index
        %swap3A_171 = arith.constant 0 : index
        %swap3A_172 = vector.load %arg4[%swap3A_170, %swap3A_171] : memref<128x256xf32, #tpu.memory_space<vmem>>, vector<128x256xf32>
        tpu.vector_store %arg4[%swap3A_170, %swap3A_171], %add3A_169 {strides = array<i32>} : memref<128x256xf32, #tpu.memory_space<vmem>>, vector<128x256xf32>,
      } else {
      }
      %while3A_140 = arith.constant 0 : i32
      scf.yield %while3A_140 : i32
    }
    %while3A_91 = arith.constant 1 : i32
    %while3A_92 = scf.for %while3A_93 = %while3A_88 to %while3A_84 step %while3A_91 iter_args(%while3A_94 = %while3A_90) -> (i32)  : i32 {
      %mul3A = arith.constant 2 : i32
      %mul3A_95 = arith.muli %mul3A, %while3A_93 : i32
      %add3A_96 = arith.addi %select_n3A, %mul3A_95 : i32
      %add3A_97 = arith.constant 1 : i32
      %add3A_98 = arith.addi %add3A_96, %add3A_97 : i32
      %lt3A = arith.cmpi slt, %add3A_98, %select_n3A_48 : i32
      %convert_element_type3A_99 = arith.extui %lt3A : i1 to i32
      %cond3A_100 = arith.constant 0 : i32
      %cond3A_101 = arith.cmpi ne, %convert_element_type3A_99, %cond3A_100 : i32
      scf.if %cond3A_101 {
        %mul3A_141 = arith.constant 1024 : i32
        %mul3A_142 = arith.muli %add3A_98, %mul3A_141 : i32
        %dma_start3A = arith.constant 0 : i32
        %dma_start3A_143 = tpu.memref_slice %arg2[%mul3A_142, %dma_start3A] : memref<819200x256xf32, #tpu.memory_space<any>> -> memref<1024x256xf32, #tpu.memory_space<any>>
        tpu.enqueue_dma source(%dma_start3A_143 : memref<1024x256xf32, #tpu.memory_space<any>>) target(%arg7 : memref<1024x256xf32, #tpu.memory_space<vmem>>) target_semaphore(%arg9 : memref<!tpu.dma_semaphore, #tpu.memory_space<semaphore_mem>>)
        %mul3A_144 = arith.constant 1024 : i32
        %mul3A_145 = arith.muli %add3A_98, %mul3A_144 : i32
        %dma_start3A_146 = arith.constant 0 : i32
        %dma_start3A_147 = tpu.memref_slice %arg3[%mul3A_145, %dma_start3A_146] : memref<819200x1xi32, #tpu.memory_space<any>> -> memref<1024x1xi32, #tpu.memory_space<any>>
        tpu.enqueue_dma source(%dma_start3A_147 : memref<1024x1xi32, #tpu.memory_space<any>>) target(%arg8 : memref<1024x1xi32, #tpu.memory_space<vmem>>) target_semaphore(%arg10 : memref<!tpu.dma_semaphore, #tpu.memory_space<semaphore_mem>>)
      } else {
      }
      %mul3A_102 = arith.constant 1024 : i32
      %mul3A_103 = arith.muli %add3A_96, %mul3A_102 : i32
      %dma_wait3A = arith.constant 0 : i32
      %dma_wait3A_104 = tpu.memref_slice %arg2[%mul3A_103, %dma_wait3A] : memref<819200x256xf32, #tpu.memory_space<any>> -> memref<1024x256xf32, #tpu.memory_space<any>>
      tpu.wait_dma2 semaphore(%arg9 : memref<!tpu.dma_semaphore, #tpu.memory_space<semaphore_mem>>) src(%dma_wait3A_104 : memref<1024x256xf32, #tpu.memory_space<any>>) dst(%arg5 : memref<1024x256xf32, #tpu.memory_space<vmem>>)
      %mul3A_105 = arith.constant 1024 : i32
      %mul3A_106 = arith.muli %add3A_96, %mul3A_105 : i32
      %dma_wait3A_107 = arith.constant 0 : i32
      %dma_wait3A_108 = tpu.memref_slice %arg3[%mul3A_106, %dma_wait3A_107] : memref<819200x1xi32, #tpu.memory_space<any>> -> memref<1024x1xi32, #tpu.memory_space<any>>
      tpu.wait_dma2 semaphore(%arg10 : memref<!tpu.dma_semaphore, #tpu.memory_space<semaphore_mem>>) src(%dma_wait3A_108 : memref<1024x1xi32, #tpu.memory_space<any>>) dst(%arg6 : memref<1024x1xi32, #tpu.memory_space<vmem>>)
      %get3A_109 = arith.constant 0 : index
      %get3A_110 = arith.constant 0 : index
      %get3A_111 = vector.load %arg6[%get3A_109, %get3A_110] : memref<1024x1xi32, #tpu.memory_space<vmem>>, vector<1024x1xi32>
      %mul3A_112 = arith.constant 128 : i32
      %mul3A_113 = arith.muli %arg0, %mul3A_112 : i32
      %sub3A_114 = vector.broadcast %mul3A_113 : i32 to vector<1024x1xi32>
      %sub3A_115 = arith.subi %get3A_111, %sub3A_114 : vector<1024x1xi32>
      %iota3A = tpu.iota {dimensions = array<i32: 1>} : vector<1024x128xi32>
      %eq3A = vector.broadcast %sub3A_115 : vector<1024x1xi32> to vector<1024x128xi32>
      %eq3A_116 = arith.cmpi eq, %eq3A, %iota3A : vector<1024x128xi32>
      %convert_element_type3A_117 = arith.extui %eq3A_116 : vector<1024x128xi1> to vector<1024x128xi32>
      %convert_element_type3A_118 = arith.sitofp %convert_element_type3A_117 : vector<1024x128xi32> to vector<1024x128xf32>
      %get3A_119 = arith.constant 0 : index
      %get3A_120 = arith.constant 0 : index
      %get3A_121 = vector.load %arg4[%get3A_119, %get3A_120] : memref<128x256xf32, #tpu.memory_space<vmem>>, vector<128x256xf32>
      %get3A_122 = arith.constant 0 : index
      %get3A_123 = arith.constant 0 : index
      %get3A_124 = vector.load %arg5[%get3A_122, %get3A_123] : memref<1024x256xf32, #tpu.memory_space<vmem>>, vector<1024x256xf32>
      %dot_general3A = arith.constant dense<0.000000e+00> : vector<128x256xf32>
      %dot_general3A_125 = tpu.matmul %convert_element_type3A_118, %get3A_124, %dot_general3A {dimension_numbers = #tpu.dot_dimension_numbers<[0], [0], [1], [1], [0, 1, 1, 1], [], []>, transpose_lhs_hint = false} : vector<1024x128xf32>, vector<1024x256xf32>, vector<128x256xf32> -> vector<128x256xf32>
      %add3A_126 = arith.addf %get3A_121, %dot_general3A_125 : vector<128x256xf32>
      %swap3A_127 = arith.constant 0 : index
      %swap3A_128 = arith.constant 0 : index
      %swap3A_129 = vector.load %arg4[%swap3A_127, %swap3A_128] : memref<128x256xf32, #tpu.memory_space<vmem>>, vector<128x256xf32>
      tpu.vector_store %arg4[%swap3A_127, %swap3A_128], %add3A_126 {strides = array<i32>} : memref<128x256xf32, #tpu.memory_space<vmem>>, vector<128x256xf32>,
      %add3A_130 = arith.constant 2 : i32
      %add3A_131 = arith.addi %add3A_96, %add3A_130 : i32
      %lt3A_132 = arith.cmpi slt, %add3A_131, %select_n3A_48 : i32
      %convert_element_type3A_133 = arith.extui %lt3A_132 : i1 to i32
      %cond3A_134 = arith.constant 0 : i32
      %cond3A_135 = arith.cmpi ne, %convert_element_type3A_133, %cond3A_134 : i32
      scf.if %cond3A_135 {
        %add3A_141 = arith.constant 2 : i32
        %add3A_142 = arith.addi %add3A_96, %add3A_141 : i32
        %mul3A_143 = arith.constant 1024 : i32
        %mul3A_144 = arith.muli %add3A_142, %mul3A_143 : i32
        %dma_start3A = arith.constant 0 : i32
        %dma_start3A_145 = tpu.memref_slice %arg2[%mul3A_144, %dma_start3A] : memref<819200x256xf32, #tpu.memory_space<any>> -> memref<1024x256xf32, #tpu.memory_space<any>>
        tpu.enqueue_dma source(%dma_start3A_145 : memref<1024x256xf32, #tpu.memory_space<any>>) target(%arg5 : memref<1024x256xf32, #tpu.memory_space<vmem>>) target_semaphore(%arg9 : memref<!tpu.dma_semaphore, #tpu.memory_space<semaphore_mem>>)
        %mul3A_146 = arith.constant 1024 : i32
        %mul3A_147 = arith.muli %add3A_142, %mul3A_146 : i32
        %dma_start3A_148 = arith.constant 0 : i32
        %dma_start3A_149 = tpu.memref_slice %arg3[%mul3A_147, %dma_start3A_148] : memref<819200x1xi32, #tpu.memory_space<any>> -> memref<1024x1xi32, #tpu.memory_space<any>>
        tpu.enqueue_dma source(%dma_start3A_149 : memref<1024x1xi32, #tpu.memory_space<any>>) target(%arg6 : memref<1024x1xi32, #tpu.memory_space<vmem>>) target_semaphore(%arg10 : memref<!tpu.dma_semaphore, #tpu.memory_space<semaphore_mem>>)
      } else {
      }
      %lt3A_136 = arith.cmpi slt, %add3A_98, %select_n3A_48 : i32
      %convert_element_type3A_137 = arith.extui %lt3A_136 : i1 to i32
      %cond3A_138 = arith.constant 0 : i32
      %cond3A_139 = arith.cmpi ne, %convert_element_type3A_137, %cond3A_138 : i32
      scf.if %cond3A_139 {
        %mul3A_141 = arith.constant 1024 : i32
        %mul3A_142 = arith.muli %add3A_98, %mul3A_141 : i32
        %dma_wait3A_143 = arith.constant 0 : i32
        %dma_wait3A_144 = tpu.memref_slice %arg2[%mul3A_142, %dma_wait3A_143] : memref<819200x256xf32, #tpu.memory_space<any>> -> memref<1024x256xf32, #tpu.memory_space<any>>
        tpu.wait_dma2 semaphore(%arg9 : memref<!tpu.dma_semaphore, #tpu.memory_space<semaphore_mem>>) src(%dma_wait3A_144 : memref<1024x256xf32, #tpu.memory_space<any>>) dst(%arg7 : memref<1024x256xf32, #tpu.memory_space<vmem>>)
        %mul3A_145 = arith.constant 1024 : i32
        %mul3A_146 = arith.muli %add3A_98, %mul3A_145 : i32
        %dma_wait3A_147 = arith.constant 0 : i32
        %dma_wait3A_148 = tpu.memref_slice %arg3[%mul3A_146, %dma_wait3A_147] : memref<819200x1xi32, #tpu.memory_space<any>> -> memref<1024x1xi32, #tpu.memory_space<any>>
        tpu.wait_dma2 semaphore(%arg10 : memref<!tpu.dma_semaphore, #tpu.memory_space<semaphore_mem>>) src(%dma_wait3A_148 : memref<1024x1xi32, #tpu.memory_space<any>>) dst(%arg8 : memref<1024x1xi32, #tpu.memory_space<vmem>>)
        %get3A_149 = arith.constant 0 : index
        %get3A_150 = arith.constant 0 : index
        %get3A_151 = vector.load %arg8[%get3A_149, %get3A_150] : memref<1024x1xi32, #tpu.memory_space<vmem>>, vector<1024x1xi32>
        %mul3A_152 = arith.constant 128 : i32
        %mul3A_153 = arith.muli %arg0, %mul3A_152 : i32
        %sub3A_154 = vector.broadcast %mul3A_153 : i32 to vector<1024x1xi32>
        %sub3A_155 = arith.subi %get3A_151, %sub3A_154 : vector<1024x1xi32>
        %iota3A_156 = tpu.iota {dimensions = array<i32: 1>} : vector<1024x128xi32>
        %eq3A_157 = vector.broadcast %sub3A_155 : vector<1024x1xi32> to vector<1024x128xi32>
        %eq3A_158 = arith.cmpi eq, %eq3A_157, %iota3A_156 : vector<1024x128xi32>
        %convert_element_type3A_159 = arith.extui %eq3A_158 : vector<1024x128xi1> to vector<1024x128xi32>
        %convert_element_type3A_160 = arith.sitofp %convert_element_type3A_159 : vector<1024x128xi32> to vector<1024x128xf32>
        %get3A_161 = arith.constant 0 : index
        %get3A_162 = arith.constant 0 : index
        %get3A_163 = vector.load %arg4[%get3A_161, %get3A_162] : memref<128x256xf32, #tpu.memory_space<vmem>>, vector<128x256xf32>
        %get3A_164 = arith.constant 0 : index
        %get3A_165 = arith.constant 0 : index
        %get3A_166 = vector.load %arg7[%get3A_164, %get3A_165] : memref<1024x256xf32, #tpu.memory_space<vmem>>, vector<1024x256xf32>
        %dot_general3A_167 = arith.constant dense<0.000000e+00> : vector<128x256xf32>
        %dot_general3A_168 = tpu.matmul %convert_element_type3A_160, %get3A_166, %dot_general3A_167 {dimension_numbers = #tpu.dot_dimension_numbers<[0], [0], [1], [1], [0, 1, 1, 1], [], []>, transpose_lhs_hint = false} : vector<1024x128xf32>, vector<1024x256xf32>, vector<128x256xf32> -> vector<128x256xf32>
        %add3A_169 = arith.addf %get3A_163, %dot_general3A_168 : vector<128x256xf32>
        %swap3A_170 = arith.constant 0 : index
        %swap3A_171 = arith.constant 0 : index
        %swap3A_172 = vector.load %arg4[%swap3A_170, %swap3A_171] : memref<128x256xf32, #tpu.memory_space<vmem>>, vector<128x256xf32>
        tpu.vector_store %arg4[%swap3A_170, %swap3A_171], %add3A_169 {strides = array<i32>} : memref<128x256xf32, #tpu.memory_space<vmem>>, vector<128x256xf32>,
      } else {
      }
      %while3A_140 = arith.constant 0 : i32
      scf.yield %while3A_140 : i32
    }
    return
  }
  func.func @transform_0(%arg0: i32) -> i32 {
    %c0_i32 = arith.constant 0 : i32
    %c0_i32_0 = arith.constant 0 : i32
    return %c0_i32 : i32
  }
  func.func @transform_3(%arg0: i32) -> (i32, i32) {
    %c0_i32 = arith.constant 0 : i32
    %c0_i32_0 = arith.constant 0 : i32
    return %arg0, %c0_i32 : i32, i32
  }
}

module attributes {stable_mosaic.version = 14 : i64} {
  func.func @_inv_body(%arg0: i32, %arg1: memref<512x256xf32, #tpu.memory_space<vmem>>, %arg2: memref<64x1024xf32, #tpu.memory_space<vmem>>, %arg3: memref<16x1024xf32, #tpu.memory_space<vmem>>, %arg4: memref<512x1024xf32, #tpu.memory_space<vmem>>) attributes {dimension_semantics = [#tpu.dimension_semantics<arbitrary>], iteration_bounds = array<i64: 98>, scalar_prefetch = 0 : i64, scratch_operands = 0 : i64, tpu.core_type = #tpu.core_type<tc>, window_params = [{transform_indices = @transform_0, window_bounds = array<i64: 512, 256>}, {pipeline_mode = #tpu.pipeline_mode<synchronous>, transform_indices = @transform_1, window_bounds = array<i64: 64, 1024>}, {pipeline_mode = #tpu.pipeline_mode<synchronous>, transform_indices = @transform_2, window_bounds = array<i64: 16, 1024>}, {transform_indices = @transform_3, window_bounds = array<i64: 512, 1024>}]} {
    %get3A = arith.constant 0 : index
    %get3A_0 = arith.constant 0 : index
    %get3A_1 = vector.load %arg1[%get3A, %get3A_0] : memref<512x256xf32, #tpu.memory_space<vmem>>, vector<512x256xf32>
    %get3A_2 = arith.constant 0 : index
    %get3A_3 = arith.constant 0 : index
    %get3A_4 = vector.load %arg2[%get3A_2, %get3A_3] : memref<64x1024xf32, #tpu.memory_space<vmem>>, vector<64x1024xf32>
    %get3A_5 = arith.constant 0 : index
    %get3A_6 = arith.constant 0 : index
    %get3A_7 = vector.load %arg3[%get3A_5, %get3A_6] : memref<16x1024xf32, #tpu.memory_space<vmem>>, vector<16x1024xf32>
    %slice3A = vector.extract_strided_slice %get3A_1 {offsets = [0, 0], sizes = [512, 64], strides = [1, 1]} : vector<512x256xf32> to vector<512x64xf32>
    %slice3A_8 = vector.extract_strided_slice %get3A_1 {offsets = [0, 0], sizes = [512, 16], strides = [1, 1]} : vector<512x256xf32> to vector<512x16xf32>
    %dot_general3A = arith.constant dense<0.000000e+00> : vector<512x1024xf32>
    %dot_general3A_9 = tpu.matmul %slice3A, %get3A_4, %dot_general3A {dimension_numbers = #tpu.dot_dimension_numbers<[1], [0], [0], [1], [0, 0, 1, 1], [], []>, transpose_lhs_hint = false} : vector<512x64xf32>, vector<64x1024xf32>, vector<512x1024xf32> -> vector<512x1024xf32>
    %dot_general3A_10 = arith.constant dense<0.000000e+00> : vector<512x1024xf32>
    %dot_general3A_11 = tpu.matmul %slice3A_8, %get3A_7, %dot_general3A_10 {dimension_numbers = #tpu.dot_dimension_numbers<[1], [0], [0], [1], [0, 0, 1, 1], [], []>, transpose_lhs_hint = false} : vector<512x16xf32>, vector<16x1024xf32>, vector<512x1024xf32> -> vector<512x1024xf32>
    %mul3A = arith.mulf %dot_general3A_9, %dot_general3A_11 : vector<512x1024xf32>
    %slice3A_12 = vector.extract_strided_slice %get3A_1 {offsets = [0, 64], sizes = [512, 64], strides = [1, 1]} : vector<512x256xf32> to vector<512x64xf32>
    %slice3A_13 = vector.extract_strided_slice %get3A_1 {offsets = [0, 64], sizes = [512, 16], strides = [1, 1]} : vector<512x256xf32> to vector<512x16xf32>
    %dot_general3A_14 = arith.constant dense<0.000000e+00> : vector<512x1024xf32>
    %dot_general3A_15 = tpu.matmul %slice3A_12, %get3A_4, %dot_general3A_14 {dimension_numbers = #tpu.dot_dimension_numbers<[1], [0], [0], [1], [0, 0, 1, 1], [], []>, transpose_lhs_hint = false} : vector<512x64xf32>, vector<64x1024xf32>, vector<512x1024xf32> -> vector<512x1024xf32>
    %dot_general3A_16 = arith.constant dense<0.000000e+00> : vector<512x1024xf32>
    %dot_general3A_17 = tpu.matmul %slice3A_13, %get3A_7, %dot_general3A_16 {dimension_numbers = #tpu.dot_dimension_numbers<[1], [0], [0], [1], [0, 0, 1, 1], [], []>, transpose_lhs_hint = false} : vector<512x16xf32>, vector<16x1024xf32>, vector<512x1024xf32> -> vector<512x1024xf32>
    %mul3A_18 = arith.mulf %dot_general3A_15, %dot_general3A_17 : vector<512x1024xf32>
    %add3A = arith.addf %mul3A, %mul3A_18 : vector<512x1024xf32>
    %slice3A_19 = vector.extract_strided_slice %get3A_1 {offsets = [0, 128], sizes = [512, 64], strides = [1, 1]} : vector<512x256xf32> to vector<512x64xf32>
    %slice3A_20 = vector.extract_strided_slice %get3A_1 {offsets = [0, 128], sizes = [512, 16], strides = [1, 1]} : vector<512x256xf32> to vector<512x16xf32>
    %dot_general3A_21 = arith.constant dense<0.000000e+00> : vector<512x1024xf32>
    %dot_general3A_22 = tpu.matmul %slice3A_19, %get3A_4, %dot_general3A_21 {dimension_numbers = #tpu.dot_dimension_numbers<[1], [0], [0], [1], [0, 0, 1, 1], [], []>, transpose_lhs_hint = false} : vector<512x64xf32>, vector<64x1024xf32>, vector<512x1024xf32> -> vector<512x1024xf32>
    %dot_general3A_23 = arith.constant dense<0.000000e+00> : vector<512x1024xf32>
    %dot_general3A_24 = tpu.matmul %slice3A_20, %get3A_7, %dot_general3A_23 {dimension_numbers = #tpu.dot_dimension_numbers<[1], [0], [0], [1], [0, 0, 1, 1], [], []>, transpose_lhs_hint = false} : vector<512x16xf32>, vector<16x1024xf32>, vector<512x1024xf32> -> vector<512x1024xf32>
    %mul3A_25 = arith.mulf %dot_general3A_22, %dot_general3A_24 : vector<512x1024xf32>
    %add3A_26 = arith.addf %add3A, %mul3A_25 : vector<512x1024xf32>
    %slice3A_27 = vector.extract_strided_slice %get3A_1 {offsets = [0, 192], sizes = [512, 64], strides = [1, 1]} : vector<512x256xf32> to vector<512x64xf32>
    %slice3A_28 = vector.extract_strided_slice %get3A_1 {offsets = [0, 192], sizes = [512, 16], strides = [1, 1]} : vector<512x256xf32> to vector<512x16xf32>
    %dot_general3A_29 = arith.constant dense<0.000000e+00> : vector<512x1024xf32>
    %dot_general3A_30 = tpu.matmul %slice3A_27, %get3A_4, %dot_general3A_29 {dimension_numbers = #tpu.dot_dimension_numbers<[1], [0], [0], [1], [0, 0, 1, 1], [], []>, transpose_lhs_hint = false} : vector<512x64xf32>, vector<64x1024xf32>, vector<512x1024xf32> -> vector<512x1024xf32>
    %dot_general3A_31 = arith.constant dense<0.000000e+00> : vector<512x1024xf32>
    %dot_general3A_32 = tpu.matmul %slice3A_28, %get3A_7, %dot_general3A_31 {dimension_numbers = #tpu.dot_dimension_numbers<[1], [0], [0], [1], [0, 0, 1, 1], [], []>, transpose_lhs_hint = false} : vector<512x16xf32>, vector<16x1024xf32>, vector<512x1024xf32> -> vector<512x1024xf32>
    %mul3A_33 = arith.mulf %dot_general3A_30, %dot_general3A_32 : vector<512x1024xf32>
    %add3A_34 = arith.addf %add3A_26, %mul3A_33 : vector<512x1024xf32>
    %swap3A = arith.constant 0 : index
    %swap3A_35 = arith.constant 0 : index
    %swap3A_36 = vector.load %arg4[%swap3A, %swap3A_35] : memref<512x1024xf32, #tpu.memory_space<vmem>>, vector<512x1024xf32>
    tpu.vector_store %arg4[%swap3A, %swap3A_35], %add3A_34 {strides = array<i32>} : memref<512x1024xf32, #tpu.memory_space<vmem>>, vector<512x1024xf32>,
    return
  }
  func.func @transform_0(%arg0: i32) -> (i32, i32) {
    %c0_i32 = arith.constant 0 : i32
    %c0_i32_0 = arith.constant 0 : i32
    return %arg0, %c0_i32 : i32, i32
  }
  func.func @transform_1(%arg0: i32) -> (i32, i32) {
    %c0_i32 = arith.constant 0 : i32
    %c0_i32_0 = arith.constant 0 : i32
    %c0_i32_1 = arith.constant 0 : i32
    return %c0_i32, %c0_i32_0 : i32, i32
  }
  func.func @transform_2(%arg0: i32) -> (i32, i32) {
    %c0_i32 = arith.constant 0 : i32
    %c0_i32_0 = arith.constant 0 : i32
    %c0_i32_1 = arith.constant 0 : i32
    return %c0_i32, %c0_i32_0 : i32, i32
  }
  func.func @transform_3(%arg0: i32) -> (i32, i32) {
    %c0_i32 = arith.constant 0 : i32
    %c0_i32_0 = arith.constant 0 : i32
    return %arg0, %c0_i32 : i32, i32
  }
}

</mosaic_0001>

<sc_bundles>
// kernel: kernel.10.cloned.1.call-start
scs
__scs_entry_jumppad:
0x0: {  	(pc) =	sbr.rel $0x88, $3  }
0x1: {  	(tag) =	ssettag $0x0;
	lr =	simm.s32 $0x1  }
0x2: {  	[smem:$0x3F94] =	sst lr;
	_ =	strace $0xD0000000  }
0x3: {  	_ = 	snop  }
0x4: {  	_ = 	snop  }
0x5: {  	_ = 	snop  }
0x6: {  	_ = 	snop  }
0x7: {  	_ = 	snop  }
__scs_overlays_trampoline_lowered:
0x8: {  	[smem:$0x3FA3] =	sst s0  }
0x9: {  	[smem:$0x3FA4] =	sst s1  }
0xa: {  	[smem:$0x3FA5] =	sst s2  }
0xb: {  	[smem:$0x3FA6] =	sst s3  }
0xc: {  	[smem:$0x3FA7] =	sst s4  }
0xd: {  	[smem:$0x3FA8] =	sst s5  }
0xe: {  	[smem:$0x3FA9] =	sst s6  }
0xf: {  	[smem:$0x3FAA] =	sst s7  }
0x10: {  	[smem:$0x3FAB] =	sst s8  }
0x11: {  	[smem:$0x3FAC] =	sst s9;
	s0 =	simm.s32 @!p0 $0x0  }
0x12: {  	s1 =	sld [smem:$0x3F92];
	s0 =	simm.s32 @p0 $0x1  }
0x13: {  	[smem:$0x3FAD] =	sst s0;
	s0 =	simm.s32 @!p1 $0x0  }
0x14: {  	s2 =	sld [smem:$0x3F91];
	s0 =	simm.s32 @p1 $0x1  }
0x15: {  	[smem:$0x3FAE] =	sst s0;
	s0 =	simm.s32 @!p2 $0x0  }
0x16: {  	s3 =	sld [smem:$0x3FDB];
	s0 =	simm.s32 @p2 $0x1  }
0x17: {  	s4 =	simm.s32 $0x1BF5;
	[smem:$0x3FB0] =	sst s0  }
0x18: {  	s0 =	sld [smem:$0x3F93];
	_ =	swait.ge [sflag:s4], $0x0  }
0x19: {  	s7 =	sld [smem:$0x3F94]  }
0x1a: {  	s8 =	sadd.s32 $0xFFFFE003, lr  }
0x1b: {  	s9 =	sadd.s32 $0xFFFFFEF7, lr;
	s5 =	simm.s32 $0xFFFFFFFF;
	p2 =	slt.u32 s8, $0xFFFFF086  }
0x1c: {  	p1 =	slt.u32 s9, $0xF7A;
	s5 =	simm.s32 @!p2 $0x0  }
0x1d: {  	s5 =	simm.s32 @p1 $0x1;
	p0 =	seq.s32 s7, s2  }
0x1e: {  	s7 =	smul.u32 @!p0 $0xF7A, s2;
	p2 =	seq.s32 @!p0 s5, $0x0  }
0x1f: {  	s9 =	smul.u32 $0xF7A, s1;
	s8 =	simm.s32 @!p0 $0x1BF5;
	p2 =	por !p2, p0  }
0x20: {  	[sflag:s8] =	ssyncset.s32 @!p0 $0xFFFFF086;
	s6 =	sadd.s32 @!p0 s3, s7;
	s7 =	simm.s32 @!p0 $0x108  }
0x21: {  	s3 =	sadd.s32 s3, s9;
	s6 =	sadd.s32 @!p0 $0x88, s6;
	s7 =	simm.s32 @p2 $0x1082  }
0x22: {  	[simem:s7], [sflag:s8] =	dma.local @!p0 [hbm:s6], $0xF7A  }
0x23: {  	s9 =	sor.u32 $0xD0000000, s2;
	s6 =	simm.s32 $0x108;
	_ =	swait.ge @!p0 [sflag:s8], $0x0  }
0x24: {  	s3 =	sadd.s32 $0x88, s3;
	s6 =	simm.s32 @!p1 $0x1082;
	[sflag:s4] =	ssyncset.s32 $0xFFFFF086  }
0x25: {  	[simem:s6], [sflag:s4] =	dma.local [hbm:s3], $0xF7A  }
0x26: {  	[smem:$0x3F94] =	sst s1;
	(tag) =	ssettag s2;
	_ =	strace s9  }
0x27: {  	s1 =	sld [smem:$0x3FA4]  }
0x28: {  	s2 =	sld [smem:$0x3FA5]  }
0x29: {  	s4 =	sld [smem:$0x3FA7]  }
0x2a: {  	p0 =	seq.s32 s5, $0x0;
	s5 =	sld [smem:$0x3FA8]  }
0x2b: {  	s6 =	sld [smem:$0x3FA9]  }
0x2c: {  	s7 =	sld [smem:$0x3FAA]  }
0x2d: {  	s3 =	simm.s32 $0x108;
	s8 =	sld [smem:$0x3FAB]  }
0x2e: {  	s3 =	simm.s32 @!p0 $0x1082;
	s9 =	sld [smem:$0x3FAC]  }
0x2f: {  	lr =	sadd.s32 s0, s3;
	s0 =	sld [smem:$0x3FA3]  }
0x30: {  	s3 =	sld [smem:$0x3FA6]  }
0x31: {  	[smem:$0x3FAF] =	sst s10  }
0x32: {  	s10 =	sld [smem:$0x3FAD];
	_ =	sdelay $0x3  }
0x33: {  	p0 =	seq.s32 s10, $0x1;
	s10 =	sld [smem:$0x3FAF];
	_ =	sdelay $0x3  }
0x34: {  	[smem:$0x3FAF] =	sst s10  }
0x35: {  	s10 =	sld [smem:$0x3FAE];
	_ =	sdelay $0x3  }
0x36: {  	p1 =	seq.s32 s10, $0x1;
	s10 =	sld [smem:$0x3FAF];
	_ =	sdelay $0x3  }
0x37: {  	[smem:$0x3FAF] =	sst s10  }
0x38: {  	s10 =	sld [smem:$0x3FB0]  }
0x39: {  	_ = 	snop;
	(pc) =	sbr.ind lr, $3  }
0x3a: {  	_ = 	snop  }
0x3b: {  	_ = 	snop  }
0x3c: {  	p2 =	seq.s32 s10, $0x1;
	s10 =	sld [smem:$0x3FAF]  }
0x3d: {  	_ =	shalt  }
0x3e: {  	_ =	shalt  }
0x3f: {  	_ =	shalt  }
0x40: {  	_ =	shalt  }
0x41: {  	_ =	shalt  }
0x42: {  	_ =	shalt  }
0x43: {  	_ =	shalt  }
0x44: {  	_ =	shalt  }
0x45: {  	_ =	shalt  }
0x46: {  	_ =	shalt  }
0x47: {  	_ =	shalt  }
0x48: {  	_ =	shalt  }
0x49: {  	_ =	shalt  }
0x4a: {  	_ =	shalt  }
0x4b: {  	_ =	shalt  }
0x4c: {  	_ =	shalt  }
0x4d: {  	_ =	shalt  }
0x4e: {  	_ =	shalt  }
0x4f: {  	_ =	shalt  }
0x50: {  	_ =	shalt  }
0x51: {  	_ =	shalt  }
0x52: {  	_ =	shalt  }
0x53: {  	_ =	shalt  }
0x54: {  	_ =	shalt  }
0x55: {  	_ =	shalt  }
0x56: {  	_ =	shalt  }
0x57: {  	_ =	shalt  }
0x58: {  	_ =	shalt  }
0x59: {  	_ =	shalt  }
0x5a: {  	_ =	shalt  }
0x5b: {  	_ =	shalt  }
0x5c: {  	_ =	shalt  }
0x5d: {  	_ =	shalt  }
0x5e: {  	_ =	shalt  }
0x5f: {  	_ =	shalt  }
0x60: {  	_ =	shalt  }
0x61: {  	_ =	shalt  }
0x62: {  	_ =	shalt  }
0x63: {  	_ =	shalt  }
0x64: {  	_ =	shalt  }
0x65: {  	_ =	shalt  }
0x66: {  	_ =	shalt  }
0x67: {  	_ =	shalt  }
0x68: {  	_ =	shalt  }
0x69: {  	_ =	shalt  }
0x6a: {  	_ =	shalt  }
0x6b: {  	_ =	shalt  }
0x6c: {  	_ =	shalt  }
0x6d: {  	_ =	shalt  }
0x6e: {  	_ =	shalt  }
0x6f: {  	_ =	shalt  }
0x70: {  	_ =	shalt  }
0x71: {  	_ =	shalt  }
0x72: {  	_ =	shalt  }
0x73: {  	_ =	shalt  }
0x74: {  	_ =	shalt  }
0x75: {  	_ =	shalt  }
0x76: {  	_ =	shalt  }
0x77: {  	_ =	shalt  }
0x78: {  	_ =	shalt  }
0x79: {  	_ =	shalt  }
0x7a: {  	_ =	shalt  }
0x7b: {  	_ =	shalt  }
0x7c: {  	_ =	shalt  }
0x7d: {  	_ =	shalt  }
0x7e: {  	_ =	shalt  }
0x7f: {  	_ =	shalt  }
0x80: {  	_ =	shalt  }
0x81: {  	_ =	shalt  }
0x82: {  	_ =	shalt  }
0x83: {  	_ =	shalt  }
0x84: {  	_ =	shalt  }
0x85: {  	_ =	shalt  }
0x86: {  	_ =	shalt  }
0x87: {  	_ =	shalt  }
.Lfunc_end0:
.L_simem_size_0:
called_computation.1_lowered:
.L_overlay_start_0:
0x88: {  	s2 =	sld [smem:$0x3FD9]  }
0x89: {  	s3 =	sld [smem:$0x3FFE];
	_ =	sdelay $0x1  }
0x8a: {  	s1 =	srdreg.scid  }
0x8b: {  	s0 =	sand.u32 $0x1, s1  }
0x8c: {  	s17 =	sshll.u32 s0, $0xA;
	s2 =	sadd.s32 s3, s2  }
0x8d: {  	s2 =	sadd.s32 s2, s17  }
0x8e: {  	[smem:$0x3FBB] =	sst s2  }
0x8f: {  	_ = 	snop  }
0x90: {  	s2 =	sld [smem:$0x3FD0];
	(tm) =	ssettm $0x1  }
0x91: {  	s18 =	sld [smem:$0x3FFB];
	_ =	sdelay $0x3  }
0x92: {  	_ =	strace s18  }
0x93: {  	s3 =	sld [smem:$0x3FFC];
	_ =	sdelay $0x3  }
0x94: {  	_ =	strace s3  }
0x95: {  	s3 =	sld [smem:$0x3FFD];
	_ =	sdelay $0x3  }
0x96: {  	_ =	strace s3  }
0x97: {  	_ =	strace $0x8FFFFFFF  }
0x98: {  	s19 =	sld [smem:$0x3FDB];
	_ =	sdelay $0x1  }
0x99: {  	s4 =	simm.s32 $_scs_section_size  }
0x9a: {  	s5 =	simm.s32 $_size__tile_overlayer_lowered;
	s6 =	simm.s32 $_tile_overlayer_lowered  }
0x9b: {  	s22 =	simm.s32 $0x1BFF;
	s21 =	sshll.u32 s6, $0x1;
	s3 =	sadd.s32 s4, s19  }
0x9c: {  	s7 =	simm.s32 $0x0;
	s20 =	sshll.u32 s5, $0x1;
	s5 =	sadd.s32 s21, s3  }
0x9d: {  	[timem:s7], [sflag:s22] =	dma.local [hbm:s5], s20  }
0x9e: {  	_ =	swait.ge [sflag:s22], s20  }
0x9f: {  	s4 =	ssub.s32 $0x0, s20;
	[sflag:s22] =	ssyncset.done $0x0  }
0xa0: {  	[sflag:s22] =	ssyncadd.s32 s4;
	_ =	sdelay $0x1  }
0xa1: {  	s23 =	simm.s32 $0x1B8B  }
0xa2: {  	_ =	swait.ge [sflag:s23], $0x1  }
0xa3: {  	[sflag:s23] =	ssyncset.done $0x0  }
0xa4: {  	s25 =	simm.s32 $0x1B8E;
	s24 =	sld [smem:$0x3FFE];
	[sflag:s23] =	ssyncadd.s32 $0xFFFFFFFF  }
0xa5: {  	s26 =	simm.s32 $execute0_lowered;
	[smem:$0x3FD2] =	sst s25  }
0xa6: {  	s5 =	sshll.u32 s26, $0x1;
	_ =	strace $0x80000049;
	[dreg:$0x1] =	wrdreg $0xFFFFFFFF  }
0xa7: {  	s28 =	simm.s32 $_size_execute0_lowered;
	s3 =	sadd.s32 s3, s5;
	[dreg:$0x0] =	wrdreg $0x0  }
0xa8: {  	s5 =	sshll.u32 s28, $0x1;
	[dreg:$0x2] =	wrdreg s3  }
0xa9: {  	[dreg:$0x3] =	wrdreg s5  }
0xaa: {  	[dreg:$0x4] =	wrdreg $0xC0  }
0xab: {  	_ =	task [dreg:s7], $0x5FFFF  }
0xac: {  	[dreg:$0x1] =	wrdreg $0xFFFFFFFF  }
0xad: {  	[dreg:$0x0] =	wrdreg $0x60  }
0xae: {  	[dreg:$0x2] =	wrdreg s2  }
0xaf: {  	[dreg:$0x3] =	wrdreg s24  }
0xb0: {  	[dreg:$0x4] =	wrdreg $0x9  }
0xb1: {  	_ =	task.clear_ibuf [dreg:s7], $0x5FFFF;
	_ =	strace $0x90000049  }
0xb2: {  	s29 =	simm.s32 $0x9;
	_ =	strace $0x8000004B  }
0xb3: {  	_ =	swait.ge [sflag:s29], $0x1  }
0xb4: {  	[sflag:s29] =	ssyncadd.s32 $0xFFFFFFFF  }
0xb5: {  	_ =	strace $0x9000004B  }
0xb6: {  	_ =	sfence  }
0xb7: {  	s30 =	sld [smem:$0x0];
	_ =	sdelay $0x2  }
0xb8: {  	s31 =	sshll.u32 s1, $0xD;
	s1 =	sshrl.u32 s1, $0x2  }
0xb9: {  	s3 =	sand.u32 $0x4000, s31;
	s1 =	sadd.s32 s1, s30  }
0xba: {  	s0 =	sor.u32 s3, s0;
	s1 =	sshll.u32 s1, $0x11  }
0xbb: {  	s0 =	sor.u32 s1, s0  }
0xbc: {  	s0 =	sadd.s32 $0x8F2B, s0  }
0xbd: {  	[sflag:s0] =	ssyncadd.remote.s32 $0x1  }
0xbe: {  	_ =	sfence.sel $0xFFFF  }
0xbf: {  	[dreg:$0x0] =	wrdreg $0xFFFFFFFF;
	(pc) =	sbr.abs _section_cstart, $3  }
0xc0: {  	[dreg:$0x1] =	wrdreg $0xFFFFFFFF  }
0xc1: {  	_ =	task.clear_ibuf [dreg:s7], $0x2FFFF;
	_ =	strace $0x9FFFFFFF  }
0xc2: {  	(tm) =	ssettm $0x7FFFFFFF  }
0xc3: {  	_ =	shalt  }
tec
execute0_lowered:
.L_overlay_start_1:
0x0: {  	(tag) =	ssettag $0x1  }
0x1: {  	s1 =	srdreg.scid;
	s0 =	stileid.u32  }
0x2: {  	s1 =	sand.u32 $0x1, s1;
	s2 =	smul.u32 $0xC800, s0  }
0x3: {  	s3 =	smul.u32 $0x6400, s1  }
0x4: {  	s4 =	rddreg [dreg:$0x0]  }
0x5: {  	s7 =	rddreg [dreg:$0x1];
	s3 =	sadd.s32 s3, s2;
	s2 =	simm.s32 $0x0  }
0x6: {  	s26 =	simm.s32 $0x480;
	[smem:$0x7FF] =	sst s2  }
0x7: {  	s29 =	simm.s32 $0x500;
	_ =	strace $0x8000004A;
	[dreg:$0x9] =	wrdreg s26  }
0x8: {  	s30 =	simm.s32 $0x580;
	[dreg:$0xa] =	wrdreg s29  }
0x9: {  	s31 =	simm.s32 $0x600;
	[dreg:$0xb] =	wrdreg s30  }
0xa: {  	s0 =	simm.s32 $0x680;
	[dreg:$0xc] =	wrdreg s31  }
0xb: {  	s8 =	simm.s32 $0x900;
	[dreg:$0xd] =	wrdreg s0  }
0xc: {  	s9 =	simm.s32 $0x980;
	[dreg:$0x11] =	wrdreg s8  }
0xd: {  	s10 =	simm.s32 $0xA00;
	[dreg:$0x12] =	wrdreg s9  }
0xe: {  	s11 =	simm.s32 $0xA80;
	[dreg:$0x13] =	wrdreg s10  }
0xf: {  	s12 =	simm.s32 $0xB00;
	[dreg:$0x14] =	wrdreg s11  }
0x10: {  	s13 =	simm.s32 $0xC80;
	[dreg:$0x15] =	wrdreg s12  }
0x11: {  	s14 =	simm.s32 $0xD00;
	[dreg:$0x17] =	wrdreg s13  }
0x12: {  	s15 =	simm.s32 $0xD80;
	s16 =	simm.s32 $0xE00;
	[dreg:$0x18] =	wrdreg s14  }
0x13: {  	s17 =	simm.s32 $0xE80;
	s18 =	simm.s32 $0xF00;
	[dreg:$0x19] =	wrdreg s15  }
0x14: {  	s19 =	simm.s32 $0xF80;
	s20 =	simm.s32 $0x1080;
	[dreg:$0x1a] =	wrdreg s16  }
0x15: {  	s21 =	simm.s32 $0x1100;
	s22 =	simm.s32 $0x1180;
	[dreg:$0x1b] =	wrdreg s17  }
0x16: {  	s28 =	simm.s32 $0x0;
	s3 =	sshrl.u32 s3, $0x3;
	[dreg:$0x1c] =	wrdreg s18  }
0x17: {  	s1 =	ssub.s32 $0x2, s1;
	s5 =	sadd.s32 s3, s7;
	[dreg:$0x1d] =	wrdreg s19  }
0x18: {  	s3 =	sadd.s32 s3, s4;
	s4 =	simm.s32 $0x700;
	[dreg:$0x1e] =	wrdreg s20  }
0x19: {  	s8 =	simm.s32 $0xB80;
	s9 =	sshrl.u32 s1, $0x1;
	[dreg:$0x1f] =	wrdreg s21  }
0x1a: {  	s10 =	simm.s32 $0x80;
	s11 =	simm.s32 $0x400;
	[smem:$0x7F6] =	sst s22  }
0x1b: {  	s12 =	simm.s32 $0x100;
	s13 =	simm.s32 $0x180;
	[dreg:$0x8] =	wrdreg s3  }
0x1c: {  	s14 =	simm.s32 $0x200;
	s15 =	simm.s32 $0x280;
	[dreg:$0xe] =	wrdreg s4  }
0x1d: {  	s16 =	simm.s32 $0x300;
	s26 =	simm.s32 $0x1380;
	[dreg:$0x16] =	wrdreg s8  }
0x1e: {  	s17 =	simm.s32 $0x380;
	s29 =	simm.s32 $0x1480;
	[smem:$0x7FA] =	sst s26  }
0x1f: {  	s18 =	simm.s32 $0x800;
	s30 =	simm.s32 $0x1500;
	[smem:$0x7FB] =	sst s29  }
0x20: {  	s19 =	simm.s32 $0xC00;
	s31 =	simm.s32 $0x1580;
	[smem:$0x7FC] =	sst s30  }
0x21: {  	s20 =	simm.s32 $0x1000;
	s6 =	sadd.s32 $0xE2C00, s5;
	[smem:$0x7FD] =	sst s31  }
0x22: {  	s21 =	simm.s32 $0x1400;
	s23 =	sadd.s32 $0xC9C00, s5;
	[dreg:$0x3] =	wrdreg s6  }
0x23: {  	s22 =	simm.s32 $0x1600;
	s24 =	sadd.s32 $0xB0C00, s5;
	[dreg:$0x4] =	wrdreg s23  }
0x24: {  	s25 =	sadd.s32 $0x97C00, s5;
	s5 =	sadd.s32 $0x1C00, s5;
	[dreg:$0x5] =	wrdreg s24  }
0x25: {  	s3 =	sadd.s32 $0x1AC00, s7;
	s4 =	sadd.s32 $0x7EC00, s7;
	[dreg:$0x6] =	wrdreg s25  }
0x26: {  	s1 =	ssub.s32 s1, s9;
	[dreg:$0x7] =	wrdreg s5;
	s5 =	simm.s32 $0x780  }
0x27: {  	s9 =	simm.s32 $0x2;
	s6 =	simm.s32 $0x880;
	[dreg:$0xf] =	wrdreg s5  }
0x28: {  	s26 =	simm.s32 $0x1;
	s23 =	simm.s32 $0x1200;
	[dreg:$0x10] =	wrdreg s6  }
0x29: {  	s8 =	smax.u32 s1, $0x1;
	s24 =	simm.s32 $0x1280;
	[smem:$0x7F7] =	sst s23  }
0x2a: {  	s25 =	simm.s32 $0x1300;
	s5 =	sadd.s32 $0x33C00, s7;
	[smem:$0x7F8] =	sst s24  }
0x2b: {  	s6 =	sadd.s32 $0x4CC00, s7;
	s7 =	sadd.s32 $0x65C00, s7;
	[smem:$0x7F9] =	sst s25  }
0x2c: {  	s23 =	simm.s32 $0x1680;
	s24 =	simm.s32 $0x1700;
	s25 =	simm.s32 $0x1780  }
.LBB2_1:
0x2d: {  	s1 =	rddreg [dreg:$0x8]  }
0x2e: {  	s1 =	sadd.s32 $0x0, s1  }
0x2f: {  	[tilespmem:s2], [sflag:$0x2] =	stream.linear.gather [hbm4b:s1+s2], $0x400, $0x38;
	[tilespmem:$0x1800] =	vst v63  }
0x30: {  	_ =	swait.ge [sflag:s9], $0x400  }
0x31: {  	[sflag:s9] =	ssyncset.done $0x0  }
0x32: {  	[sflag:s9] =	ssyncadd.s32 $0xFFFFFC00  }
0x33: {  	[tilespmem:s11], [sflag:$0x1] =	stream.indirect.gather [hbm4b:s3+s10], $0x1, s2, s10, $0xb8;
	[tilespmem:$0x1800] =	vst v63  }
0x34: {  	s31 =	rddreg [dreg:$0x9]  }
0x35: {  	[tilespmem:s31], [sflag:$0x1] =	stream.indirect.gather [hbm4b:s3+s10], $0x1, s10, s10, $0xb8;
	[tilespmem:$0x1800] =	vst v63  }
0x36: {  	s29 =	rddreg [dreg:$0xa]  }
0x37: {  	[tilespmem:s29], [sflag:$0x1] =	stream.indirect.gather [hbm4b:s3+s10], $0x1, s12, s10, $0xb8;
	[tilespmem:$0x1800] =	vst v63  }
0x38: {  	s0 =	rddreg [dreg:$0xb]  }
0x39: {  	[tilespmem:s0], [sflag:$0x1] =	stream.indirect.gather [hbm4b:s3+s10], $0x1, s13, s10, $0xb8;
	[tilespmem:$0x1800] =	vst v63  }
0x3a: {  	s29 =	rddreg [dreg:$0xc]  }
0x3b: {  	[tilespmem:s29], [sflag:$0x1] =	stream.indirect.gather [hbm4b:s3+s10], $0x1, s14, s10, $0xb8;
	[tilespmem:$0x1800] =	vst v63  }
0x3c: {  	s31 =	rddreg [dreg:$0xd]  }
0x3d: {  	[tilespmem:s31], [sflag:$0x1] =	stream.indirect.gather [hbm4b:s3+s10], $0x1, s15, s10, $0xb8;
	[tilespmem:$0x1800] =	vst v63  }
0x3e: {  	s29 =	rddreg [dreg:$0xe]  }
0x3f: {  	[tilespmem:s29], [sflag:$0x1] =	stream.indirect.gather [hbm4b:s3+s10], $0x1, s16, s10, $0xb8;
	[tilespmem:$0x1800] =	vst v63  }
0x40: {  	s0 =	rddreg [dreg:$0xf]  }
0x41: {  	[tilespmem:s0], [sflag:$0x1] =	stream.indirect.gather [hbm4b:s3+s10], $0x1, s17, s10, $0xb8;
	[tilespmem:$0x1800] =	vst v63  }
0x42: {  	_ = 	snop  }
0x43: {  	[tilespmem:s18], [sflag:$0x1] =	stream.indirect.gather [hbm4b:s4+s10], $0x1, s2, s10, $0xb8;
	[tilespmem:$0x1800] =	vst v63  }
0x44: {  	s31 =	rddreg [dreg:$0x10]  }
0x45: {  	[tilespmem:s31], [sflag:$0x1] =	stream.indirect.gather [hbm4b:s4+s10], $0x1, s10, s10, $0xb8;
	[tilespmem:$0x1800] =	vst v63  }
0x46: {  	s29 =	rddreg [dreg:$0x11]  }
0x47: {  	[tilespmem:s29], [sflag:$0x1] =	stream.indirect.gather [hbm4b:s4+s10], $0x1, s12, s10, $0xb8;
	[tilespmem:$0x1800] =	vst v63  }
0x48: {  	s0 =	rddreg [dreg:$0x12]  }
0x49: {  	[tilespmem:s0], [sflag:$0x1] =	stream.indirect.gather [hbm4b:s4+s10], $0x1, s13, s10, $0xb8;
	[tilespmem:$0x1800] =	vst v63  }
0x4a: {  	s29 =	rddreg [dreg:$0x13]  }
0x4b: {  	[tilespmem:s29], [sflag:$0x1] =	stream.indirect.gather [hbm4b:s4+s10], $0x1, s14, s10, $0xb8;
	[tilespmem:$0x1800] =	vst v63  }
0x4c: {  	s31 =	rddreg [dreg:$0x14]  }
0x4d: {  	[tilespmem:s31], [sflag:$0x1] =	stream.indirect.gather [hbm4b:s4+s10], $0x1, s15, s10, $0xb8;
	[tilespmem:$0x1800] =	vst v63  }
0x4e: {  	s29 =	rddreg [dreg:$0x15]  }
0x4f: {  	[tilespmem:s29], [sflag:$0x1] =	stream.indirect.gather [hbm4b:s4+s10], $0x1, s16, s10, $0xb8;
	[tilespmem:$0x1800] =	vst v63  }
0x50: {  	s0 =	rddreg [dreg:$0x16]  }
0x51: {  	[tilespmem:s0], [sflag:$0x1] =	stream.indirect.gather [hbm4b:s4+s10], $0x1, s17, s10, $0xb8;
	[tilespmem:$0x1800] =	vst v63  }
0x52: {  	_ = 	snop  }
0x53: {  	[tilespmem:s19], [sflag:$0x1] =	stream.indirect.gather [hbm4b:s5+s10], $0x1, s2, s10, $0xb8;
	[tilespmem:$0x1800] =	vst v63  }
0x54: {  	s31 =	rddreg [dreg:$0x17]  }
0x55: {  	[tilespmem:s31], [sflag:$0x1] =	stream.indirect.gather [hbm4b:s5+s10], $0x1, s10, s10, $0xb8;
	[tilespmem:$0x1800] =	vst v63  }
0x56: {  	s29 =	rddreg [dreg:$0x18]  }
0x57: {  	[tilespmem:s29], [sflag:$0x1] =	stream.indirect.gather [hbm4b:s5+s10], $0x1, s12, s10, $0xb8;
	[tilespmem:$0x1800] =	vst v63  }
0x58: {  	s0 =	rddreg [dreg:$0x19]  }
0x59: {  	[tilespmem:s0], [sflag:$0x1] =	stream.indirect.gather [hbm4b:s5+s10], $0x1, s13, s10, $0xb8;
	[tilespmem:$0x1800] =	vst v63  }
0x5a: {  	s29 =	rddreg [dreg:$0x1a]  }
0x5b: {  	[tilespmem:s29], [sflag:$0x1] =	stream.indirect.gather [hbm4b:s5+s10], $0x1, s14, s10, $0xb8;
	[tilespmem:$0x1800] =	vst v63  }
0x5c: {  	s31 =	rddreg [dreg:$0x1b]  }
0x5d: {  	[tilespmem:s31], [sflag:$0x1] =	stream.indirect.gather [hbm4b:s5+s10], $0x1, s15, s10, $0xb8;
	[tilespmem:$0x1800] =	vst v63  }
0x5e: {  	s29 =	rddreg [dreg:$0x1c]  }
0x5f: {  	[tilespmem:s29], [sflag:$0x1] =	stream.indirect.gather [hbm4b:s5+s10], $0x1, s16, s10, $0xb8;
	[tilespmem:$0x1800] =	vst v63  }
0x60: {  	s0 =	rddreg [dreg:$0x1d]  }
0x61: {  	[tilespmem:s0], [sflag:$0x1] =	stream.indirect.gather [hbm4b:s5+s10], $0x1, s17, s10, $0xb8;
	[tilespmem:$0x1800] =	vst v63  }
0x62: {  	s31 =	rddreg [dreg:$0x1e]  }
0x63: {  	[tilespmem:s20], [sflag:$0x1] =	stream.indirect.gather [hbm4b:s6+s10], $0x1, s2, s10, $0xb8;
	[tilespmem:$0x1800] =	vst v63  }
0x64: {  	s29 =	rddreg [dreg:$0x1f]  }
0x65: {  	[tilespmem:s31], [sflag:$0x1] =	stream.indirect.gather [hbm4b:s6+s10], $0x1, s10, s10, $0xb8;
	[tilespmem:$0x1800] =	vst v63  }
0x66: {  	s0 =	sld [smem:$0x7F6]  }
0x67: {  	[tilespmem:s29], [sflag:$0x1] =	stream.indirect.gather [hbm4b:s6+s10], $0x1, s12, s10, $0xb8;
	[tilespmem:$0x1800] =	vst v63  }
0x68: {  	s29 =	sld [smem:$0x7F7]  }
0x69: {  	[tilespmem:s0], [sflag:$0x1] =	stream.indirect.gather [hbm4b:s6+s10], $0x1, s13, s10, $0xb8;
	[tilespmem:$0x1800] =	vst v63  }
0x6a: {  	s31 =	sld [smem:$0x7F8]  }
0x6b: {  	[tilespmem:s29], [sflag:$0x1] =	stream.indirect.gather [hbm4b:s6+s10], $0x1, s14, s10, $0xb8;
	[tilespmem:$0x1800] =	vst v63  }
0x6c: {  	s29 =	sld [smem:$0x7F9]  }
0x6d: {  	[tilespmem:s31], [sflag:$0x1] =	stream.indirect.gather [hbm4b:s6+s10], $0x1, s15, s10, $0xb8;
	[tilespmem:$0x1800] =	vst v63  }
0x6e: {  	s0 =	sld [smem:$0x7FA]  }
0x6f: {  	[tilespmem:s29], [sflag:$0x1] =	stream.indirect.gather [hbm4b:s6+s10], $0x1, s16, s10, $0xb8;
	[tilespmem:$0x1800] =	vst v63  }
0x70: {  	_ = 	snop  }
0x71: {  	[tilespmem:s0], [sflag:$0x1] =	stream.indirect.gather [hbm4b:s6+s10], $0x1, s17, s10, $0xb8;
	[tilespmem:$0x1800] =	vst v63  }
0x72: {  	s31 =	sld [smem:$0x7FB]  }
0x73: {  	[tilespmem:s21], [sflag:$0x1] =	stream.indirect.gather [hbm4b:s7+s10], $0x1, s2, s10, $0xb8;
	[tilespmem:$0x1800] =	vst v63  }
0x74: {  	s29 =	sld [smem:$0x7FC]  }
0x75: {  	[tilespmem:s31], [sflag:$0x1] =	stream.indirect.gather [hbm4b:s7+s10], $0x1, s10, s10, $0xb8;
	[tilespmem:$0x1800] =	vst v63  }
0x76: {  	s0 =	sld [smem:$0x7FD]  }
0x77: {  	[tilespmem:s29], [sflag:$0x1] =	stream.indirect.gather [hbm4b:s7+s10], $0x1, s12, s10, $0xb8;
	[tilespmem:$0x1800] =	vst v63  }
0x78: {  	_ = 	snop  }
0x79: {  	[tilespmem:s0], [sflag:$0x1] =	stream.indirect.gather [hbm4b:s7+s10], $0x1, s13, s10, $0xb8;
	[tilespmem:$0x1800] =	vst v63  }
0x7a: {  	_ = 	snop  }
0x7b: {  	[tilespmem:s22], [sflag:$0x1] =	stream.indirect.gather [hbm4b:s7+s10], $0x1, s14, s10, $0xb8;
	[tilespmem:$0x1800] =	vst v63  }
0x7c: {  	_ = 	snop  }
0x7d: {  	[tilespmem:s23], [sflag:$0x1] =	stream.indirect.gather [hbm4b:s7+s10], $0x1, s15, s10, $0xb8;
	[tilespmem:$0x1800] =	vst v63  }
0x7e: {  	_ = 	snop  }
0x7f: {  	[tilespmem:s24], [sflag:$0x1] =	stream.indirect.gather [hbm4b:s7+s10], $0x1, s16, s10, $0xb8;
	[tilespmem:$0x1800] =	vst v63  }
0x80: {  	_ = 	snop  }
0x81: {  	[tilespmem:s25], [sflag:$0x1] =	stream.indirect.gather [hbm4b:s7+s10], $0x1, s17, s10, $0xb8;
	[tilespmem:$0x1800] =	vst v63  }
0x82: {  	_ =	swait.ge [sflag:s26], $0x80  }
0x83: {  	[sflag:s26] =	ssyncset.done $0x0  }
0x84: {  	[sflag:s26] =	ssyncadd.s32 $0xFFFFFF80  }
0x85: {  	_ =	swait.ge [sflag:s26], $0x80  }
0x86: {  	[sflag:s26] =	ssyncset.done $0x0  }
0x87: {  	[sflag:s26] =	ssyncadd.s32 $0xFFFFFF80  }
0x88: {  	_ =	swait.ge [sflag:s26], $0x80  }
0x89: {  	[sflag:s26] =	ssyncset.done $0x0  }
0x8a: {  	[sflag:s26] =	ssyncadd.s32 $0xFFFFFF80  }
0x8b: {  	_ =	swait.ge [sflag:s26], $0x80  }
0x8c: {  	[sflag:s26] =	ssyncset.done $0x0  }
0x8d: {  	[sflag:s26] =	ssyncadd.s32 $0xFFFFFF80  }
0x8e: {  	_ =	swait.ge [sflag:s26], $0x80  }
0x8f: {  	[sflag:s26] =	ssyncset.done $0x0  }
0x90: {  	[sflag:s26] =	ssyncadd.s32 $0xFFFFFF80  }
0x91: {  	_ =	swait.ge [sflag:s26], $0x80  }
0x92: {  	[sflag:s26] =	ssyncset.done $0x0  }
0x93: {  	[sflag:s26] =	ssyncadd.s32 $0xFFFFFF80  }
0x94: {  	_ =	swait.ge [sflag:s26], $0x80  }
0x95: {  	[sflag:s26] =	ssyncset.done $0x0  }
0x96: {  	[sflag:s26] =	ssyncadd.s32 $0xFFFFFF80  }
0x97: {  	_ =	swait.ge [sflag:s26], $0x80  }
0x98: {  	[sflag:s26] =	ssyncset.done $0x0  }
0x99: {  	[sflag:s26] =	ssyncadd.s32 $0xFFFFFF80  }
0x9a: {  	_ =	swait.ge [sflag:s26], $0x80  }
0x9b: {  	[sflag:s26] =	ssyncset.done $0x0  }
0x9c: {  	[sflag:s26] =	ssyncadd.s32 $0xFFFFFF80  }
0x9d: {  	_ =	swait.ge [sflag:s26], $0x80  }
0x9e: {  	[sflag:s26] =	ssyncset.done $0x0  }
0x9f: {  	[sflag:s26] =	ssyncadd.s32 $0xFFFFFF80  }
0xa0: {  	_ =	swait.ge [sflag:s26], $0x80  }
0xa1: {  	[sflag:s26] =	ssyncset.done $0x0  }
0xa2: {  	[sflag:s26] =	ssyncadd.s32 $0xFFFFFF80  }
0xa3: {  	_ =	swait.ge [sflag:s26], $0x80  }
0xa4: {  	[sflag:s26] =	ssyncset.done $0x0  }
0xa5: {  	[sflag:s26] =	ssyncadd.s32 $0xFFFFFF80  }
0xa6: {  	_ =	swait.ge [sflag:s26], $0x80  }
0xa7: {  	[sflag:s26] =	ssyncset.done $0x0  }
0xa8: {  	[sflag:s26] =	ssyncadd.s32 $0xFFFFFF80  }
0xa9: {  	_ =	swait.ge [sflag:s26], $0x80  }
0xaa: {  	[sflag:s26] =	ssyncset.done $0x0  }
0xab: {  	[sflag:s26] =	ssyncadd.s32 $0xFFFFFF80  }
0xac: {  	_ =	swait.ge [sflag:s26], $0x80  }
0xad: {  	[sflag:s26] =	ssyncset.done $0x0  }
0xae: {  	[sflag:s26] =	ssyncadd.s32 $0xFFFFFF80  }
0xaf: {  	_ =	swait.ge [sflag:s26], $0x80  }
0xb0: {  	[sflag:s26] =	ssyncset.done $0x0  }
0xb1: {  	[sflag:s26] =	ssyncadd.s32 $0xFFFFFF80  }
0xb2: {  	_ =	swait.ge [sflag:s26], $0x80  }
0xb3: {  	[sflag:s26] =	ssyncset.done $0x0  }
0xb4: {  	[sflag:s26] =	ssyncadd.s32 $0xFFFFFF80  }
0xb5: {  	_ =	swait.ge [sflag:s26], $0x80  }
0xb6: {  	[sflag:s26] =	ssyncset.done $0x0  }
0xb7: {  	[sflag:s26] =	ssyncadd.s32 $0xFFFFFF80  }
0xb8: {  	_ =	swait.ge [sflag:s26], $0x80  }
0xb9: {  	[sflag:s26] =	ssyncset.done $0x0  }
0xba: {  	[sflag:s26] =	ssyncadd.s32 $0xFFFFFF80  }
0xbb: {  	_ =	swait.ge [sflag:s26], $0x80  }
0xbc: {  	[sflag:s26] =	ssyncset.done $0x0  }
0xbd: {  	[sflag:s26] =	ssyncadd.s32 $0xFFFFFF80  }
0xbe: {  	_ =	swait.ge [sflag:s26], $0x80  }
0xbf: {  	[sflag:s26] =	ssyncset.done $0x0  }
0xc0: {  	[sflag:s26] =	ssyncadd.s32 $0xFFFFFF80  }
0xc1: {  	_ =	swait.ge [sflag:s26], $0x80  }
0xc2: {  	[sflag:s26] =	ssyncset.done $0x0  }
0xc3: {  	[sflag:s26] =	ssyncadd.s32 $0xFFFFFF80  }
0xc4: {  	_ =	swait.ge [sflag:s26], $0x80  }
0xc5: {  	[sflag:s26] =	ssyncset.done $0x0  }
0xc6: {  	[sflag:s26] =	ssyncadd.s32 $0xFFFFFF80  }
0xc7: {  	_ =	swait.ge [sflag:s26], $0x80  }
0xc8: {  	[sflag:s26] =	ssyncset.done $0x0  }
0xc9: {  	[sflag:s26] =	ssyncadd.s32 $0xFFFFFF80  }
0xca: {  	_ =	swait.ge [sflag:s26], $0x80  }
0xcb: {  	[sflag:s26] =	ssyncset.done $0x0  }
0xcc: {  	[sflag:s26] =	ssyncadd.s32 $0xFFFFFF80  }
0xcd: {  	_ =	swait.ge [sflag:s26], $0x80  }
0xce: {  	[sflag:s26] =	ssyncset.done $0x0  }
0xcf: {  	[sflag:s26] =	ssyncadd.s32 $0xFFFFFF80  }
0xd0: {  	_ =	swait.ge [sflag:s26], $0x80  }
0xd1: {  	[sflag:s26] =	ssyncset.done $0x0  }
0xd2: {  	[sflag:s26] =	ssyncadd.s32 $0xFFFFFF80  }
0xd3: {  	_ =	swait.ge [sflag:s26], $0x80  }
0xd4: {  	[sflag:s26] =	ssyncset.done $0x0  }
0xd5: {  	[sflag:s26] =	ssyncadd.s32 $0xFFFFFF80  }
0xd6: {  	_ =	swait.ge [sflag:s26], $0x80  }
0xd7: {  	[sflag:s26] =	ssyncset.done $0x0  }
0xd8: {  	[sflag:s26] =	ssyncadd.s32 $0xFFFFFF80  }
0xd9: {  	_ =	swait.ge [sflag:s26], $0x80  }
0xda: {  	[sflag:s26] =	ssyncset.done $0x0  }
0xdb: {  	[sflag:s26] =	ssyncadd.s32 $0xFFFFFF80  }
0xdc: {  	_ =	swait.ge [sflag:s26], $0x80  }
0xdd: {  	[sflag:s26] =	ssyncset.done $0x0  }
0xde: {  	[sflag:s26] =	ssyncadd.s32 $0xFFFFFF80  }
0xdf: {  	_ =	swait.ge [sflag:s26], $0x80  }
0xe0: {  	[sflag:s26] =	ssyncset.done $0x0  }
0xe1: {  	[sflag:s26] =	ssyncadd.s32 $0xFFFFFF80  }
0xe2: {  	_ =	swait.ge [sflag:s26], $0x80  }
0xe3: {  	[sflag:s26] =	ssyncset.done $0x0  }
0xe4: {  	[sflag:s26] =	ssyncadd.s32 $0xFFFFFF80  }
0xe5: {  	_ =	swait.ge [sflag:s26], $0x80  }
0xe6: {  	[sflag:s26] =	ssyncset.done $0x0  }
0xe7: {  	[sflag:s26] =	ssyncadd.s32 $0xFFFFFF80  }
0xe8: {  	_ =	swait.ge [sflag:s26], $0x80  }
0xe9: {  	[sflag:s26] =	ssyncset.done $0x0  }
0xea: {  	[sflag:s26] =	ssyncadd.s32 $0xFFFFFF80  }
0xeb: {  	_ =	swait.ge [sflag:s26], $0x80  }
0xec: {  	[sflag:s26] =	ssyncset.done $0x0  }
0xed: {  	[sflag:s26] =	ssyncadd.s32 $0xFFFFFF80  }
0xee: {  	_ =	swait.ge [sflag:s26], $0x80  }
0xef: {  	[sflag:s26] =	ssyncset.done $0x0  }
0xf0: {  	[sflag:s26] =	ssyncadd.s32 $0xFFFFFF80  }
0xf1: {  	_ =	swait.ge [sflag:s26], $0x80  }
0xf2: {  	[sflag:s26] =	ssyncset.done $0x0  }
0xf3: {  	[sflag:s26] =	ssyncadd.s32 $0xFFFFFF80  }
0xf4: {  	_ =	swait.ge [sflag:s26], $0x80  }
0xf5: {  	[sflag:s26] =	ssyncset.done $0x0  }
0xf6: {  	[sflag:s26] =	ssyncadd.s32 $0xFFFFFF80  }
0xf7: {  	_ =	swait.ge [sflag:s26], $0x80  }
0xf8: {  	s31 =	rddreg [dreg:$0x7];
	[sflag:s26] =	ssyncset.done $0x0  }
0xf9: {  	[sflag:s26] =	ssyncadd.s32 $0xFFFFFF80;
	s1 =	sadd.s32 $0x0, s31  }
0xfa: {  	[hbm4b:s1+s2] =	stream.linear.scatter [tilespmem:s11], [sflag:$0x2], $0x400, $0x38;
	[tilespmem:$0x1800] =	vst v63  }
0xfb: {  	_ =	swait.ge [sflag:s9], $0x400  }
0xfc: {  	s0 =	rddreg [dreg:$0x6];
	[sflag:s9] =	ssyncset.done $0x0  }
0xfd: {  	[sflag:s9] =	ssyncadd.s32 $0xFFFFFC00;
	s1 =	sadd.s32 $0x0, s0  }
0xfe: {  	[hbm4b:s1+s2] =	stream.linear.scatter [tilespmem:s18], [sflag:$0x2], $0x400, $0x38;
	[tilespmem:$0x1800] =	vst v63  }
0xff: {  	_ =	swait.ge [sflag:s9], $0x400  }
0x100: {  	s31 =	rddreg [dreg:$0x5];
	[sflag:s9] =	ssyncset.done $0x0  }
0x101: {  	[sflag:s9] =	ssyncadd.s32 $0xFFFFFC00;
	s1 =	sadd.s32 $0x0, s31  }
0x102: {  	[hbm4b:s1+s2] =	stream.linear.scatter [tilespmem:s19], [sflag:$0x2], $0x400, $0x38;
	[tilespmem:$0x1800] =	vst v63  }
0x103: {  	_ =	swait.ge [sflag:s9], $0x400  }
0x104: {  	s0 =	rddreg [dreg:$0x4];
	[sflag:s9] =	ssyncset.done $0x0  }
0x105: {  	[sflag:s9] =	ssyncadd.s32 $0xFFFFFC00;
	s1 =	sadd.s32 $0x0, s0  }
0x106: {  	[hbm4b:s1+s2] =	stream.linear.scatter [tilespmem:s20], [sflag:$0x2], $0x400, $0x38;
	[tilespmem:$0x1800] =	vst v63  }
0x107: {  	_ =	swait.ge [sflag:s9], $0x400  }
0x108: {  	s31 =	rddreg [dreg:$0x3];
	[sflag:s9] =	ssyncset.done $0x0  }
0x109: {  	[sflag:s9] =	ssyncadd.s32 $0xFFFFFC00;
	s1 =	sadd.s32 $0x0, s31  }
0x10a: {  	[hbm4b:s1+s2] =	stream.linear.scatter [tilespmem:s21], [sflag:$0x2], $0x400, $0x38;
	[tilespmem:$0x1800] =	vst v63  }
0x10b: {  	s30 =	simm.s32 $0x100;
	_ =	swait.ge [sflag:s9], $0x400  }
0x10c: {  	s29 =	simm.s32 $0x80;
	s1 =	rddreg [dreg:$0x8];
	[sflag:s9] =	ssyncset.done $0x0  }
.LBB2_2:
0x10d: {  	[sflag:s9] =	ssyncadd.s32 $0xFFFFFC00;
	s1 =	sadd.s32 s29, s1  }
0x10e: {  	[tilespmem:s2], [sflag:$0x2] =	stream.linear.gather [hbm4b:s1+s2], $0x400, $0x38;
	[tilespmem:$0x1800] =	vst v63  }
0x10f: {  	_ =	swait.ge [sflag:s9], $0x400  }
0x110: {  	[sflag:s9] =	ssyncset.done $0x0  }
0x111: {  	[sflag:s9] =	ssyncadd.s32 $0xFFFFFC00  }
0x112: {  	[tilespmem:s11], [sflag:$0x1] =	stream.indirect.gather [hbm4b:s3+s10], $0x1, s2, s10, $0xb8;
	[tilespmem:$0x1800] =	vst v63  }
0x113: {  	s1 =	rddreg [dreg:$0x9]  }
0x114: {  	[tilespmem:s1], [sflag:$0x1] =	stream.indirect.gather [hbm4b:s3+s10], $0x1, s10, s10, $0xb8;
	[tilespmem:$0x1800] =	vst v63  }
0x115: {  	s0 =	rddreg [dreg:$0xa]  }
0x116: {  	[tilespmem:s0], [sflag:$0x1] =	stream.indirect.gather [hbm4b:s3+s10], $0x1, s12, s10, $0xb8;
	[tilespmem:$0x1800] =	vst v63  }
0x117: {  	s1 =	rddreg [dreg:$0xb]  }
0x118: {  	[tilespmem:s1], [sflag:$0x1] =	stream.indirect.gather [hbm4b:s3+s10], $0x1, s13, s10, $0xb8;
	[tilespmem:$0x1800] =	vst v63  }
0x119: {  	s0 =	rddreg [dreg:$0xc]  }
0x11a: {  	[tilespmem:s0], [sflag:$0x1] =	stream.indirect.gather [hbm4b:s3+s10], $0x1, s14, s10, $0xb8;
	[tilespmem:$0x1800] =	vst v63  }
0x11b: {  	s1 =	rddreg [dreg:$0xd]  }
0x11c: {  	[tilespmem:s1], [sflag:$0x1] =	stream.indirect.gather [hbm4b:s3+s10], $0x1, s15, s10, $0xb8;
	[tilespmem:$0x1800] =	vst v63  }
0x11d: {  	s0 =	rddreg [dreg:$0xe]  }
0x11e: {  	[tilespmem:s0], [sflag:$0x1] =	stream.indirect.gather [hbm4b:s3+s10], $0x1, s16, s10, $0xb8;
	[tilespmem:$0x1800] =	vst v63  }
0x11f: {  	s1 =	rddreg [dreg:$0xf]  }
0x120: {  	[tilespmem:s1], [sflag:$0x1] =	stream.indirect.gather [hbm4b:s3+s10], $0x1, s17, s10, $0xb8;
	[tilespmem:$0x1800] =	vst v63  }
0x121: {  	_ = 	snop  }
0x122: {  	[tilespmem:s18], [sflag:$0x1] =	stream.indirect.gather [hbm4b:s4+s10], $0x1, s2, s10, $0xb8;
	[tilespmem:$0x1800] =	vst v63  }
0x123: {  	s0 =	rddreg [dreg:$0x10]  }
0x124: {  	[tilespmem:s0], [sflag:$0x1] =	stream.indirect.gather [hbm4b:s4+s10], $0x1, s10, s10, $0xb8;
	[tilespmem:$0x1800] =	vst v63  }
0x125: {  	s1 =	rddreg [dreg:$0x11]  }
0x126: {  	[tilespmem:s1], [sflag:$0x1] =	stream.indirect.gather [hbm4b:s4+s10], $0x1, s12, s10, $0xb8;
	[tilespmem:$0x1800] =	vst v63  }
0x127: {  	s0 =	rddreg [dreg:$0x12]  }
0x128: {  	[tilespmem:s0], [sflag:$0x1] =	stream.indirect.gather [hbm4b:s4+s10], $0x1, s13, s10, $0xb8;
	[tilespmem:$0x1800] =	vst v63  }
0x129: {  	s1 =	rddreg [dreg:$0x13]  }
0x12a: {  	[tilespmem:s1], [sflag:$0x1] =	stream.indirect.gather [hbm4b:s4+s10], $0x1, s14, s10, $0xb8;
	[tilespmem:$0x1800] =	vst v63  }
0x12b: {  	s0 =	rddreg [dreg:$0x14]  }
0x12c: {  	[tilespmem:s0], [sflag:$0x1] =	stream.indirect.gather [hbm4b:s4+s10], $0x1, s15, s10, $0xb8;
	[tilespmem:$0x1800] =	vst v63  }
0x12d: {  	s1 =	rddreg [dreg:$0x15]  }
0x12e: {  	[tilespmem:s1], [sflag:$0x1] =	stream.indirect.gather [hbm4b:s4+s10], $0x1, s16, s10, $0xb8;
	[tilespmem:$0x1800] =	vst v63  }
0x12f: {  	s0 =	rddreg [dreg:$0x16]  }
0x130: {  	[tilespmem:s0], [sflag:$0x1] =	stream.indirect.gather [hbm4b:s4+s10], $0x1, s17, s10, $0xb8;
	[tilespmem:$0x1800] =	vst v63  }
0x131: {  	_ = 	snop  }
0x132: {  	[tilespmem:s19], [sflag:$0x1] =	stream.indirect.gather [hbm4b:s5+s10], $0x1, s2, s10, $0xb8;
	[tilespmem:$0x1800] =	vst v63  }
0x133: {  	s0 =	rddreg [dreg:$0x17]  }
0x134: {  	[tilespmem:s0], [sflag:$0x1] =	stream.indirect.gather [hbm4b:s5+s10], $0x1, s10, s10, $0xb8;
	[tilespmem:$0x1800] =	vst v63  }
0x135: {  	s1 =	rddreg [dreg:$0x18]  }
0x136: {  	[tilespmem:s1], [sflag:$0x1] =	stream.indirect.gather [hbm4b:s5+s10], $0x1, s12, s10, $0xb8;
	[tilespmem:$0x1800] =	vst v63  }
0x137: {  	s0 =	rddreg [dreg:$0x19]  }
0x138: {  	[tilespmem:s0], [sflag:$0x1] =	stream.indirect.gather [hbm4b:s5+s10], $0x1, s13, s10, $0xb8;
	[tilespmem:$0x1800] =	vst v63  }
0x139: {  	s1 =	rddreg [dreg:$0x1a]  }
0x13a: {  	[tilespmem:s1], [sflag:$0x1] =	stream.indirect.gather [hbm4b:s5+s10], $0x1, s14, s10, $0xb8;
	[tilespmem:$0x1800] =	vst v63  }
0x13b: {  	s0 =	rddreg [dreg:$0x1b]  }
0x13c: {  	[tilespmem:s0], [sflag:$0x1] =	stream.indirect.gather [hbm4b:s5+s10], $0x1, s15, s10, $0xb8;
	[tilespmem:$0x1800] =	vst v63  }
0x13d: {  	s1 =	rddreg [dreg:$0x1c]  }
0x13e: {  	[tilespmem:s1], [sflag:$0x1] =	stream.indirect.gather [hbm4b:s5+s10], $0x1, s16, s10, $0xb8;
	[tilespmem:$0x1800] =	vst v63  }
0x13f: {  	s0 =	rddreg [dreg:$0x1d]  }
0x140: {  	[tilespmem:s0], [sflag:$0x1] =	stream.indirect.gather [hbm4b:s5+s10], $0x1, s17, s10, $0xb8;
	[tilespmem:$0x1800] =	vst v63  }
0x141: {  	s1 =	rddreg [dreg:$0x1f]  }
0x142: {  	[tilespmem:s20], [sflag:$0x1] =	stream.indirect.gather [hbm4b:s6+s10], $0x1, s2, s10, $0xb8;
	[tilespmem:$0x1800] =	vst v63  }
0x143: {  	s0 =	rddreg [dreg:$0x1e]  }
0x144: {  	[tilespmem:s0], [sflag:$0x1] =	stream.indirect.gather [hbm4b:s6+s10], $0x1, s10, s10, $0xb8;
	[tilespmem:$0x1800] =	vst v63  }
0x145: {  	s0 =	sld [smem:$0x7F6]  }
0x146: {  	[tilespmem:s1], [sflag:$0x1] =	stream.indirect.gather [hbm4b:s6+s10], $0x1, s12, s10, $0xb8;
	[tilespmem:$0x1800] =	vst v63  }
0x147: {  	s1 =	sld [smem:$0x7F7]  }
0x148: {  	[tilespmem:s0], [sflag:$0x1] =	stream.indirect.gather [hbm4b:s6+s10], $0x1, s13, s10, $0xb8;
	[tilespmem:$0x1800] =	vst v63  }
0x149: {  	s0 =	sld [smem:$0x7F8]  }
0x14a: {  	[tilespmem:s1], [sflag:$0x1] =	stream.indirect.gather [hbm4b:s6+s10], $0x1, s14, s10, $0xb8;
	[tilespmem:$0x1800] =	vst v63  }
0x14b: {  	s1 =	sld [smem:$0x7F9]  }
0x14c: {  	[tilespmem:s0], [sflag:$0x1] =	stream.indirect.gather [hbm4b:s6+s10], $0x1, s15, s10, $0xb8;
	[tilespmem:$0x1800] =	vst v63  }
0x14d: {  	s0 =	sld [smem:$0x7FA]  }
0x14e: {  	[tilespmem:s1], [sflag:$0x1] =	stream.indirect.gather [hbm4b:s6+s10], $0x1, s16, s10, $0xb8;
	[tilespmem:$0x1800] =	vst v63  }
0x14f: {  	_ = 	snop  }
0x150: {  	[tilespmem:s0], [sflag:$0x1] =	stream.indirect.gather [hbm4b:s6+s10], $0x1, s17, s10, $0xb8;
	[tilespmem:$0x1800] =	vst v63  }
0x151: {  	s0 =	sld [smem:$0x7FB]  }
0x152: {  	[tilespmem:s21], [sflag:$0x1] =	stream.indirect.gather [hbm4b:s7+s10], $0x1, s2, s10, $0xb8;
	[tilespmem:$0x1800] =	vst v63  }
0x153: {  	s1 =	sld [smem:$0x7FC]  }
0x154: {  	[tilespmem:s0], [sflag:$0x1] =	stream.indirect.gather [hbm4b:s7+s10], $0x1, s10, s10, $0xb8;
	[tilespmem:$0x1800] =	vst v63  }
0x155: {  	s0 =	sld [smem:$0x7FD]  }
0x156: {  	[tilespmem:s1], [sflag:$0x1] =	stream.indirect.gather [hbm4b:s7+s10], $0x1, s12, s10, $0xb8;
	[tilespmem:$0x1800] =	vst v63  }
0x157: {  	_ = 	snop  }
0x158: {  	[tilespmem:s0], [sflag:$0x1] =	stream.indirect.gather [hbm4b:s7+s10], $0x1, s13, s10, $0xb8;
	[tilespmem:$0x1800] =	vst v63  }
0x159: {  	_ = 	snop  }
0x15a: {  	[tilespmem:s22], [sflag:$0x1] =	stream.indirect.gather [hbm4b:s7+s10], $0x1, s14, s10, $0xb8;
	[tilespmem:$0x1800] =	vst v63  }
0x15b: {  	_ = 	snop  }
0x15c: {  	[tilespmem:s23], [sflag:$0x1] =	stream.indirect.gather [hbm4b:s7+s10], $0x1, s15, s10, $0xb8;
	[tilespmem:$0x1800] =	vst v63  }
0x15d: {  	_ = 	snop  }
0x15e: {  	[tilespmem:s24], [sflag:$0x1] =	stream.indirect.gather [hbm4b:s7+s10], $0x1, s16, s10, $0xb8;
	[tilespmem:$0x1800] =	vst v63  }
0x15f: {  	_ = 	snop  }
0x160: {  	[tilespmem:s25], [sflag:$0x1] =	stream.indirect.gather [hbm4b:s7+s10], $0x1, s17, s10, $0xb8;
	[tilespmem:$0x1800] =	vst v63  }
0x161: {  	_ =	swait.ge [sflag:s26], $0x80  }
0x162: {  	[sflag:s26] =	ssyncset.done $0x0  }
0x163: {  	[sflag:s26] =	ssyncadd.s32 $0xFFFFFF80  }
0x164: {  	_ =	swait.ge [sflag:s26], $0x80  }
0x165: {  	[sflag:s26] =	ssyncset.done $0x0  }
0x166: {  	[sflag:s26] =	ssyncadd.s32 $0xFFFFFF80  }
0x167: {  	_ =	swait.ge [sflag:s26], $0x80  }
0x168: {  	[sflag:s26] =	ssyncset.done $0x0  }
0x169: {  	[sflag:s26] =	ssyncadd.s32 $0xFFFFFF80  }
0x16a: {  	_ =	swait.ge [sflag:s26], $0x80  }
0x16b: {  	[sflag:s26] =	ssyncset.done $0x0  }
0x16c: {  	[sflag:s26] =	ssyncadd.s32 $0xFFFFFF80  }
0x16d: {  	_ =	swait.ge [sflag:s26], $0x80  }
0x16e: {  	[sflag:s26] =	ssyncset.done $0x0  }
0x16f: {  	[sflag:s26] =	ssyncadd.s32 $0xFFFFFF80  }
0x170: {  	_ =	swait.ge [sflag:s26], $0x80  }
0x171: {  	[sflag:s26] =	ssyncset.done $0x0  }
0x172: {  	[sflag:s26] =	ssyncadd.s32 $0xFFFFFF80  }
0x173: {  	_ =	swait.ge [sflag:s26], $0x80  }
0x174: {  	[sflag:s26] =	ssyncset.done $0x0  }
0x175: {  	[sflag:s26] =	ssyncadd.s32 $0xFFFFFF80  }
0x176: {  	_ =	swait.ge [sflag:s26], $0x80  }
0x177: {  	[sflag:s26] =	ssyncset.done $0x0  }
0x178: {  	[sflag:s26] =	ssyncadd.s32 $0xFFFFFF80  }
0x179: {  	_ =	swait.ge [sflag:s26], $0x80  }
0x17a: {  	[sflag:s26] =	ssyncset.done $0x0  }
0x17b: {  	[sflag:s26] =	ssyncadd.s32 $0xFFFFFF80  }
0x17c: {  	_ =	swait.ge [sflag:s26], $0x80  }
0x17d: {  	[sflag:s26] =	ssyncset.done $0x0  }
0x17e: {  	[sflag:s26] =	ssyncadd.s32 $0xFFFFFF80  }
0x17f: {  	_ =	swait.ge [sflag:s26], $0x80  }
0x180: {  	[sflag:s26] =	ssyncset.done $0x0  }
0x181: {  	[sflag:s26] =	ssyncadd.s32 $0xFFFFFF80  }
0x182: {  	_ =	swait.ge [sflag:s26], $0x80  }
0x183: {  	[sflag:s26] =	ssyncset.done $0x0  }
0x184: {  	[sflag:s26] =	ssyncadd.s32 $0xFFFFFF80  }
0x185: {  	_ =	swait.ge [sflag:s26], $0x80  }
0x186: {  	[sflag:s26] =	ssyncset.done $0x0  }
0x187: {  	[sflag:s26] =	ssyncadd.s32 $0xFFFFFF80  }
0x188: {  	_ =	swait.ge [sflag:s26], $0x80  }
0x189: {  	[sflag:s26] =	ssyncset.done $0x0  }
0x18a: {  	[sflag:s26] =	ssyncadd.s32 $0xFFFFFF80  }
0x18b: {  	_ =	swait.ge [sflag:s26], $0x80  }
0x18c: {  	[sflag:s26] =	ssyncset.done $0x0  }
0x18d: {  	[sflag:s26] =	ssyncadd.s32 $0xFFFFFF80  }
0x18e: {  	_ =	swait.ge [sflag:s26], $0x80  }
0x18f: {  	[sflag:s26] =	ssyncset.done $0x0  }
0x190: {  	[sflag:s26] =	ssyncadd.s32 $0xFFFFFF80  }
0x191: {  	_ =	swait.ge [sflag:s26], $0x80  }
0x192: {  	[sflag:s26] =	ssyncset.done $0x0  }
0x193: {  	[sflag:s26] =	ssyncadd.s32 $0xFFFFFF80  }
0x194: {  	_ =	swait.ge [sflag:s26], $0x80  }
0x195: {  	[sflag:s26] =	ssyncset.done $0x0  }
0x196: {  	[sflag:s26] =	ssyncadd.s32 $0xFFFFFF80  }
0x197: {  	_ =	swait.ge [sflag:s26], $0x80  }
0x198: {  	[sflag:s26] =	ssyncset.done $0x0  }
0x199: {  	[sflag:s26] =	ssyncadd.s32 $0xFFFFFF80  }
0x19a: {  	_ =	swait.ge [sflag:s26], $0x80  }
0x19b: {  	[sflag:s26] =	ssyncset.done $0x0  }
0x19c: {  	[sflag:s26] =	ssyncadd.s32 $0xFFFFFF80  }
0x19d: {  	_ =	swait.ge [sflag:s26], $0x80  }
0x19e: {  	[sflag:s26] =	ssyncset.done $0x0  }
0x19f: {  	[sflag:s26] =	ssyncadd.s32 $0xFFFFFF80  }
0x1a0: {  	_ =	swait.ge [sflag:s26], $0x80  }
0x1a1: {  	[sflag:s26] =	ssyncset.done $0x0  }
0x1a2: {  	[sflag:s26] =	ssyncadd.s32 $0xFFFFFF80  }
0x1a3: {  	_ =	swait.ge [sflag:s26], $0x80  }
0x1a4: {  	[sflag:s26] =	ssyncset.done $0x0  }
0x1a5: {  	[sflag:s26] =	ssyncadd.s32 $0xFFFFFF80  }
0x1a6: {  	_ =	swait.ge [sflag:s26], $0x80  }
0x1a7: {  	[sflag:s26] =	ssyncset.done $0x0  }
0x1a8: {  	[sflag:s26] =	ssyncadd.s32 $0xFFFFFF80  }
0x1a9: {  	_ =	swait.ge [sflag:s26], $0x80  }
0x1aa: {  	[sflag:s26] =	ssyncset.done $0x0  }
0x1ab: {  	[sflag:s26] =	ssyncadd.s32 $0xFFFFFF80  }
0x1ac: {  	_ =	swait.ge [sflag:s26], $0x80  }
0x1ad: {  	[sflag:s26] =	ssyncset.done $0x0  }
0x1ae: {  	[sflag:s26] =	ssyncadd.s32 $0xFFFFFF80  }
0x1af: {  	_ =	swait.ge [sflag:s26], $0x80  }
0x1b0: {  	[sflag:s26] =	ssyncset.done $0x0  }
0x1b1: {  	[sflag:s26] =	ssyncadd.s32 $0xFFFFFF80  }
0x1b2: {  	_ =	swait.ge [sflag:s26], $0x80  }
0x1b3: {  	[sflag:s26] =	ssyncset.done $0x0  }
0x1b4: {  	[sflag:s26] =	ssyncadd.s32 $0xFFFFFF80  }
0x1b5: {  	_ =	swait.ge [sflag:s26], $0x80  }
0x1b6: {  	[sflag:s26] =	ssyncset.done $0x0  }
0x1b7: {  	[sflag:s26] =	ssyncadd.s32 $0xFFFFFF80  }
0x1b8: {  	_ =	swait.ge [sflag:s26], $0x80  }
0x1b9: {  	[sflag:s26] =	ssyncset.done $0x0  }
0x1ba: {  	[sflag:s26] =	ssyncadd.s32 $0xFFFFFF80  }
0x1bb: {  	_ =	swait.ge [sflag:s26], $0x80  }
0x1bc: {  	[sflag:s26] =	ssyncset.done $0x0  }
0x1bd: {  	[sflag:s26] =	ssyncadd.s32 $0xFFFFFF80  }
0x1be: {  	_ =	swait.ge [sflag:s26], $0x80  }
0x1bf: {  	[sflag:s26] =	ssyncset.done $0x0  }
0x1c0: {  	[sflag:s26] =	ssyncadd.s32 $0xFFFFFF80  }
0x1c1: {  	_ =	swait.ge [sflag:s26], $0x80  }
0x1c2: {  	[sflag:s26] =	ssyncset.done $0x0  }
0x1c3: {  	[sflag:s26] =	ssyncadd.s32 $0xFFFFFF80  }
0x1c4: {  	_ =	swait.ge [sflag:s26], $0x80  }
0x1c5: {  	[sflag:s26] =	ssyncset.done $0x0  }
0x1c6: {  	[sflag:s26] =	ssyncadd.s32 $0xFFFFFF80  }
0x1c7: {  	_ =	swait.ge [sflag:s26], $0x80  }
0x1c8: {  	[sflag:s26] =	ssyncset.done $0x0  }
0x1c9: {  	[sflag:s26] =	ssyncadd.s32 $0xFFFFFF80  }
0x1ca: {  	_ =	swait.ge [sflag:s26], $0x80  }
0x1cb: {  	[sflag:s26] =	ssyncset.done $0x0  }
0x1cc: {  	[sflag:s26] =	ssyncadd.s32 $0xFFFFFF80  }
0x1cd: {  	_ =	swait.ge [sflag:s26], $0x80  }
0x1ce: {  	[sflag:s26] =	ssyncset.done $0x0  }
0x1cf: {  	[sflag:s26] =	ssyncadd.s32 $0xFFFFFF80  }
0x1d0: {  	_ =	swait.ge [sflag:s26], $0x80  }
0x1d1: {  	[sflag:s26] =	ssyncset.done $0x0  }
0x1d2: {  	[sflag:s26] =	ssyncadd.s32 $0xFFFFFF80  }
0x1d3: {  	_ =	swait.ge [sflag:s26], $0x80  }
0x1d4: {  	[sflag:s26] =	ssyncset.done $0x0  }
0x1d5: {  	[sflag:s26] =	ssyncadd.s32 $0xFFFFFF80  }
0x1d6: {  	_ =	swait.ge [sflag:s26], $0x80  }
0x1d7: {  	s1 =	rddreg [dreg:$0x7];
	[sflag:s26] =	ssyncset.done $0x0  }
0x1d8: {  	[sflag:s26] =	ssyncadd.s32 $0xFFFFFF80;
	s0 =	sadd.s32 s29, s1  }
0x1d9: {  	[hbm4b:s0+s2] =	stream.linear.scatter [tilespmem:s11], [sflag:$0x2], $0x400, $0x38;
	[tilespmem:$0x1800] =	vst v63  }
0x1da: {  	_ =	swait.ge [sflag:s9], $0x400  }
0x1db: {  	s1 =	rddreg [dreg:$0x6];
	[sflag:s9] =	ssyncset.done $0x0  }
0x1dc: {  	[sflag:s9] =	ssyncadd.s32 $0xFFFFFC00;
	s0 =	sadd.s32 s29, s1  }
0x1dd: {  	[hbm4b:s0+s2] =	stream.linear.scatter [tilespmem:s18], [sflag:$0x2], $0x400, $0x38;
	[tilespmem:$0x1800] =	vst v63  }
0x1de: {  	_ =	swait.ge [sflag:s9], $0x400  }
0x1df: {  	s1 =	rddreg [dreg:$0x5];
	[sflag:s9] =	ssyncset.done $0x0  }
0x1e0: {  	[sflag:s9] =	ssyncadd.s32 $0xFFFFFC00;
	s0 =	sadd.s32 s29, s1  }
0x1e1: {  	[hbm4b:s0+s2] =	stream.linear.scatter [tilespmem:s19], [sflag:$0x2], $0x400, $0x38;
	[tilespmem:$0x1800] =	vst v63  }
0x1e2: {  	_ =	swait.ge [sflag:s9], $0x400  }
0x1e3: {  	s1 =	rddreg [dreg:$0x4];
	[sflag:s9] =	ssyncset.done $0x0  }
0x1e4: {  	[sflag:s9] =	ssyncadd.s32 $0xFFFFFC00;
	s0 =	sadd.s32 s29, s1  }
0x1e5: {  	[hbm4b:s0+s2] =	stream.linear.scatter [tilespmem:s20], [sflag:$0x2], $0x400, $0x38;
	[tilespmem:$0x1800] =	vst v63  }
0x1e6: {  	p0 =	sne.s32 s30, $0xC00;
	_ =	swait.ge [sflag:s9], $0x400  }
.Ltmp0:
0x1e7: {  	s1 =	rddreg [dreg:$0x3];
	[sflag:s9] =	ssyncset.done $0x0;
	(pc) =	sbr.rel @p0 .LBB2_2-.Ltmp0, $4  }
0x1e8: {  	[sflag:s9] =	ssyncadd.s32 $0xFFFFFC00;
	s0 =	sadd.s32 s29, s1  }
0x1e9: {  	[hbm4b:s0+s2] =	stream.linear.scatter [tilespmem:s21], [sflag:$0x2], $0x400, $0x38;
	[tilespmem:$0x1800] =	vst v63  }
0x1ea: {  	s31 =	smov.u32 s30;
	s30 =	sadd.s32 $0x80, s30;
	_ =	swait.ge [sflag:s9], $0x400  }
0x1eb: {  	s29 =	smov.u32 s31;
	s1 =	rddreg [dreg:$0x8];
	[sflag:s9] =	ssyncset.done $0x0  }
0x1ec: {  	[sflag:s9] =	ssyncadd.s32 $0xFFFFFC00;
	s0 =	sadd.s32 s29, s1  }
0x1ed: {  	[tilespmem:s2], [sflag:$0x2] =	stream.linear.gather [hbm4b:s0+s2], $0x400, $0x38;
	[tilespmem:$0x1800] =	vst v63  }
0x1ee: {  	_ =	swait.ge [sflag:s9], $0x400  }
0x1ef: {  	[sflag:s9] =	ssyncset.done $0x0  }
0x1f0: {  	[sflag:s9] =	ssyncadd.s32 $0xFFFFFC00  }
0x1f1: {  	[tilespmem:s11], [sflag:$0x1] =	stream.indirect.gather [hbm4b:s3+s10], $0x1, s2, s10, $0xb8;
	[tilespmem:$0x1800] =	vst v63  }
0x1f2: {  	s1 =	rddreg [dreg:$0x9]  }
0x1f3: {  	[tilespmem:s1], [sflag:$0x1] =	stream.indirect.gather [hbm4b:s3+s10], $0x1, s10, s10, $0xb8;
	[tilespmem:$0x1800] =	vst v63  }
0x1f4: {  	s30 =	rddreg [dreg:$0xa]  }
0x1f5: {  	[tilespmem:s30], [sflag:$0x1] =	stream.indirect.gather [hbm4b:s3+s10], $0x1, s12, s10, $0xb8;
	[tilespmem:$0x1800] =	vst v63  }
0x1f6: {  	s31 =	rddreg [dreg:$0xb]  }
0x1f7: {  	[tilespmem:s31], [sflag:$0x1] =	stream.indirect.gather [hbm4b:s3+s10], $0x1, s13, s10, $0xb8;
	[tilespmem:$0x1800] =	vst v63  }
0x1f8: {  	s30 =	rddreg [dreg:$0xc]  }
0x1f9: {  	[tilespmem:s30], [sflag:$0x1] =	stream.indirect.gather [hbm4b:s3+s10], $0x1, s14, s10, $0xb8;
	[tilespmem:$0x1800] =	vst v63  }
0x1fa: {  	s31 =	rddreg [dreg:$0xd]  }
0x1fb: {  	[tilespmem:s31], [sflag:$0x1] =	stream.indirect.gather [hbm4b:s3+s10], $0x1, s15, s10, $0xb8;
	[tilespmem:$0x1800] =	vst v63  }
0x1fc: {  	s30 =	rddreg [dreg:$0xe]  }
0x1fd: {  	[tilespmem:s30], [sflag:$0x1] =	stream.indirect.gather [hbm4b:s3+s10], $0x1, s16, s10, $0xb8;
	[tilespmem:$0x1800] =	vst v63  }
0x1fe: {  	s31 =	rddreg [dreg:$0xf]  }
0x1ff: {  	[tilespmem:s31], [sflag:$0x1] =	stream.indirect.gather [hbm4b:s3+s10], $0x1, s17, s10, $0xb8;
	[tilespmem:$0x1800] =	vst v63  }
0x200: {  	_ = 	snop  }
0x201: {  	[tilespmem:s18], [sflag:$0x1] =	stream.indirect.gather [hbm4b:s4+s10], $0x1, s2, s10, $0xb8;
	[tilespmem:$0x1800] =	vst v63  }
0x202: {  	s1 =	rddreg [dreg:$0x10]  }
0x203: {  	[tilespmem:s1], [sflag:$0x1] =	stream.indirect.gather [hbm4b:s4+s10], $0x1, s10, s10, $0xb8;
	[tilespmem:$0x1800] =	vst v63  }
0x204: {  	s30 =	rddreg [dreg:$0x11]  }
0x205: {  	[tilespmem:s30], [sflag:$0x1] =	stream.indirect.gather [hbm4b:s4+s10], $0x1, s12, s10, $0xb8;
	[tilespmem:$0x1800] =	vst v63  }
0x206: {  	s31 =	rddreg [dreg:$0x12]  }
0x207: {  	[tilespmem:s31], [sflag:$0x1] =	stream.indirect.gather [hbm4b:s4+s10], $0x1, s13, s10, $0xb8;
	[tilespmem:$0x1800] =	vst v63  }
0x208: {  	s30 =	rddreg [dreg:$0x13]  }
0x209: {  	[tilespmem:s30], [sflag:$0x1] =	stream.indirect.gather [hbm4b:s4+s10], $0x1, s14, s10, $0xb8;
	[tilespmem:$0x1800] =	vst v63  }
0x20a: {  	s31 =	rddreg [dreg:$0x14]  }
0x20b: {  	[tilespmem:s31], [sflag:$0x1] =	stream.indirect.gather [hbm4b:s4+s10], $0x1, s15, s10, $0xb8;
	[tilespmem:$0x1800] =	vst v63  }
0x20c: {  	s30 =	rddreg [dreg:$0x15]  }
0x20d: {  	[tilespmem:s30], [sflag:$0x1] =	stream.indirect.gather [hbm4b:s4+s10], $0x1, s16, s10, $0xb8;
	[tilespmem:$0x1800] =	vst v63  }
0x20e: {  	s31 =	rddreg [dreg:$0x16]  }
0x20f: {  	[tilespmem:s31], [sflag:$0x1] =	stream.indirect.gather [hbm4b:s4+s10], $0x1, s17, s10, $0xb8;
	[tilespmem:$0x1800] =	vst v63  }
0x210: {  	_ = 	snop  }
0x211: {  	[tilespmem:s19], [sflag:$0x1] =	stream.indirect.gather [hbm4b:s5+s10], $0x1, s2, s10, $0xb8;
	[tilespmem:$0x1800] =	vst v63  }
0x212: {  	s1 =	rddreg [dreg:$0x17]  }
0x213: {  	[tilespmem:s1], [sflag:$0x1] =	stream.indirect.gather [hbm4b:s5+s10], $0x1, s10, s10, $0xb8;
	[tilespmem:$0x1800] =	vst v63  }
0x214: {  	s30 =	rddreg [dreg:$0x18]  }
0x215: {  	[tilespmem:s30], [sflag:$0x1] =	stream.indirect.gather [hbm4b:s5+s10], $0x1, s12, s10, $0xb8;
	[tilespmem:$0x1800] =	vst v63  }
0x216: {  	s31 =	rddreg [dreg:$0x19]  }
0x217: {  	[tilespmem:s31], [sflag:$0x1] =	stream.indirect.gather [hbm4b:s5+s10], $0x1, s13, s10, $0xb8;
	[tilespmem:$0x1800] =	vst v63  }
0x218: {  	s30 =	rddreg [dreg:$0x1a]  }
0x219: {  	[tilespmem:s30], [sflag:$0x1] =	stream.indirect.gather [hbm4b:s5+s10], $0x1, s14, s10, $0xb8;
	[tilespmem:$0x1800] =	vst v63  }
0x21a: {  	s31 =	rddreg [dreg:$0x1b]  }
0x21b: {  	[tilespmem:s31], [sflag:$0x1] =	stream.indirect.gather [hbm4b:s5+s10], $0x1, s15, s10, $0xb8;
	[tilespmem:$0x1800] =	vst v63  }
0x21c: {  	s30 =	rddreg [dreg:$0x1c]  }
0x21d: {  	[tilespmem:s30], [sflag:$0x1] =	stream.indirect.gather [hbm4b:s5+s10], $0x1, s16, s10, $0xb8;
	[tilespmem:$0x1800] =	vst v63  }
0x21e: {  	s31 =	rddreg [dreg:$0x1d]  }
0x21f: {  	[tilespmem:s31], [sflag:$0x1] =	stream.indirect.gather [hbm4b:s5+s10], $0x1, s17, s10, $0xb8;
	[tilespmem:$0x1800] =	vst v63  }
0x220: {  	s1 =	rddreg [dreg:$0x1e]  }
0x221: {  	[tilespmem:s20], [sflag:$0x1] =	stream.indirect.gather [hbm4b:s6+s10], $0x1, s2, s10, $0xb8;
	[tilespmem:$0x1800] =	vst v63  }
0x222: {  	s30 =	rddreg [dreg:$0x1f]  }
0x223: {  	[tilespmem:s1], [sflag:$0x1] =	stream.indirect.gather [hbm4b:s6+s10], $0x1, s10, s10, $0xb8;
	[tilespmem:$0x1800] =	vst v63  }
0x224: {  	s31 =	sld [smem:$0x7F6]  }
0x225: {  	[tilespmem:s30], [sflag:$0x1] =	stream.indirect.gather [hbm4b:s6+s10], $0x1, s12, s10, $0xb8;
	[tilespmem:$0x1800] =	vst v63  }
0x226: {  	s30 =	sld [smem:$0x7F7]  }
0x227: {  	[tilespmem:s31], [sflag:$0x1] =	stream.indirect.gather [hbm4b:s6+s10], $0x1, s13, s10, $0xb8;
	[tilespmem:$0x1800] =	vst v63  }
0x228: {  	s31 =	sld [smem:$0x7F8]  }
0x229: {  	[tilespmem:s30], [sflag:$0x1] =	stream.indirect.gather [hbm4b:s6+s10], $0x1, s14, s10, $0xb8;
	[tilespmem:$0x1800] =	vst v63  }
0x22a: {  	s30 =	sld [smem:$0x7F9]  }
0x22b: {  	[tilespmem:s31], [sflag:$0x1] =	stream.indirect.gather [hbm4b:s6+s10], $0x1, s15, s10, $0xb8;
	[tilespmem:$0x1800] =	vst v63  }
0x22c: {  	s31 =	sld [smem:$0x7FA]  }
0x22d: {  	[tilespmem:s30], [sflag:$0x1] =	stream.indirect.gather [hbm4b:s6+s10], $0x1, s16, s10, $0xb8;
	[tilespmem:$0x1800] =	vst v63  }
0x22e: {  	_ = 	snop  }
0x22f: {  	[tilespmem:s31], [sflag:$0x1] =	stream.indirect.gather [hbm4b:s6+s10], $0x1, s17, s10, $0xb8;
	[tilespmem:$0x1800] =	vst v63  }
0x230: {  	s1 =	sld [smem:$0x7FB]  }
0x231: {  	[tilespmem:s21], [sflag:$0x1] =	stream.indirect.gather [hbm4b:s7+s10], $0x1, s2, s10, $0xb8;
	[tilespmem:$0x1800] =	vst v63  }
0x232: {  	s30 =	sld [smem:$0x7FC]  }
0x233: {  	[tilespmem:s1], [sflag:$0x1] =	stream.indirect.gather [hbm4b:s7+s10], $0x1, s10, s10, $0xb8;
	[tilespmem:$0x1800] =	vst v63  }
0x234: {  	s31 =	sld [smem:$0x7FD]  }
0x235: {  	[tilespmem:s30], [sflag:$0x1] =	stream.indirect.gather [hbm4b:s7+s10], $0x1, s12, s10, $0xb8;
	[tilespmem:$0x1800] =	vst v63  }
0x236: {  	_ = 	snop  }
0x237: {  	[tilespmem:s31], [sflag:$0x1] =	stream.indirect.gather [hbm4b:s7+s10], $0x1, s13, s10, $0xb8;
	[tilespmem:$0x1800] =	vst v63  }
0x238: {  	_ = 	snop  }
0x239: {  	[tilespmem:s22], [sflag:$0x1] =	stream.indirect.gather [hbm4b:s7+s10], $0x1, s14, s10, $0xb8;
	[tilespmem:$0x1800] =	vst v63  }
0x23a: {  	_ = 	snop  }
0x23b: {  	[tilespmem:s23], [sflag:$0x1] =	stream.indirect.gather [hbm4b:s7+s10], $0x1, s15, s10, $0xb8;
	[tilespmem:$0x1800] =	vst v63  }
0x23c: {  	_ = 	snop  }
0x23d: {  	[tilespmem:s24], [sflag:$0x1] =	stream.indirect.gather [hbm4b:s7+s10], $0x1, s16, s10, $0xb8;
	[tilespmem:$0x1800] =	vst v63  }
0x23e: {  	_ = 	snop  }
0x23f: {  	[tilespmem:s25], [sflag:$0x1] =	stream.indirect.gather [hbm4b:s7+s10], $0x1, s17, s10, $0xb8;
	[tilespmem:$0x1800] =	vst v63  }
0x240: {  	_ =	swait.ge [sflag:s26], $0x80  }
0x241: {  	[sflag:s26] =	ssyncset.done $0x0  }
0x242: {  	[sflag:s26] =	ssyncadd.s32 $0xFFFFFF80  }
0x243: {  	_ =	swait.ge [sflag:s26], $0x80  }
0x244: {  	[sflag:s26] =	ssyncset.done $0x0  }
0x245: {  	[sflag:s26] =	ssyncadd.s32 $0xFFFFFF80  }
0x246: {  	_ =	swait.ge [sflag:s26], $0x80  }
0x247: {  	[sflag:s26] =	ssyncset.done $0x0  }
0x248: {  	[sflag:s26] =	ssyncadd.s32 $0xFFFFFF80  }
0x249: {  	_ =	swait.ge [sflag:s26], $0x80  }
0x24a: {  	[sflag:s26] =	ssyncset.done $0x0  }
0x24b: {  	[sflag:s26] =	ssyncadd.s32 $0xFFFFFF80  }
0x24c: {  	_ =	swait.ge [sflag:s26], $0x80  }
0x24d: {  	[sflag:s26] =	ssyncset.done $0x0  }
0x24e: {  	[sflag:s26] =	ssyncadd.s32 $0xFFFFFF80  }
0x24f: {  	_ =	swait.ge [sflag:s26], $0x80  }
0x250: {  	[sflag:s26] =	ssyncset.done $0x0  }
0x251: {  	[sflag:s26] =	ssyncadd.s32 $0xFFFFFF80  }
0x252: {  	_ =	swait.ge [sflag:s26], $0x80  }
0x253: {  	[sflag:s26] =	ssyncset.done $0x0  }
0x254: {  	[sflag:s26] =	ssyncadd.s32 $0xFFFFFF80  }
0x255: {  	_ =	swait.ge [sflag:s26], $0x80  }
0x256: {  	[sflag:s26] =	ssyncset.done $0x0  }
0x257: {  	[sflag:s26] =	ssyncadd.s32 $0xFFFFFF80  }
0x258: {  	_ =	swait.ge [sflag:s26], $0x80  }
0x259: {  	[sflag:s26] =	ssyncset.done $0x0  }
0x25a: {  	[sflag:s26] =	ssyncadd.s32 $0xFFFFFF80  }
0x25b: {  	_ =	swait.ge [sflag:s26], $0x80  }
0x25c: {  	[sflag:s26] =	ssyncset.done $0x0  }
0x25d: {  	[sflag:s26] =	ssyncadd.s32 $0xFFFFFF80  }
0x25e: {  	_ =	swait.ge [sflag:s26], $0x80  }
0x25f: {  	[sflag:s26] =	ssyncset.done $0x0  }
0x260: {  	[sflag:s26] =	ssyncadd.s32 $0xFFFFFF80  }
0x261: {  	_ =	swait.ge [sflag:s26], $0x80  }
0x262: {  	[sflag:s26] =	ssyncset.done $0x0  }
0x263: {  	[sflag:s26] =	ssyncadd.s32 $0xFFFFFF80  }
0x264: {  	_ =	swait.ge [sflag:s26], $0x80  }
0x265: {  	[sflag:s26] =	ssyncset.done $0x0  }
0x266: {  	[sflag:s26] =	ssyncadd.s32 $0xFFFFFF80  }
0x267: {  	_ =	swait.ge [sflag:s26], $0x80  }
0x268: {  	[sflag:s26] =	ssyncset.done $0x0  }
0x269: {  	[sflag:s26] =	ssyncadd.s32 $0xFFFFFF80  }
0x26a: {  	_ =	swait.ge [sflag:s26], $0x80  }
0x26b: {  	[sflag:s26] =	ssyncset.done $0x0  }
0x26c: {  	[sflag:s26] =	ssyncadd.s32 $0xFFFFFF80  }
0x26d: {  	_ =	swait.ge [sflag:s26], $0x80  }
0x26e: {  	[sflag:s26] =	ssyncset.done $0x0  }
0x26f: {  	[sflag:s26] =	ssyncadd.s32 $0xFFFFFF80  }
0x270: {  	_ =	swait.ge [sflag:s26], $0x80  }
0x271: {  	[sflag:s26] =	ssyncset.done $0x0  }
0x272: {  	[sflag:s26] =	ssyncadd.s32 $0xFFFFFF80  }
0x273: {  	_ =	swait.ge [sflag:s26], $0x80  }
0x274: {  	[sflag:s26] =	ssyncset.done $0x0  }
0x275: {  	[sflag:s26] =	ssyncadd.s32 $0xFFFFFF80  }
0x276: {  	_ =	swait.ge [sflag:s26], $0x80  }
0x277: {  	[sflag:s26] =	ssyncset.done $0x0  }
0x278: {  	[sflag:s26] =	ssyncadd.s32 $0xFFFFFF80  }
0x279: {  	_ =	swait.ge [sflag:s26], $0x80  }
0x27a: {  	[sflag:s26] =	ssyncset.done $0x0  }
0x27b: {  	[sflag:s26] =	ssyncadd.s32 $0xFFFFFF80  }
0x27c: {  	_ =	swait.ge [sflag:s26], $0x80  }
0x27d: {  	[sflag:s26] =	ssyncset.done $0x0  }
0x27e: {  	[sflag:s26] =	ssyncadd.s32 $0xFFFFFF80  }
0x27f: {  	_ =	swait.ge [sflag:s26], $0x80  }
0x280: {  	[sflag:s26] =	ssyncset.done $0x0  }
0x281: {  	[sflag:s26] =	ssyncadd.s32 $0xFFFFFF80  }
0x282: {  	_ =	swait.ge [sflag:s26], $0x80  }
0x283: {  	[sflag:s26] =	ssyncset.done $0x0  }
0x284: {  	[sflag:s26] =	ssyncadd.s32 $0xFFFFFF80  }
0x285: {  	_ =	swait.ge [sflag:s26], $0x80  }
0x286: {  	[sflag:s26] =	ssyncset.done $0x0  }
0x287: {  	[sflag:s26] =	ssyncadd.s32 $0xFFFFFF80  }
0x288: {  	_ =	swait.ge [sflag:s26], $0x80  }
0x289: {  	[sflag:s26] =	ssyncset.done $0x0  }
0x28a: {  	[sflag:s26] =	ssyncadd.s32 $0xFFFFFF80  }
0x28b: {  	_ =	swait.ge [sflag:s26], $0x80  }
0x28c: {  	[sflag:s26] =	ssyncset.done $0x0  }
0x28d: {  	[sflag:s26] =	ssyncadd.s32 $0xFFFFFF80  }
0x28e: {  	_ =	swait.ge [sflag:s26], $0x80  }
0x28f: {  	[sflag:s26] =	ssyncset.done $0x0  }
0x290: {  	[sflag:s26] =	ssyncadd.s32 $0xFFFFFF80  }
0x291: {  	_ =	swait.ge [sflag:s26], $0x80  }
0x292: {  	[sflag:s26] =	ssyncset.done $0x0  }
0x293: {  	[sflag:s26] =	ssyncadd.s32 $0xFFFFFF80  }
0x294: {  	_ =	swait.ge [sflag:s26], $0x80  }
0x295: {  	[sflag:s26] =	ssyncset.done $0x0  }
0x296: {  	[sflag:s26] =	ssyncadd.s32 $0xFFFFFF80  }
0x297: {  	_ =	swait.ge [sflag:s26], $0x80  }
0x298: {  	[sflag:s26] =	ssyncset.done $0x0  }
0x299: {  	[sflag:s26] =	ssyncadd.s32 $0xFFFFFF80  }
0x29a: {  	_ =	swait.ge [sflag:s26], $0x80  }
0x29b: {  	[sflag:s26] =	ssyncset.done $0x0  }
0x29c: {  	[sflag:s26] =	ssyncadd.s32 $0xFFFFFF80  }
0x29d: {  	_ =	swait.ge [sflag:s26], $0x80  }
0x29e: {  	[sflag:s26] =	ssyncset.done $0x0  }
0x29f: {  	[sflag:s26] =	ssyncadd.s32 $0xFFFFFF80  }
0x2a0: {  	_ =	swait.ge [sflag:s26], $0x80  }
0x2a1: {  	[sflag:s26] =	ssyncset.done $0x0  }
0x2a2: {  	[sflag:s26] =	ssyncadd.s32 $0xFFFFFF80  }
0x2a3: {  	_ =	swait.ge [sflag:s26], $0x80  }
0x2a4: {  	[sflag:s26] =	ssyncset.done $0x0  }
0x2a5: {  	[sflag:s26] =	ssyncadd.s32 $0xFFFFFF80  }
0x2a6: {  	_ =	swait.ge [sflag:s26], $0x80  }
0x2a7: {  	[sflag:s26] =	ssyncset.done $0x0  }
0x2a8: {  	[sflag:s26] =	ssyncadd.s32 $0xFFFFFF80  }
0x2a9: {  	_ =	swait.ge [sflag:s26], $0x80  }
0x2aa: {  	[sflag:s26] =	ssyncset.done $0x0  }
0x2ab: {  	[sflag:s26] =	ssyncadd.s32 $0xFFFFFF80  }
0x2ac: {  	_ =	swait.ge [sflag:s26], $0x80  }
0x2ad: {  	[sflag:s26] =	ssyncset.done $0x0  }
0x2ae: {  	[sflag:s26] =	ssyncadd.s32 $0xFFFFFF80  }
0x2af: {  	_ =	swait.ge [sflag:s26], $0x80  }
0x2b0: {  	[sflag:s26] =	ssyncset.done $0x0  }
0x2b1: {  	[sflag:s26] =	ssyncadd.s32 $0xFFFFFF80  }
0x2b2: {  	_ =	swait.ge [sflag:s26], $0x80  }
0x2b3: {  	[sflag:s26] =	ssyncset.done $0x0  }
0x2b4: {  	[sflag:s26] =	ssyncadd.s32 $0xFFFFFF80  }
0x2b5: {  	_ =	swait.ge [sflag:s26], $0x80  }
0x2b6: {  	s30 =	rddreg [dreg:$0x7];
	[sflag:s26] =	ssyncset.done $0x0  }
0x2b7: {  	[sflag:s26] =	ssyncadd.s32 $0xFFFFFF80;
	s0 =	sadd.s32 s29, s30  }
0x2b8: {  	[hbm4b:s0+s2] =	stream.linear.scatter [tilespmem:s11], [sflag:$0x2], $0x400, $0x38;
	[tilespmem:$0x1800] =	vst v63  }
0x2b9: {  	_ =	swait.ge [sflag:s9], $0x400  }
0x2ba: {  	s31 =	rddreg [dreg:$0x6];
	[sflag:s9] =	ssyncset.done $0x0  }
0x2bb: {  	[sflag:s9] =	ssyncadd.s32 $0xFFFFFC00;
	s0 =	sadd.s32 s29, s31  }
0x2bc: {  	[hbm4b:s0+s2] =	stream.linear.scatter [tilespmem:s18], [sflag:$0x2], $0x400, $0x38;
	[tilespmem:$0x1800] =	vst v63  }
0x2bd: {  	_ =	swait.ge [sflag:s9], $0x400  }
0x2be: {  	s1 =	rddreg [dreg:$0x5];
	[sflag:s9] =	ssyncset.done $0x0  }
0x2bf: {  	[sflag:s9] =	ssyncadd.s32 $0xFFFFFC00;
	s0 =	sadd.s32 s29, s1  }
0x2c0: {  	[hbm4b:s0+s2] =	stream.linear.scatter [tilespmem:s19], [sflag:$0x2], $0x400, $0x38;
	[tilespmem:$0x1800] =	vst v63  }
0x2c1: {  	_ =	swait.ge [sflag:s9], $0x400  }
0x2c2: {  	s30 =	rddreg [dreg:$0x4];
	[sflag:s9] =	ssyncset.done $0x0  }
0x2c3: {  	[sflag:s9] =	ssyncadd.s32 $0xFFFFFC00;
	s0 =	sadd.s32 s29, s30  }
0x2c4: {  	[hbm4b:s0+s2] =	stream.linear.scatter [tilespmem:s20], [sflag:$0x2], $0x400, $0x38;
	[tilespmem:$0x1800] =	vst v63  }
0x2c5: {  	s28 =	sadd.s32 $0x1, s28;
	_ =	swait.ge [sflag:s9], $0x400  }
0x2c6: {  	p0 =	sne.s32 s28, s8;
	s31 =	rddreg [dreg:$0x3];
	[sflag:s9] =	ssyncset.done $0x0  }
.Ltmp1:
0x2c7: {  	s0 =	sadd.s32 s29, s31;
	[sflag:s9] =	ssyncadd.s32 $0xFFFFFC00;
	(pc) =	sbr.rel @p0 .LBB2_1-.Ltmp1, $4  }
0x2c8: {  	[hbm4b:s0+s2] =	stream.linear.scatter [tilespmem:s21], [sflag:$0x2], $0x400, $0x38;
	[tilespmem:$0x1800] =	vst v63  }
0x2c9: {  	_ =	swait.ge [sflag:s9], $0x400  }
0x2ca: {  	[sflag:s9] =	ssyncset.done $0x0  }
0x2cb: {  	[sflag:s9] =	ssyncadd.s32 $0xFFFFFC00  }
0x2cc: {  	_ =	sfence.sel $0x180000  }
0x2cd: {  	[bflag:$0x0] =	sbarrier.arrive $0xFFFF  }
0x2ce: {  	_ =	strace $0x9000004A  }
0x2cf: {  	s0 =	stileid.u32;
	[bflag:$0x2] =	sbarrier.arrive $0xFFFF  }
0x2d0: {  	p0 =	sne.s32 s0, $0x0;
	s0 =	rddreg [dreg:$0x2]  }
0x2d1: {  	s0 =	sadd.s32 @!p0 $0x100000, s0  }
0x2d2: {  	[sflag:s0] =	ssyncadd.tile.s32 @!p0 $0x1;
	_ =	shalt  }
.Lfunc_end2:
_tile_overlayer_lowered:
.L_overlay_start_2:
0x2d3: {  	(tag) =	ssettag $0x2  }
0x2d4: {  	s0 =	rddreg [dreg:$0x0];
	s2 =	stileid.u32  }
0x2d5: {  	s1 =	rddreg [dreg:$0x1];
	p0 =	sne.s32 s2, $0x0  }
0x2d6: {  	s3 =	rddreg [dreg:$0x2];
	[bflag:$0x3] =	sbarrier.arrive $0xFFFF;
	s2 =	simm.s32 @!p0 $0x1C02  }
0x2d7: {  	[timem:s3], [sflag:s2] =	dma.local @!p0 [hbm:s0], s1  }
0x2d8: {  	s0 =	simm.s32 @!p0 $0x2  }
0x2d9: {  	_ =	swait.ge @!p0 [sflag:s0], s1  }
0x2da: {  	s1 =	ssub.s32 @!p0 $0x0, s1;
	[sflag:s0] =	ssyncset.done @!p0 $0x0  }
0x2db: {  	[sflag:s0] =	ssyncadd.s32 @!p0 s1  }
0x2dc: {  	[bflag:$0x3] =	sbarrier.arrive $0xFFFF  }
0x2dd: {  	_ =	shalt  }

// kernel: kernel.7.cloned.1.call-start
scs
__scs_entry_jumppad:
0x0: {  	(pc) =	sbr.rel $0x88, $3  }
0x1: {  	(tag) =	ssettag $0x0;
	lr =	simm.s32 $0x1  }
0x2: {  	[smem:$0x3F94] =	sst lr;
	_ =	strace $0xD0000000  }
0x3: {  	_ = 	snop  }
0x4: {  	_ = 	snop  }
0x5: {  	_ = 	snop  }
0x6: {  	_ = 	snop  }
0x7: {  	_ = 	snop  }
__scs_overlays_trampoline_lowered:
0x8: {  	[smem:$0x3FA3] =	sst s0  }
0x9: {  	[smem:$0x3FA4] =	sst s1  }
0xa: {  	[smem:$0x3FA5] =	sst s2  }
0xb: {  	[smem:$0x3FA6] =	sst s3  }
0xc: {  	[smem:$0x3FA7] =	sst s4  }
0xd: {  	[smem:$0x3FA8] =	sst s5  }
0xe: {  	[smem:$0x3FA9] =	sst s6  }
0xf: {  	[smem:$0x3FAA] =	sst s7  }
0x10: {  	[smem:$0x3FAB] =	sst s8  }
0x11: {  	[smem:$0x3FAC] =	sst s9;
	s0 =	simm.s32 @!p0 $0x0  }
0x12: {  	s1 =	sld [smem:$0x3F92];
	s0 =	simm.s32 @p0 $0x1  }
0x13: {  	[smem:$0x3FAD] =	sst s0;
	s0 =	simm.s32 @!p1 $0x0  }
0x14: {  	s2 =	sld [smem:$0x3F91];
	s0 =	simm.s32 @p1 $0x1  }
0x15: {  	[smem:$0x3FAE] =	sst s0;
	s0 =	simm.s32 @!p2 $0x0  }
0x16: {  	s3 =	sld [smem:$0x3FDB];
	s0 =	simm.s32 @p2 $0x1  }
0x17: {  	s4 =	simm.s32 $0x1BF5;
	[smem:$0x3FB0] =	sst s0  }
0x18: {  	s0 =	sld [smem:$0x3F93];
	_ =	swait.ge [sflag:s4], $0x0  }
0x19: {  	s7 =	sld [smem:$0x3F94]  }
0x1a: {  	s8 =	sadd.s32 $0xFFFFE003, lr  }
0x1b: {  	s9 =	sadd.s32 $0xFFFFFEF7, lr;
	s5 =	simm.s32 $0xFFFFFFFF;
	p2 =	slt.u32 s8, $0xFFFFF086  }
0x1c: {  	p1 =	slt.u32 s9, $0xF7A;
	s5 =	simm.s32 @!p2 $0x0  }
0x1d: {  	s5 =	simm.s32 @p1 $0x1;
	p0 =	seq.s32 s7, s2  }
0x1e: {  	s7 =	smul.u32 @!p0 $0xF7A, s2;
	p2 =	seq.s32 @!p0 s5, $0x0  }
0x1f: {  	s9 =	smul.u32 $0xF7A, s1;
	s8 =	simm.s32 @!p0 $0x1BF5;
	p2 =	por !p2, p0  }
0x20: {  	[sflag:s8] =	ssyncset.s32 @!p0 $0xFFFFF086;
	s6 =	sadd.s32 @!p0 s3, s7;
	s7 =	simm.s32 @!p0 $0x108  }
0x21: {  	s3 =	sadd.s32 s3, s9;
	s6 =	sadd.s32 @!p0 $0x88, s6;
	s7 =	simm.s32 @p2 $0x1082  }
0x22: {  	[simem:s7], [sflag:s8] =	dma.local @!p0 [hbm:s6], $0xF7A  }
0x23: {  	s9 =	sor.u32 $0xD0000000, s2;
	s6 =	simm.s32 $0x108;
	_ =	swait.ge @!p0 [sflag:s8], $0x0  }
0x24: {  	s3 =	sadd.s32 $0x88, s3;
	s6 =	simm.s32 @!p1 $0x1082;
	[sflag:s4] =	ssyncset.s32 $0xFFFFF086  }
0x25: {  	[simem:s6], [sflag:s4] =	dma.local [hbm:s3], $0xF7A  }
0x26: {  	[smem:$0x3F94] =	sst s1;
	(tag) =	ssettag s2;
	_ =	strace s9  }
0x27: {  	s1 =	sld [smem:$0x3FA4]  }
0x28: {  	s2 =	sld [smem:$0x3FA5]  }
0x29: {  	s4 =	sld [smem:$0x3FA7]  }
0x2a: {  	p0 =	seq.s32 s5, $0x0;
	s5 =	sld [smem:$0x3FA8]  }
0x2b: {  	s6 =	sld [smem:$0x3FA9]  }
0x2c: {  	s7 =	sld [smem:$0x3FAA]  }
0x2d: {  	s3 =	simm.s32 $0x108;
	s8 =	sld [smem:$0x3FAB]  }
0x2e: {  	s3 =	simm.s32 @!p0 $0x1082;
	s9 =	sld [smem:$0x3FAC]  }
0x2f: {  	lr =	sadd.s32 s0, s3;
	s0 =	sld [smem:$0x3FA3]  }
0x30: {  	s3 =	sld [smem:$0x3FA6]  }
0x31: {  	[smem:$0x3FAF] =	sst s10  }
0x32: {  	s10 =	sld [smem:$0x3FAD];
	_ =	sdelay $0x3  }
0x33: {  	p0 =	seq.s32 s10, $0x1;
	s10 =	sld [smem:$0x3FAF];
	_ =	sdelay $0x3  }
0x34: {  	[smem:$0x3FAF] =	sst s10  }
0x35: {  	s10 =	sld [smem:$0x3FAE];
	_ =	sdelay $0x3  }
0x36: {  	p1 =	seq.s32 s10, $0x1;
	s10 =	sld [smem:$0x3FAF];
	_ =	sdelay $0x3  }
0x37: {  	[smem:$0x3FAF] =	sst s10  }
0x38: {  	s10 =	sld [smem:$0x3FB0]  }
0x39: {  	_ = 	snop;
	(pc) =	sbr.ind lr, $3  }
0x3a: {  	_ = 	snop  }
0x3b: {  	_ = 	snop  }
0x3c: {  	p2 =	seq.s32 s10, $0x1;
	s10 =	sld [smem:$0x3FAF]  }
0x3d: {  	_ =	shalt  }
0x3e: {  	_ =	shalt  }
0x3f: {  	_ =	shalt  }
0x40: {  	_ =	shalt  }
0x41: {  	_ =	shalt  }
0x42: {  	_ =	shalt  }
0x43: {  	_ =	shalt  }
0x44: {  	_ =	shalt  }
0x45: {  	_ =	shalt  }
0x46: {  	_ =	shalt  }
0x47: {  	_ =	shalt  }
0x48: {  	_ =	shalt  }
0x49: {  	_ =	shalt  }
0x4a: {  	_ =	shalt  }
0x4b: {  	_ =	shalt  }
0x4c: {  	_ =	shalt  }
0x4d: {  	_ =	shalt  }
0x4e: {  	_ =	shalt  }
0x4f: {  	_ =	shalt  }
0x50: {  	_ =	shalt  }
0x51: {  	_ =	shalt  }
0x52: {  	_ =	shalt  }
0x53: {  	_ =	shalt  }
0x54: {  	_ =	shalt  }
0x55: {  	_ =	shalt  }
0x56: {  	_ =	shalt  }
0x57: {  	_ =	shalt  }
0x58: {  	_ =	shalt  }
0x59: {  	_ =	shalt  }
0x5a: {  	_ =	shalt  }
0x5b: {  	_ =	shalt  }
0x5c: {  	_ =	shalt  }
0x5d: {  	_ =	shalt  }
0x5e: {  	_ =	shalt  }
0x5f: {  	_ =	shalt  }
0x60: {  	_ =	shalt  }
0x61: {  	_ =	shalt  }
0x62: {  	_ =	shalt  }
0x63: {  	_ =	shalt  }
0x64: {  	_ =	shalt  }
0x65: {  	_ =	shalt  }
0x66: {  	_ =	shalt  }
0x67: {  	_ =	shalt  }
0x68: {  	_ =	shalt  }
0x69: {  	_ =	shalt  }
0x6a: {  	_ =	shalt  }
0x6b: {  	_ =	shalt  }
0x6c: {  	_ =	shalt  }
0x6d: {  	_ =	shalt  }
0x6e: {  	_ =	shalt  }
0x6f: {  	_ =	shalt  }
0x70: {  	_ =	shalt  }
0x71: {  	_ =	shalt  }
0x72: {  	_ =	shalt  }
0x73: {  	_ =	shalt  }
0x74: {  	_ =	shalt  }
0x75: {  	_ =	shalt  }
0x76: {  	_ =	shalt  }
0x77: {  	_ =	shalt  }
0x78: {  	_ =	shalt  }
0x79: {  	_ =	shalt  }
0x7a: {  	_ =	shalt  }
0x7b: {  	_ =	shalt  }
0x7c: {  	_ =	shalt  }
0x7d: {  	_ =	shalt  }
0x7e: {  	_ =	shalt  }
0x7f: {  	_ =	shalt  }
0x80: {  	_ =	shalt  }
0x81: {  	_ =	shalt  }
0x82: {  	_ =	shalt  }
0x83: {  	_ =	shalt  }
0x84: {  	_ =	shalt  }
0x85: {  	_ =	shalt  }
0x86: {  	_ =	shalt  }
0x87: {  	_ =	shalt  }
.Lfunc_end0:
.L_simem_size_0:
called_computation_lowered:
.L_overlay_start_0:
0x88: {  	s2 =	sld [smem:$0x3FD9]  }
0x89: {  	s3 =	sld [smem:$0x3FFE];
	_ =	sdelay $0x1  }
0x8a: {  	s1 =	srdreg.scid  }
0x8b: {  	s0 =	sand.u32 $0x1, s1  }
0x8c: {  	s17 =	sshll.u32 s0, $0xA;
	s2 =	sadd.s32 s3, s2  }
0x8d: {  	s2 =	sadd.s32 s2, s17  }
0x8e: {  	[smem:$0x3FBB] =	sst s2  }
0x8f: {  	_ = 	snop  }
0x90: {  	s2 =	sld [smem:$0x3FC6];
	(tm) =	ssettm $0x1  }
0x91: {  	s18 =	sld [smem:$0x3FFB];
	_ =	sdelay $0x3  }
0x92: {  	_ =	strace s18  }
0x93: {  	s3 =	sld [smem:$0x3FFC];
	_ =	sdelay $0x3  }
0x94: {  	_ =	strace s3  }
0x95: {  	s3 =	sld [smem:$0x3FFD];
	_ =	sdelay $0x3  }
0x96: {  	_ =	strace s3  }
0x97: {  	_ =	strace $0x8FFFFFFF  }
0x98: {  	s19 =	sld [smem:$0x3FDB];
	_ =	sdelay $0x1  }
0x99: {  	s4 =	simm.s32 $_scs_section_size  }
0x9a: {  	s5 =	simm.s32 $_size__tile_overlayer_lowered;
	s6 =	simm.s32 $_tile_overlayer_lowered  }
0x9b: {  	s22 =	simm.s32 $0x1BFF;
	s21 =	sshll.u32 s6, $0x1;
	s3 =	sadd.s32 s4, s19  }
0x9c: {  	s7 =	simm.s32 $0x0;
	s20 =	sshll.u32 s5, $0x1;
	s5 =	sadd.s32 s21, s3  }
0x9d: {  	[timem:s7], [sflag:s22] =	dma.local [hbm:s5], s20  }
0x9e: {  	_ =	swait.ge [sflag:s22], s20  }
0x9f: {  	s4 =	ssub.s32 $0x0, s20;
	[sflag:s22] =	ssyncset.done $0x0  }
0xa0: {  	[sflag:s22] =	ssyncadd.s32 s4;
	_ =	sdelay $0x1  }
0xa1: {  	s23 =	simm.s32 $0x1B8B  }
0xa2: {  	_ =	swait.ge [sflag:s23], $0x1  }
0xa3: {  	[sflag:s23] =	ssyncset.done $0x0  }
0xa4: {  	s25 =	simm.s32 $0x1B8E;
	s24 =	sld [smem:$0x3FFE];
	[sflag:s23] =	ssyncadd.s32 $0xFFFFFFFF  }
0xa5: {  	s26 =	simm.s32 $execute0_lowered;
	[smem:$0x3FD2] =	sst s25  }
0xa6: {  	s5 =	sshll.u32 s26, $0x1;
	_ =	strace $0x80000046;
	[dreg:$0x1] =	wrdreg $0xFFFFFFFF  }
0xa7: {  	s28 =	simm.s32 $_size_execute0_lowered;
	s3 =	sadd.s32 s3, s5;
	[dreg:$0x0] =	wrdreg $0x0  }
0xa8: {  	s5 =	sshll.u32 s28, $0x1;
	[dreg:$0x2] =	wrdreg s3  }
0xa9: {  	[dreg:$0x3] =	wrdreg s5  }
0xaa: {  	[dreg:$0x4] =	wrdreg $0xC0  }
0xab: {  	_ =	task [dreg:s7], $0x5FFFF  }
0xac: {  	[dreg:$0x1] =	wrdreg $0xFFFFFFFF  }
0xad: {  	[dreg:$0x0] =	wrdreg $0x60  }
0xae: {  	[dreg:$0x2] =	wrdreg s24  }
0xaf: {  	[dreg:$0x3] =	wrdreg s2  }
0xb0: {  	[dreg:$0x4] =	wrdreg $0x9  }
0xb1: {  	_ =	task.clear_ibuf [dreg:s7], $0x5FFFF;
	_ =	strace $0x90000046  }
0xb2: {  	s29 =	simm.s32 $0x9;
	_ =	strace $0x80000048  }
0xb3: {  	_ =	swait.ge [sflag:s29], $0x1  }
0xb4: {  	[sflag:s29] =	ssyncadd.s32 $0xFFFFFFFF  }
0xb5: {  	_ =	strace $0x90000048  }
0xb6: {  	_ =	sfence  }
0xb7: {  	s30 =	sld [smem:$0x0];
	_ =	sdelay $0x2  }
0xb8: {  	s31 =	sshll.u32 s1, $0xD;
	s1 =	sshrl.u32 s1, $0x2  }
0xb9: {  	s3 =	sand.u32 $0x4000, s31;
	s1 =	sadd.s32 s1, s30  }
0xba: {  	s0 =	sor.u32 s3, s0;
	s1 =	sshll.u32 s1, $0x11  }
0xbb: {  	s0 =	sor.u32 s1, s0  }
0xbc: {  	s0 =	sadd.s32 $0x8F2B, s0  }
0xbd: {  	[sflag:s0] =	ssyncadd.remote.s32 $0x1  }
0xbe: {  	_ =	sfence.sel $0xFFFF  }
0xbf: {  	[dreg:$0x0] =	wrdreg $0xFFFFFFFF;
	(pc) =	sbr.abs _section_cstart, $3  }
0xc0: {  	[dreg:$0x1] =	wrdreg $0xFFFFFFFF  }
0xc1: {  	_ =	task.clear_ibuf [dreg:s7], $0x2FFFF;
	_ =	strace $0x9FFFFFFF  }
0xc2: {  	(tm) =	ssettm $0x7FFFFFFF  }
0xc3: {  	_ =	shalt  }
tec
execute0_lowered:
.L_overlay_start_1:
0x0: {  	(tag) =	ssettag $0x1  }
0x1: {  	s5 =	rddreg [dreg:$0x0]  }
0x2: {  	s1 =	rddreg [dreg:$0x1]  }
0x3: {  	s0 =	rddreg [dreg:$0x2];
	s2 =	simm.s32 $0x0  }
0x4: {  	s3 =	srdreg.scid;
	s10 =	simm.s32 $0xC780;
	s11 =	simm.s32 $0x0  }
0x5: {  	[smem:$0x7FF] =	sst s2;
	s6 =	sand.u32 $0x1, s3;
	s3 =	stileid.u32  }
0x6: {  	s4 =	sadd.s32 $0x1C00, s5;
	s5 =	sadd.s32 $0x1AC00, s5;
	s7 =	ssub.s32 $0x2, s6  }
0x7: {  	_ =	strace $0x80000047;
	s9 =	sshll.u32 s3, $0x1;
	s8 =	sshrl.u32 s7, $0x1  }
0x8: {  	s6 =	sor.u32 s6, s9;
	s9 =	simm.s32 $0xC380;
	s7 =	ssub.s32 s7, s8  }
0x9: {  	s6 =	smul.u32 $0x6400, s6;
	s8 =	simm.s32 $0x1;
	s7 =	smax.u32 s7, $0x1  }
.LBB2_1:
0xa: {  	[tilespmem:s2], [sflag:$0x1] =	stream.linear.gather [hbm4b:s1+s2], $0xC380, $0x38;
	[tilespmem:$0xCB80] =	vst v63  }
0xb: {  	_ =	swait.ge [sflag:s8], $0xC380  }
0xc: {  	[sflag:s8] =	ssyncset.done $0x0  }
0xd: {  	s12 =	simm.s32 $0x0;
	[sflag:s8] =	ssyncadd.s32 $0xFFFF3C80  }
.LBB2_2:
0xe: {  	s13 =	sshll.u32 s12, $0xA  }
0xf: {  	s13 =	sadd.s32 s6, s13  }
0x10: {  	s13 =	sshrl.u32 s13, $0x3  }
0x11: {  	s15 =	simm.s32 $0x0;
	s14 =	sadd.s32 s4, s13  }
0x12: {  	[tilespmem:s9], [sflag:$0x1] =	stream.linear.gather [hbm4b:s14+s15], $0x400, $0x38;
	[tilespmem:$0xCB80] =	vst v63  }
0x13: {  	_ =	swait.ge [sflag:s8], $0x400  }
0x14: {  	[sflag:s8] =	ssyncset.done $0x0  }
0x15: {  	s14 =	simm.s32 $0x0;
	[sflag:s8] =	ssyncadd.s32 $0xFFFFFC00  }
0x16: {  	v0 =	vld [tilespmem:s14+$0xC380];
	_ =	sdelay $0x7  }
0x17: {  	s16 =	simm.s32 $0x80;
	s15 =	simm.s32 $0x10;
	v0 =	vld.idx.msk [tilespmem:v0+s2+$0x0], $0xffff  }
.LBB2_3:
0x18: {  	p0 =	sne.s32 s16, $0xFC0;
	v1 =	vld [tilespmem:s15+$0xC380];
	_ =	sdelay $0x3  }
.Ltmp0:
0x19: {  	(pc) =	sbr.rel @p0 .LBB2_3-.Ltmp0, $2  }
0x1a: {  	[tilespmem:s14+$0xC780] =	vst v0;
	s14 =	smov.u32 s15;
	_ =	sdelay $0x2  }
0x1b: {  	s15 =	sshra.s32 s16, $0x2;
	s16 =	sadd.s32 $0x40, s16;
	v0 =	vld.idx.msk [tilespmem:v1+s2+$0x0], $0xffff  }
0x1c: {  	v1 =	vld [tilespmem:s15+$0xC380];
	_ =	sdelay $0x6  }
0x1d: {  	[tilespmem:s14+$0xC780] =	vst v0  }
0x1e: {  	v0 =	vld.idx.msk [tilespmem:v1+s2+$0x0], $0xffff;
	_ =	sdelay $0x2  }
0x1f: {  	s12 =	sadd.s32 $0x1, s12  }
0x20: {  	p0 =	sne.s32 s12, $0x19  }
.Ltmp1:
0x21: {  	s13 =	sadd.s32 s5, s13;
	[tilespmem:s15+$0xC780] =	vst v0;
	(pc) =	sbr.rel @p0 .LBB2_2-.Ltmp1, $4  }
0x22: {  	[hbm4b:s13+s2] =	stream.linear.scatter [tilespmem:s10], [sflag:$0x1], $0x400, $0x38;
	[tilespmem:$0xCB80] =	vst v63  }
0x23: {  	_ =	swait.ge [sflag:s8], $0x400  }
0x24: {  	[sflag:s8] =	ssyncset.done $0x0  }
0x25: {  	[sflag:s8] =	ssyncadd.s32 $0xFFFFFC00  }
0x26: {  	s11 =	sadd.s32 $0x1, s11  }
0x27: {  	p0 =	sne.s32 s11, s7  }
.Ltmp2:
0x28: {  	_ = 	snop;
	(pc) =	sbr.rel @p0 .LBB2_1-.Ltmp2, $1  }
0x29: {  	_ =	sdelay $0x3  }
0x2a: {  	_ =	sfence.sel $0x180000  }
0x2b: {  	[bflag:$0x0] =	sbarrier.arrive $0xFFFF  }
0x2c: {  	p0 =	sne.s32 s3, $0x0;
	_ =	strace $0x90000047  }
0x2d: {  	s0 =	sadd.s32 @!p0 $0x100000, s0;
	[bflag:$0x2] =	sbarrier.arrive $0xFFFF  }
0x2e: {  	[sflag:s0] =	ssyncadd.tile.s32 @!p0 $0x1;
	_ =	shalt  }
.Lfunc_end2:
_tile_overlayer_lowered:
.L_overlay_start_2:
0x2f: {  	(tag) =	ssettag $0x2  }
0x30: {  	s0 =	rddreg [dreg:$0x0];
	s2 =	stileid.u32  }
0x31: {  	s1 =	rddreg [dreg:$0x1];
	p0 =	sne.s32 s2, $0x0  }
0x32: {  	s3 =	rddreg [dreg:$0x2];
	[bflag:$0x3] =	sbarrier.arrive $0xFFFF;
	s2 =	simm.s32 @!p0 $0x1C01  }
0x33: {  	[timem:s3], [sflag:s2] =	dma.local @!p0 [hbm:s0], s1  }
0x34: {  	s0 =	simm.s32 @!p0 $0x1  }
0x35: {  	_ =	swait.ge @!p0 [sflag:s0], s1  }
0x36: {  	s1 =	ssub.s32 @!p0 $0x0, s1;
	[sflag:s0] =	ssyncset.done @!p0 $0x0  }
0x37: {  	[sflag:s0] =	ssyncadd.s32 @!p0 s1  }
0x38: {  	[bflag:$0x3] =	sbarrier.arrive $0xFFFF  }
0x39: {  	_ =	shalt  }

</sc_bundles>
